<compile_context>
chip_gen: v7x
topology: tpu7x:2x2x1
jax: 0.10.2.dev20260603
libtpu: 0.0.44.dev20260713+nightly
codegen_flags: <defaults>
</compile_context>

<pallas_src>
import functools

import jax
import jax.numpy as jnp
from jax import lax
from jax.experimental import pallas as pl
from jax.experimental.pallas import tpu as pltpu
from jax.experimental.pallas import tpu_sc as plsc

N = 10000
D = 128
DH = D // 2
E = 320000
E2 = 2 * E
NC = 2
NS = 16
NW = NC * NS
EPW = E2 // NW
B = 80
NB = EPW // B
NZB = N // B

_mesh = plsc.VectorSubcoreMesh(core_axis_name="c", subcore_axis_name="s")


@functools.partial(
    pl.kernel,
    out_type=[jax.ShapeDtypeStruct((N,), jnp.float32),
              jax.ShapeDtypeStruct((N,), jnp.float32)],
    mesh=_mesh,
    scratch_types=[
        pltpu.VMEM((NB, B), jnp.int32),
        pltpu.VMEM((B,), jnp.float32),
        pltpu.VMEM((B,), jnp.float32),
        pltpu.VMEM_SHARED((N,), jnp.float32),
    ],
)
def _deg_kernel(dst_hbm, out0_hbm, out1_hbm, idx_v, ones_v, bnc_v, acc):
    cid = lax.axis_index("c")
    sid = lax.axis_index("s")
    wid = sid * NC + cid
    pltpu.sync_copy(dst_hbm.at[wid], idx_v)
    for c in range(B // 16):
        ones_v[pl.ds(c * 16, 16)] = jnp.ones((16,), jnp.float32)
        bnc_v[pl.ds(c * 16, 16)] = jnp.zeros((16,), jnp.float32)

    @pl.loop(sid, NZB, step=NS)
    def _(b):
        pltpu.sync_copy(bnc_v, acc.at[pl.ds(b * B, B)])

    plsc.subcore_barrier()

    @pl.loop(0, NB)
    def _(j):
        pltpu.sync_copy(ones_v, acc.at[idx_v.at[j]], add=True)

    plsc.subcore_barrier()

    @pl.loop(sid, NZB, step=NS)
    def _(b):
        pltpu.sync_copy(acc.at[pl.ds(b * B, B)], bnc_v)

        @pl.when(cid == 0)
        def _():
            pltpu.sync_copy(bnc_v, out0_hbm.at[pl.ds(b * B, B)])

        @pl.when(cid == 1)
        def _():
            pltpu.sync_copy(bnc_v, out1_hbm.at[pl.ds(b * B, B)])


@functools.partial(
    pl.kernel,
    out_type=[jax.ShapeDtypeStruct((NC, N, DH), jnp.float32),
              jax.ShapeDtypeStruct((NC, N, DH), jnp.float32)],
    mesh=_mesh,
    scratch_types=[
        pltpu.VMEM((NB, B), jnp.int32),
        pltpu.VMEM((NB, B), jnp.int32),
        pltpu.VMEM((B, DH), jnp.float32),
        pltpu.VMEM((B, DH), jnp.float32),
        pltpu.VMEM((B, DH), jnp.float32),
        pltpu.VMEM_SHARED((N, DH), jnp.float32),
        pltpu.SemaphoreType.DMA,
        pltpu.SemaphoreType.DMA,
    ],
    compiler_params=pltpu.CompilerParams(use_tc_tiling_on_sc=False),
)
def _agg_kernel(hlo_hbm, hhi_hbm, src_hbm, dst_hbm, outlo_hbm, outhi_hbm,
                src_v, dst_v, rows0, rows1, zbuf, acc, sem0, sem1):
    cid = lax.axis_index("c")
    sid = lax.axis_index("s")
    wid = sid * NC + cid
    pltpu.sync_copy(src_hbm.at[wid], src_v)
    pltpu.sync_copy(dst_hbm.at[wid], dst_v)

    @pl.loop(0, B)
    def _(r):
        for c in range(DH // 16):
            zbuf[r, pl.ds(c * 16, 16)] = jnp.zeros((16,), jnp.float32)

    @pl.loop(sid, NZB, step=NS)
    def _(b):
        pltpu.sync_copy(zbuf, acc.at[pl.ds(b * B, B)])

    plsc.subcore_barrier()

    for half in range(2):
        h_hbm = hlo_hbm if half == 0 else hhi_hbm
        out_hbm = outlo_hbm if half == 0 else outhi_hbm

        pltpu.async_copy(h_hbm.at[src_v.at[0]], rows0, sem0)

        @pl.loop(0, NB, step=2)
        def _(j):
            pltpu.make_async_copy(h_hbm.at[src_v.at[j]], rows0, sem0).wait()
            pltpu.async_copy(h_hbm.at[src_v.at[j + 1]], rows1, sem1)
            pltpu.sync_copy(rows0, acc.at[dst_v.at[j]], add=True)
            pltpu.make_async_copy(h_hbm.at[src_v.at[j + 1]], rows1, sem1).wait()

            @pl.when(j + 2 < NB)
            def _():
                pltpu.async_copy(h_hbm.at[src_v.at[j + 2]], rows0, sem0)

            pltpu.sync_copy(rows1, acc.at[dst_v.at[j + 1]], add=True)

        plsc.subcore_barrier()

        @pl.loop(sid, NZB, step=NS)
        def _(b):
            pltpu.sync_copy(acc.at[pl.ds(b * B, B)], rows0)
            pltpu.sync_copy(rows0, out_hbm.at[cid, pl.ds(b * B, B)])
            if half == 0:
                pltpu.sync_copy(zbuf, acc.at[pl.ds(b * B, B)])

        plsc.subcore_barrier()


RB = 400


def _dis_body(d0_ref, d1_ref, dis_ref):
    d = d0_ref[...] + d1_ref[...]
    dis_ref[...] = jnp.where(d > 0.0, 1.0 / jnp.sqrt(jnp.maximum(d, 1.0)), 0.0)


def _dis_tc(d0, d1):
    return pl.pallas_call(
        _dis_body,
        grid=(1,),
        in_specs=[pl.BlockSpec((1, N), lambda i: (0, 0)),
                  pl.BlockSpec((1, N), lambda i: (0, 0))],
        out_specs=pl.BlockSpec((1, N), lambda i: (0, 0)),
        out_shape=jax.ShapeDtypeStruct((1, N), jnp.float32),
    )(d0, d1)


def _mm_scale_body(x_ref, w_ref, dis_ref, olo_ref, ohi_ref):
    h = jnp.dot(x_ref[...], w_ref[...], preferred_element_type=jnp.float32)
    h = h * dis_ref[...]
    olo_ref[...] = h[:, :DH]
    ohi_ref[...] = h[:, DH:]


def _mm_scale_tc(x, W, dis):
    return pl.pallas_call(
        _mm_scale_body,
        grid=(N // RB,),
        in_specs=[
            pl.BlockSpec((RB, D), lambda i: (i, 0)),
            pl.BlockSpec((D, D), lambda i: (0, 0)),
            pl.BlockSpec((RB, 1), lambda i: (i, 0)),
        ],
        out_specs=[pl.BlockSpec((RB, DH), lambda i: (i, 0)),
                   pl.BlockSpec((RB, DH), lambda i: (i, 0))],
        out_shape=[jax.ShapeDtypeStruct((N, DH), jnp.float32),
                   jax.ShapeDtypeStruct((N, DH), jnp.float32)],
    )(x, W, dis)


def _mid_body(p0l_ref, p1l_ref, p0h_ref, p1h_ref, dis_ref, b1_ref, g_ref,
              be_ref, w2_ref, olo_ref, ohi_ref):
    dis = dis_ref[...]
    t = jnp.concatenate([p0l_ref[...] + p1l_ref[...],
                         p0h_ref[...] + p1h_ref[...]], axis=1)
    t = t * dis + b1_ref[...]
    mu = jnp.mean(t, axis=1, keepdims=True)
    var = jnp.mean((t - mu) ** 2, axis=1, keepdims=True)
    t = (t - mu) / jnp.sqrt(var + 1e-5) * g_ref[...] + be_ref[...]
    h = jnp.maximum(t, 0.0)
    h = jnp.dot(h, w2_ref[...], preferred_element_type=jnp.float32) * dis
    olo_ref[...] = h[:, :DH]
    ohi_ref[...] = h[:, DH:]


def _mid_tc(p0l, p1l, p0h, p1h, dis, b1, g, be, W2):
    half_spec = pl.BlockSpec((RB, DH), lambda i: (i, 0))
    row_spec = pl.BlockSpec((1, D), lambda i: (0, 0))
    return pl.pallas_call(
        _mid_body,
        grid=(N // RB,),
        in_specs=[
            half_spec, half_spec, half_spec, half_spec,
            pl.BlockSpec((RB, 1), lambda i: (i, 0)),
            row_spec, row_spec, row_spec,
            pl.BlockSpec((D, D), lambda i: (0, 0)),
        ],
        out_specs=[half_spec, half_spec],
        out_shape=[jax.ShapeDtypeStruct((N, DH), jnp.float32),
                   jax.ShapeDtypeStruct((N, DH), jnp.float32)],
    )(p0l, p1l, p0h, p1h, dis, b1, g, be, W2)


def _final_body(q0l_ref, q1l_ref, q0h_ref, q1h_ref, dis_ref, b2_ref, o_ref):
    t = jnp.concatenate([q0l_ref[...] + q1l_ref[...],
                         q0h_ref[...] + q1h_ref[...]], axis=1)
    o_ref[...] = t * dis_ref[...] + b2_ref[...]


def _final_tc(q0l, q1l, q0h, q1h, dis, b2):
    half_spec = pl.BlockSpec((RB, DH), lambda i: (i, 0))
    return pl.pallas_call(
        _final_body,
        grid=(N // RB,),
        in_specs=[
            half_spec, half_spec, half_spec, half_spec,
            pl.BlockSpec((RB, 1), lambda i: (i, 0)),
            pl.BlockSpec((1, D), lambda i: (0, 0)),
        ],
        out_specs=pl.BlockSpec((RB, D), lambda i: (i, 0)),
        out_shape=jax.ShapeDtypeStruct((N, D), jnp.float32),
    )(q0l, q1l, q0h, q1h, dis, b2)


def kernel(x, edge_index, W1, b1, ln_gamma, ln_beta, W2, b2):
    ei = edge_index.astype(jnp.int32)
    src0, dst0 = ei[0], ei[1]
    src_all = jnp.concatenate([src0, dst0]).reshape(NW, NB, B)
    dst_all = jnp.concatenate([dst0, src0]).reshape(NW, NB, B)

    d0, d1 = _deg_kernel(dst_all)
    dis = _dis_tc(d0.reshape(1, N), d1.reshape(1, N)).reshape(N, 1)

    h1l, h1h = _mm_scale_tc(x, W1, dis)
    pl_, ph = _agg_kernel(h1l, h1h, src_all, dst_all)
    h2l, h2h = _mid_tc(pl_[0], pl_[1], ph[0], ph[1], dis, b1.reshape(1, D),
                       ln_gamma.reshape(1, D), ln_beta.reshape(1, D), W2)
    ql, qh = _agg_kernel(h2l, h2h, src_all, dst_all)
    return _final_tc(ql[0], ql[1], qh[0], qh[1], dis, b2.reshape(1, D))

# --- scband reference (transcript-rebuilt; emitter-appended) ---
"""Pipeline reference for scband-base-gnnencoder-20744692040039 (READ-ONLY COPY).

The authoritative reference and input builder live on the scoring server;
editing this copy changes nothing except your own understanding.
"""

import jax, jax.numpy as jnp
import numpy as np

N = 10000
E = 320000
D_IN = 128
D_HID = 128
D_OUT = 128


def setup_inputs(seed: int = 0) -> dict:
    key = jax.random.key(seed)
    ks = jax.random.split(key, 8)
    x = jax.random.normal(ks[0], (N, D_IN), dtype=jnp.float32)
    edge_index = jax.random.randint(ks[1], (2, E), 0, N, dtype=jnp.int64)
    W1 = jax.random.normal(ks[2], (D_IN, D_HID), dtype=jnp.float32) * (1.0 / np.sqrt(D_IN))
    b1 = jnp.zeros((D_HID,), dtype=jnp.float32)
    ln_gamma = jnp.ones((D_HID,), dtype=jnp.float32)
    ln_beta = jnp.zeros((D_HID,), dtype=jnp.float32)
    W2 = jax.random.normal(ks[3], (D_HID, D_OUT), dtype=jnp.float32) * (1.0 / np.sqrt(D_HID))
    b2 = jnp.zeros((D_OUT,), dtype=jnp.float32)
    return {"x": x, "edge_index": edge_index, "W1": W1, "b1": b1,
            "ln_gamma": ln_gamma, "ln_beta": ln_beta, "W2": W2, "b2": b2}


def _gcn_conv(x, src, dst, W, b):
    # GCNConv: symmetric-normalized aggregation, x' = D^{-1/2} A D^{-1/2} (X W) + b
    h = x @ W
    deg = jnp.zeros((h.shape[0],), dtype=h.dtype).at[dst].add(1.0)
    deg_inv_sqrt = jnp.where(deg > 0, 1.0 / jnp.sqrt(jnp.maximum(deg, 1.0)), 0.0)
    norm = deg_inv_sqrt[src] * deg_inv_sqrt[dst]
    msg = h[src] * norm[:, None]
    out = jnp.zeros_like(h).at[dst].add(msg)
    return out + b


def _layer_norm(x, gamma, beta, eps=1e-5):
    mu = jnp.mean(x, axis=-1, keepdims=True)
    var = jnp.mean((x - mu) ** 2, axis=-1, keepdims=True)
    return (x - mu) / jnp.sqrt(var + eps) * gamma + beta


def reference(x, edge_index, W1, b1, ln_gamma, ln_beta, W2, b2):
    # make_symmetrical: to_undirected -> add reversed edges (shape-static variant)
    ei = jnp.concatenate([edge_index, edge_index[::-1]], axis=1)
    src, dst = ei[0], ei[1]
    # layer 0: conv -> layer_norm -> ReLU (dropout is no-op in eval)
    h = _gcn_conv(x, src, dst, W1, b1)
    h = _layer_norm(h, ln_gamma, ln_beta)
    h = jax.nn.relu(h)
    # layer 1 (last): conv only
    out = _gcn_conv(h, src, dst, W2, b2)
    return out

if __name__ == "__main__":
    import jax
    _d = setup_inputs()
    print(jax.jit(kernel)(*tuple(_d.values())))

</pallas_src>

<mosaic_0001>
#map = affine_map<(d0, d1) -> (0, 0)>
#map1 = affine_map<(d0, d1) -> (0, 0, 0)>
module attributes {stable_mosaic.version = 14 : i64} {
  func.func @_agg_kernel(%arg0: i32, %arg1: i32, %arg2: memref<10000x64xf32, #tpu.memory_space<hbm>>, %arg3: memref<10000x64xf32, #tpu.memory_space<hbm>>, %arg4: memref<32x250x80xi32, #tpu.memory_space<hbm>>, %arg5: memref<32x250x80xi32, #tpu.memory_space<hbm>>, %arg6: memref<2x10000x64xf32, #tpu.memory_space<hbm>>, %arg7: memref<2x10000x64xf32, #tpu.memory_space<hbm>>, %arg8: memref<250x80xi32, #tpu.memory_space<vmem>>, %arg9: memref<250x80xi32, #tpu.memory_space<vmem>>, %arg10: memref<80x64xf32, #tpu.memory_space<vmem>>, %arg11: memref<80x64xf32, #tpu.memory_space<vmem>>, %arg12: memref<80x64xf32, #tpu.memory_space<vmem>>, %arg13: memref<10000x64xf32, #tpu.memory_space<vmem_shared>>, %arg14: memref<!tpu.dma_semaphore, #tpu.memory_space<semaphore_mem>>, %arg15: memref<!tpu.dma_semaphore, #tpu.memory_space<semaphore_mem>>) attributes {dimension_semantics = [#tpu.dimension_semantics<core_parallel>, #tpu.dimension_semantics<subcore_parallel>], iteration_bounds = array<i64: 2, 16>, scalar_prefetch = 0 : i64, scratch_operands = 8 : i64, tpu.core_type = #tpu.core_type<sc_vector_subcore>, window_params = [{transform_indices = #map}, {transform_indices = #map}, {transform_indices = #map1}, {transform_indices = #map1}, {transform_indices = #map1}, {transform_indices = #map1}]} {
    %mul3A = arith.constant 2 : i32
    %mul3A_0 = arith.muli %arg1, %mul3A : i32
    %add3A = arith.addi %mul3A_0, %arg0 : i32
    "tpu.region"() ({
      %run_scoped3A = tpu.sem_alloc : memref<!tpu.dma_semaphore, #tpu.memory_space<semaphore_mem>>
      %dma_start3A_83 = arith.constant 0 : i32
      %dma_start3A_84 = arith.constant 0 : i32
      %dma_start3A_85 = tpu.memref_slice %arg4[%add3A, %dma_start3A_83, %dma_start3A_84] : memref<32x250x80xi32, #tpu.memory_space<hbm>> -> memref<1x250x80xi32, #tpu.memory_space<hbm>>
      %dma_start3A_86 = tpu.memref_squeeze %dma_start3A_85 : memref<1x250x80xi32, #tpu.memory_space<hbm>> -> memref<250x80xi32, #tpu.memory_space<hbm>>
      %dma_start3A_87 = arith.constant 0 : i32
      %dma_start3A_88 = arith.constant 0 : i32
      %dma_start3A_89 = tpu.memref_slice %arg4[%add3A, %dma_start3A_87, %dma_start3A_88] : memref<32x250x80xi32, #tpu.memory_space<hbm>> -> memref<1x250x80xi32, #tpu.memory_space<hbm>>
      %dma_start3A_90 = tpu.memref_squeeze %dma_start3A_89 : memref<1x250x80xi32, #tpu.memory_space<hbm>> -> memref<250x80xi32, #tpu.memory_space<hbm>>
      tpu.enqueue_dma source(%dma_start3A_90 : memref<250x80xi32, #tpu.memory_space<hbm>>) target(%arg8 : memref<250x80xi32, #tpu.memory_space<vmem>>) target_semaphore(%run_scoped3A : memref<!tpu.dma_semaphore, #tpu.memory_space<semaphore_mem>>)
      %dma_wait3A = arith.constant 0 : i32
      %dma_wait3A_91 = arith.constant 0 : i32
      %dma_wait3A_92 = tpu.memref_slice %arg4[%add3A, %dma_wait3A, %dma_wait3A_91] : memref<32x250x80xi32, #tpu.memory_space<hbm>> -> memref<1x250x80xi32, #tpu.memory_space<hbm>>
      %dma_wait3A_93 = tpu.memref_squeeze %dma_wait3A_92 : memref<1x250x80xi32, #tpu.memory_space<hbm>> -> memref<250x80xi32, #tpu.memory_space<hbm>>
      %dma_wait3A_94 = arith.constant 0 : i32
      %dma_wait3A_95 = arith.constant 0 : i32
      %dma_wait3A_96 = tpu.memref_slice %arg4[%add3A, %dma_wait3A_94, %dma_wait3A_95] : memref<32x250x80xi32, #tpu.memory_space<hbm>> -> memref<1x250x80xi32, #tpu.memory_space<hbm>>
      %dma_wait3A_97 = tpu.memref_squeeze %dma_wait3A_96 : memref<1x250x80xi32, #tpu.memory_space<hbm>> -> memref<250x80xi32, #tpu.memory_space<hbm>>
      tpu.wait_dma2 semaphore(%run_scoped3A : memref<!tpu.dma_semaphore, #tpu.memory_space<semaphore_mem>>) src(%dma_wait3A_97 : memref<250x80xi32, #tpu.memory_space<hbm>>) dst(%arg8 : memref<250x80xi32, #tpu.memory_space<vmem>>)
      tpu.yield
    }) : () -> ()
    "tpu.region"() ({
      %run_scoped3A = tpu.sem_alloc : memref<!tpu.dma_semaphore, #tpu.memory_space<semaphore_mem>>
      %dma_start3A_83 = arith.constant 0 : i32
      %dma_start3A_84 = arith.constant 0 : i32
      %dma_start3A_85 = tpu.memref_slice %arg5[%add3A, %dma_start3A_83, %dma_start3A_84] : memref<32x250x80xi32, #tpu.memory_space<hbm>> -> memref<1x250x80xi32, #tpu.memory_space<hbm>>
      %dma_start3A_86 = tpu.memref_squeeze %dma_start3A_85 : memref<1x250x80xi32, #tpu.memory_space<hbm>> -> memref<250x80xi32, #tpu.memory_space<hbm>>
      %dma_start3A_87 = arith.constant 0 : i32
      %dma_start3A_88 = arith.constant 0 : i32
      %dma_start3A_89 = tpu.memref_slice %arg5[%add3A, %dma_start3A_87, %dma_start3A_88] : memref<32x250x80xi32, #tpu.memory_space<hbm>> -> memref<1x250x80xi32, #tpu.memory_space<hbm>>
      %dma_start3A_90 = tpu.memref_squeeze %dma_start3A_89 : memref<1x250x80xi32, #tpu.memory_space<hbm>> -> memref<250x80xi32, #tpu.memory_space<hbm>>
      tpu.enqueue_dma source(%dma_start3A_90 : memref<250x80xi32, #tpu.memory_space<hbm>>) target(%arg9 : memref<250x80xi32, #tpu.memory_space<vmem>>) target_semaphore(%run_scoped3A : memref<!tpu.dma_semaphore, #tpu.memory_space<semaphore_mem>>)
      %dma_wait3A = arith.constant 0 : i32
      %dma_wait3A_91 = arith.constant 0 : i32
      %dma_wait3A_92 = tpu.memref_slice %arg5[%add3A, %dma_wait3A, %dma_wait3A_91] : memref<32x250x80xi32, #tpu.memory_space<hbm>> -> memref<1x250x80xi32, #tpu.memory_space<hbm>>
      %dma_wait3A_93 = tpu.memref_squeeze %dma_wait3A_92 : memref<1x250x80xi32, #tpu.memory_space<hbm>> -> memref<250x80xi32, #tpu.memory_space<hbm>>
      %dma_wait3A_94 = arith.constant 0 : i32
      %dma_wait3A_95 = arith.constant 0 : i32
      %dma_wait3A_96 = tpu.memref_slice %arg5[%add3A, %dma_wait3A_94, %dma_wait3A_95] : memref<32x250x80xi32, #tpu.memory_space<hbm>> -> memref<1x250x80xi32, #tpu.memory_space<hbm>>
      %dma_wait3A_97 = tpu.memref_squeeze %dma_wait3A_96 : memref<1x250x80xi32, #tpu.memory_space<hbm>> -> memref<250x80xi32, #tpu.memory_space<hbm>>
      tpu.wait_dma2 semaphore(%run_scoped3A : memref<!tpu.dma_semaphore, #tpu.memory_space<semaphore_mem>>) src(%dma_wait3A_97 : memref<250x80xi32, #tpu.memory_space<hbm>>) dst(%arg9 : memref<250x80xi32, #tpu.memory_space<vmem>>)
      tpu.yield
    }) : () -> ()
    %scan3A = arith.constant 0 : i32
    %scan3A_1 = arith.constant 80 : i32
    %scan3A_2 = arith.addi %scan3A, %scan3A_1 : i32
    %scan3A_3 = arith.constant 1 : i32
    scf.for %scan3A_83 = %scan3A to %scan3A_2 step %scan3A_3  : i32 {
      %mul3A_84 = arith.constant 1 : i32
      %mul3A_85 = arith.muli %scan3A_83, %mul3A_84 : i32
      %add3A_86 = arith.constant 0 : i32
      %add3A_87 = arith.addi %add3A_86, %mul3A_85 : i32
      %broadcast_in_dim3A = arith.constant 0.000000e+00 : f32
      %broadcast_in_dim3A_88 = vector.broadcast %broadcast_in_dim3A : f32 to vector<16xf32>
      %swap3A = arith.index_cast %add3A_87 : i32 to index
      %swap3A_89 = arith.constant 0 : index
      %swap3A_90 = tpu.vector_load %arg12[%swap3A, %swap3A_89] {strides = array<i32>} : memref<80x64xf32, #tpu.memory_space<vmem>>, vector<1x16xf32>,
      %swap3A_91 = vector.shape_cast %swap3A_90 : vector<1x16xf32> to vector<16xf32>
      %swap3A_92 = vector.shape_cast %broadcast_in_dim3A_88 : vector<16xf32> to vector<1x16xf32>
      tpu.vector_store %arg12[%swap3A, %swap3A_89], %swap3A_92 {strides = array<i32>} : memref<80x64xf32, #tpu.memory_space<vmem>>, vector<1x16xf32>,
      %broadcast_in_dim3A_93 = arith.constant 0.000000e+00 : f32
      %broadcast_in_dim3A_94 = vector.broadcast %broadcast_in_dim3A_93 : f32 to vector<16xf32>
      %swap3A_95 = arith.index_cast %add3A_87 : i32 to index
      %swap3A_96 = arith.constant 16 : index
      %swap3A_97 = tpu.vector_load %arg12[%swap3A_95, %swap3A_96] {strides = array<i32>} : memref<80x64xf32, #tpu.memory_space<vmem>>, vector<1x16xf32>,
      %swap3A_98 = vector.shape_cast %swap3A_97 : vector<1x16xf32> to vector<16xf32>
      %swap3A_99 = vector.shape_cast %broadcast_in_dim3A_94 : vector<16xf32> to vector<1x16xf32>
      tpu.vector_store %arg12[%swap3A_95, %swap3A_96], %swap3A_99 {strides = array<i32>} : memref<80x64xf32, #tpu.memory_space<vmem>>, vector<1x16xf32>,
      %broadcast_in_dim3A_100 = arith.constant 0.000000e+00 : f32
      %broadcast_in_dim3A_101 = vector.broadcast %broadcast_in_dim3A_100 : f32 to vector<16xf32>
      %swap3A_102 = arith.index_cast %add3A_87 : i32 to index
      %swap3A_103 = arith.constant 32 : index
      %swap3A_104 = tpu.vector_load %arg12[%swap3A_102, %swap3A_103] {strides = array<i32>} : memref<80x64xf32, #tpu.memory_space<vmem>>, vector<1x16xf32>,
      %swap3A_105 = vector.shape_cast %swap3A_104 : vector<1x16xf32> to vector<16xf32>
      %swap3A_106 = vector.shape_cast %broadcast_in_dim3A_101 : vector<16xf32> to vector<1x16xf32>
      tpu.vector_store %arg12[%swap3A_102, %swap3A_103], %swap3A_106 {strides = array<i32>} : memref<80x64xf32, #tpu.memory_space<vmem>>, vector<1x16xf32>,
      %broadcast_in_dim3A_107 = arith.constant 0.000000e+00 : f32
      %broadcast_in_dim3A_108 = vector.broadcast %broadcast_in_dim3A_107 : f32 to vector<16xf32>
      %swap3A_109 = arith.index_cast %add3A_87 : i32 to index
      %swap3A_110 = arith.constant 48 : index
      %swap3A_111 = tpu.vector_load %arg12[%swap3A_109, %swap3A_110] {strides = array<i32>} : memref<80x64xf32, #tpu.memory_space<vmem>>, vector<1x16xf32>,
      %swap3A_112 = vector.shape_cast %swap3A_111 : vector<1x16xf32> to vector<16xf32>
      %swap3A_113 = vector.shape_cast %broadcast_in_dim3A_108 : vector<16xf32> to vector<1x16xf32>
      tpu.vector_store %arg12[%swap3A_109, %swap3A_110], %swap3A_113 {strides = array<i32>} : memref<80x64xf32, #tpu.memory_space<vmem>>, vector<1x16xf32>,
    }
    %scan3A_4 = arith.constant 80 : i32
    %sub3A = arith.constant 125 : i32
    %sub3A_5 = arith.subi %sub3A, %arg1 : i32
    %sub3A_6 = arith.constant 16 : i32
    %sub3A_7 = arith.constant 1 : i32
    %sub3A_8 = arith.subi %sub3A_6, %sub3A_7 : i32
    %add3A_9 = arith.addi %sub3A_5, %sub3A_8 : i32
    %div3A = arith.constant 16 : i32
    %div3A_10 = arith.divsi %add3A_9, %div3A : i32
    %while3A = arith.constant 16 : i32
    %while3A_11 = arith.constant 0 : i32
    %while3A_12 = arith.subi %div3A_10, %while3A_11 : i32
    %while3A_13 = arith.addi %while3A_11, %while3A_12 : i32
    %while3A_14 = arith.constant 1 : i32
    %while3A_15 = arith.divsi %while3A_12, %while3A_14 : i32
    %while3A_16 = arith.muli %while3A_15, %while3A_14 : i32
    %while3A_17 = arith.addi %while3A_11, %while3A_16 : i32
    %while3A_18 = arith.constant 1 : i32
    scf.for %while3A_83 = %while3A_11 to %while3A_17 step %while3A_18  : i32 {
      %mul3A_84 = arith.muli %while3A_83, %while3A : i32
      %add3A_85 = arith.addi %arg1, %mul3A_84 : i32
      %mul3A_86 = arith.constant 80 : i32
      %mul3A_87 = arith.muli %add3A_85, %mul3A_86 : i32
      "tpu.region"() ({
        %run_scoped3A = tpu.sem_alloc : memref<!tpu.dma_semaphore, #tpu.memory_space<semaphore_mem>>
        %dma_start3A_88 = arith.constant 0 : i32
        %dma_start3A_89 = tpu.memref_slice %arg13[%mul3A_87, %dma_start3A_88] : memref<10000x64xf32, #tpu.memory_space<vmem_shared>> -> memref<80x64xf32, #tpu.memory_space<vmem_shared>>
        %dma_start3A_90 = arith.constant 0 : i32
        %dma_start3A_91 = tpu.memref_slice %arg13[%mul3A_87, %dma_start3A_90] : memref<10000x64xf32, #tpu.memory_space<vmem_shared>> -> memref<80x64xf32, #tpu.memory_space<vmem_shared>>
        tpu.enqueue_dma source(%arg12 : memref<80x64xf32, #tpu.memory_space<vmem>>) target(%dma_start3A_91 : memref<80x64xf32, #tpu.memory_space<vmem_shared>>) target_semaphore(%run_scoped3A : memref<!tpu.dma_semaphore, #tpu.memory_space<semaphore_mem>>)
        %dma_wait3A = arith.constant 0 : i32
        %dma_wait3A_92 = tpu.memref_slice %arg13[%mul3A_87, %dma_wait3A] : memref<10000x64xf32, #tpu.memory_space<vmem_shared>> -> memref<80x64xf32, #tpu.memory_space<vmem_shared>>
        %dma_wait3A_93 = arith.constant 0 : i32
        %dma_wait3A_94 = tpu.memref_slice %arg13[%mul3A_87, %dma_wait3A_93] : memref<10000x64xf32, #tpu.memory_space<vmem_shared>> -> memref<80x64xf32, #tpu.memory_space<vmem_shared>>
        tpu.wait_dma2 semaphore(%run_scoped3A : memref<!tpu.dma_semaphore, #tpu.memory_space<semaphore_mem>>) src(%arg12 : memref<80x64xf32, #tpu.memory_space<vmem>>) dst(%dma_wait3A_94 : memref<80x64xf32, #tpu.memory_space<vmem_shared>>)
        tpu.yield
      }) : () -> ()
    }
    %while3A_19 = arith.constant 1 : i32
    scf.for %while3A_83 = %while3A_17 to %while3A_13 step %while3A_19  : i32 {
      %mul3A_84 = arith.muli %while3A_83, %while3A : i32
      %add3A_85 = arith.addi %arg1, %mul3A_84 : i32
      %mul3A_86 = arith.constant 80 : i32
      %mul3A_87 = arith.muli %add3A_85, %mul3A_86 : i32
      "tpu.region"() ({
        %run_scoped3A = tpu.sem_alloc : memref<!tpu.dma_semaphore, #tpu.memory_space<semaphore_mem>>
        %dma_start3A_88 = arith.constant 0 : i32
        %dma_start3A_89 = tpu.memref_slice %arg13[%mul3A_87, %dma_start3A_88] : memref<10000x64xf32, #tpu.memory_space<vmem_shared>> -> memref<80x64xf32, #tpu.memory_space<vmem_shared>>
        %dma_start3A_90 = arith.constant 0 : i32
        %dma_start3A_91 = tpu.memref_slice %arg13[%mul3A_87, %dma_start3A_90] : memref<10000x64xf32, #tpu.memory_space<vmem_shared>> -> memref<80x64xf32, #tpu.memory_space<vmem_shared>>
        tpu.enqueue_dma source(%arg12 : memref<80x64xf32, #tpu.memory_space<vmem>>) target(%dma_start3A_91 : memref<80x64xf32, #tpu.memory_space<vmem_shared>>) target_semaphore(%run_scoped3A : memref<!tpu.dma_semaphore, #tpu.memory_space<semaphore_mem>>)
        %dma_wait3A = arith.constant 0 : i32
        %dma_wait3A_92 = tpu.memref_slice %arg13[%mul3A_87, %dma_wait3A] : memref<10000x64xf32, #tpu.memory_space<vmem_shared>> -> memref<80x64xf32, #tpu.memory_space<vmem_shared>>
        %dma_wait3A_93 = arith.constant 0 : i32
        %dma_wait3A_94 = tpu.memref_slice %arg13[%mul3A_87, %dma_wait3A_93] : memref<10000x64xf32, #tpu.memory_space<vmem_shared>> -> memref<80x64xf32, #tpu.memory_space<vmem_shared>>
        tpu.wait_dma2 semaphore(%run_scoped3A : memref<!tpu.dma_semaphore, #tpu.memory_space<semaphore_mem>>) src(%arg12 : memref<80x64xf32, #tpu.memory_space<vmem>>) dst(%dma_wait3A_94 : memref<80x64xf32, #tpu.memory_space<vmem_shared>>)
        tpu.yield
      }) : () -> ()
    }
    %barrier3A = arith.constant 0 : index
    tpu.barrier barrier_id(%barrier3A)
    %dma_start3A = arith.constant 0 : i32
    %dma_start3A_20 = arith.constant 0 : i32
    %dma_start3A_21 = tpu.memref_slice %arg8[%dma_start3A, %dma_start3A_20] : memref<250x80xi32, #tpu.memory_space<vmem>> -> memref<1x80xi32, #tpu.memory_space<vmem>>
    %dma_start3A_22 = tpu.memref_squeeze %dma_start3A_21 : memref<1x80xi32, #tpu.memory_space<vmem>> -> memref<80xi32, #tpu.memory_space<vmem>>
    %dma_start3A_23 = arith.constant 0 : i32
    %dma_start3A_24 = arith.constant 0 : i32
    %dma_start3A_25 = tpu.memref_slice %arg2[%dma_start3A_23, %dma_start3A_24] : memref<10000x64xf32, #tpu.memory_space<hbm>> -> memref<10000x64xf32, #tpu.memory_space<hbm>>
    tpu.enqueue_indirect_dma source(%dma_start3A_25 : memref<10000x64xf32, #tpu.memory_space<hbm>>) target(%arg10 : memref<80x64xf32, #tpu.memory_space<vmem>>) offsets(%dma_start3A_22 : memref<80xi32, #tpu.memory_space<vmem>>) semaphore(%arg14 : memref<!tpu.dma_semaphore, #tpu.memory_space<semaphore_mem>>)
    %scan3A_26 = arith.constant 0 : i32
    %scan3A_27 = arith.constant 125 : i32
    %scan3A_28 = arith.addi %scan3A_26, %scan3A_27 : i32
    %scan3A_29 = arith.constant 1 : i32
    scf.for %scan3A_83 = %scan3A_26 to %scan3A_28 step %scan3A_29  : i32 {
      %mul3A_84 = arith.constant 2 : i32
      %mul3A_85 = arith.muli %scan3A_83, %mul3A_84 : i32
      %add3A_86 = arith.constant 0 : i32
      %add3A_87 = arith.addi %add3A_86, %mul3A_85 : i32
      %dma_wait3A = arith.constant 0 : i32
      %dma_wait3A_88 = tpu.memref_slice %arg8[%add3A_87, %dma_wait3A] : memref<250x80xi32, #tpu.memory_space<vmem>> -> memref<1x80xi32, #tpu.memory_space<vmem>>
      %dma_wait3A_89 = tpu.memref_squeeze %dma_wait3A_88 : memref<1x80xi32, #tpu.memory_space<vmem>> -> memref<80xi32, #tpu.memory_space<vmem>>
      %dma_wait3A_90 = arith.constant 0 : i32
      %dma_wait3A_91 = arith.constant 0 : i32
      %dma_wait3A_92 = tpu.memref_slice %arg2[%dma_wait3A_90, %dma_wait3A_91] : memref<10000x64xf32, #tpu.memory_space<hbm>> -> memref<10000x64xf32, #tpu.memory_space<hbm>>
      tpu.wait_indirect_dma semaphore(%arg14 : memref<!tpu.dma_semaphore, #tpu.memory_space<semaphore_mem>>) src(%dma_wait3A_92 : memref<10000x64xf32, #tpu.memory_space<hbm>>) dst(%arg10 : memref<80x64xf32, #tpu.memory_space<vmem>>)
      %add3A_93 = arith.constant 1 : i32
      %add3A_94 = arith.addi %add3A_87, %add3A_93 : i32
      %dma_start3A_95 = arith.constant 0 : i32
      %dma_start3A_96 = tpu.memref_slice %arg8[%add3A_94, %dma_start3A_95] : memref<250x80xi32, #tpu.memory_space<vmem>> -> memref<1x80xi32, #tpu.memory_space<vmem>>
      %dma_start3A_97 = tpu.memref_squeeze %dma_start3A_96 : memref<1x80xi32, #tpu.memory_space<vmem>> -> memref<80xi32, #tpu.memory_space<vmem>>
      %dma_start3A_98 = arith.constant 0 : i32
      %dma_start3A_99 = arith.constant 0 : i32
      %dma_start3A_100 = tpu.memref_slice %arg2[%dma_start3A_98, %dma_start3A_99] : memref<10000x64xf32, #tpu.memory_space<hbm>> -> memref<10000x64xf32, #tpu.memory_space<hbm>>
      tpu.enqueue_indirect_dma source(%dma_start3A_100 : memref<10000x64xf32, #tpu.memory_space<hbm>>) target(%arg11 : memref<80x64xf32, #tpu.memory_space<vmem>>) offsets(%dma_start3A_97 : memref<80xi32, #tpu.memory_space<vmem>>) semaphore(%arg15 : memref<!tpu.dma_semaphore, #tpu.memory_space<semaphore_mem>>)
      "tpu.region"() ({
        %run_scoped3A = tpu.sem_alloc : memref<!tpu.dma_semaphore, #tpu.memory_space<semaphore_mem>>
        %dma_start3A_115 = arith.constant 0 : i32
        %dma_start3A_116 = tpu.memref_slice %arg9[%add3A_87, %dma_start3A_115] : memref<250x80xi32, #tpu.memory_space<vmem>> -> memref<1x80xi32, #tpu.memory_space<vmem>>
        %dma_start3A_117 = tpu.memref_squeeze %dma_start3A_116 : memref<1x80xi32, #tpu.memory_space<vmem>> -> memref<80xi32, #tpu.memory_space<vmem>>
        %dma_start3A_118 = arith.constant 0 : i32
        %dma_start3A_119 = arith.constant 0 : i32
        %dma_start3A_120 = tpu.memref_slice %arg13[%dma_start3A_118, %dma_start3A_119] : memref<10000x64xf32, #tpu.memory_space<vmem_shared>> -> memref<10000x64xf32, #tpu.memory_space<vmem_shared>>
        tpu.enqueue_indirect_dma source(%arg10 : memref<80x64xf32, #tpu.memory_space<vmem>>) target(%dma_start3A_120 : memref<10000x64xf32, #tpu.memory_space<vmem_shared>>) offsets(%dma_start3A_117 : memref<80xi32, #tpu.memory_space<vmem>>) semaphore(%run_scoped3A : memref<!tpu.dma_semaphore, #tpu.memory_space<semaphore_mem>>) {add = true}
        %dma_wait3A_121 = arith.constant 0 : i32
        %dma_wait3A_122 = tpu.memref_slice %arg9[%add3A_87, %dma_wait3A_121] : memref<250x80xi32, #tpu.memory_space<vmem>> -> memref<1x80xi32, #tpu.memory_space<vmem>>
        %dma_wait3A_123 = tpu.memref_squeeze %dma_wait3A_122 : memref<1x80xi32, #tpu.memory_space<vmem>> -> memref<80xi32, #tpu.memory_space<vmem>>
        %dma_wait3A_124 = arith.constant 0 : i32
        %dma_wait3A_125 = arith.constant 0 : i32
        %dma_wait3A_126 = tpu.memref_slice %arg13[%dma_wait3A_124, %dma_wait3A_125] : memref<10000x64xf32, #tpu.memory_space<vmem_shared>> -> memref<10000x64xf32, #tpu.memory_space<vmem_shared>>
        tpu.wait_indirect_dma semaphore(%run_scoped3A : memref<!tpu.dma_semaphore, #tpu.memory_space<semaphore_mem>>) src(%arg10 : memref<80x64xf32, #tpu.memory_space<vmem>>) dst(%dma_wait3A_126 : memref<10000x64xf32, #tpu.memory_space<vmem_shared>>)
        tpu.yield
      }) : () -> ()
      %add3A_101 = arith.constant 1 : i32
      %add3A_102 = arith.addi %add3A_87, %add3A_101 : i32
      %dma_wait3A_103 = arith.constant 0 : i32
      %dma_wait3A_104 = tpu.memref_slice %arg8[%add3A_102, %dma_wait3A_103] : memref<250x80xi32, #tpu.memory_space<vmem>> -> memref<1x80xi32, #tpu.memory_space<vmem>>
      %dma_wait3A_105 = tpu.memref_squeeze %dma_wait3A_104 : memref<1x80xi32, #tpu.memory_space<vmem>> -> memref<80xi32, #tpu.memory_space<vmem>>
      %dma_wait3A_106 = arith.constant 0 : i32
      %dma_wait3A_107 = arith.constant 0 : i32
      %dma_wait3A_108 = tpu.memref_slice %arg2[%dma_wait3A_106, %dma_wait3A_107] : memref<10000x64xf32, #tpu.memory_space<hbm>> -> memref<10000x64xf32, #tpu.memory_space<hbm>>
      tpu.wait_indirect_dma semaphore(%arg15 : memref<!tpu.dma_semaphore, #tpu.memory_space<semaphore_mem>>) src(%dma_wait3A_108 : memref<10000x64xf32, #tpu.memory_space<hbm>>) dst(%arg11 : memref<80x64xf32, #tpu.memory_space<vmem>>)
      %add3A_109 = arith.constant 2 : i32
      %add3A_110 = arith.addi %add3A_87, %add3A_109 : i32
      %lt3A = arith.constant 250 : i32
      %lt3A_111 = arith.cmpi slt, %add3A_110, %lt3A : i32
      %convert_element_type3A = arith.extui %lt3A_111 : i1 to i32
      %cond3A = arith.constant 0 : i32
      %cond3A_112 = arith.cmpi ne, %convert_element_type3A, %cond3A : i32
      scf.if %cond3A_112 {
        %add3A_115 = arith.constant 2 : i32
        %add3A_116 = arith.addi %add3A_87, %add3A_115 : i32
        %dma_start3A_117 = arith.constant 0 : i32
        %dma_start3A_118 = tpu.memref_slice %arg8[%add3A_116, %dma_start3A_117] : memref<250x80xi32, #tpu.memory_space<vmem>> -> memref<1x80xi32, #tpu.memory_space<vmem>>
        %dma_start3A_119 = tpu.memref_squeeze %dma_start3A_118 : memref<1x80xi32, #tpu.memory_space<vmem>> -> memref<80xi32, #tpu.memory_space<vmem>>
        %dma_start3A_120 = arith.constant 0 : i32
        %dma_start3A_121 = arith.constant 0 : i32
        %dma_start3A_122 = tpu.memref_slice %arg2[%dma_start3A_120, %dma_start3A_121] : memref<10000x64xf32, #tpu.memory_space<hbm>> -> memref<10000x64xf32, #tpu.memory_space<hbm>>
        tpu.enqueue_indirect_dma source(%dma_start3A_122 : memref<10000x64xf32, #tpu.memory_space<hbm>>) target(%arg10 : memref<80x64xf32, #tpu.memory_space<vmem>>) offsets(%dma_start3A_119 : memref<80xi32, #tpu.memory_space<vmem>>) semaphore(%arg14 : memref<!tpu.dma_semaphore, #tpu.memory_space<semaphore_mem>>)
      } else {
      }
      %add3A_113 = arith.constant 1 : i32
      %add3A_114 = arith.addi %add3A_87, %add3A_113 : i32
      "tpu.region"() ({
        %run_scoped3A = tpu.sem_alloc : memref<!tpu.dma_semaphore, #tpu.memory_space<semaphore_mem>>
        %dma_start3A_115 = arith.constant 0 : i32
        %dma_start3A_116 = tpu.memref_slice %arg9[%add3A_114, %dma_start3A_115] : memref<250x80xi32, #tpu.memory_space<vmem>> -> memref<1x80xi32, #tpu.memory_space<vmem>>
        %dma_start3A_117 = tpu.memref_squeeze %dma_start3A_116 : memref<1x80xi32, #tpu.memory_space<vmem>> -> memref<80xi32, #tpu.memory_space<vmem>>
        %dma_start3A_118 = arith.constant 0 : i32
        %dma_start3A_119 = arith.constant 0 : i32
        %dma_start3A_120 = tpu.memref_slice %arg13[%dma_start3A_118, %dma_start3A_119] : memref<10000x64xf32, #tpu.memory_space<vmem_shared>> -> memref<10000x64xf32, #tpu.memory_space<vmem_shared>>
        tpu.enqueue_indirect_dma source(%arg11 : memref<80x64xf32, #tpu.memory_space<vmem>>) target(%dma_start3A_120 : memref<10000x64xf32, #tpu.memory_space<vmem_shared>>) offsets(%dma_start3A_117 : memref<80xi32, #tpu.memory_space<vmem>>) semaphore(%run_scoped3A : memref<!tpu.dma_semaphore, #tpu.memory_space<semaphore_mem>>) {add = true}
        %dma_wait3A_121 = arith.constant 0 : i32
        %dma_wait3A_122 = tpu.memref_slice %arg9[%add3A_114, %dma_wait3A_121] : memref<250x80xi32, #tpu.memory_space<vmem>> -> memref<1x80xi32, #tpu.memory_space<vmem>>
        %dma_wait3A_123 = tpu.memref_squeeze %dma_wait3A_122 : memref<1x80xi32, #tpu.memory_space<vmem>> -> memref<80xi32, #tpu.memory_space<vmem>>
        %dma_wait3A_124 = arith.constant 0 : i32
        %dma_wait3A_125 = arith.constant 0 : i32
        %dma_wait3A_126 = tpu.memref_slice %arg13[%dma_wait3A_124, %dma_wait3A_125] : memref<10000x64xf32, #tpu.memory_space<vmem_shared>> -> memref<10000x64xf32, #tpu.memory_space<vmem_shared>>
        tpu.wait_indirect_dma semaphore(%run_scoped3A : memref<!tpu.dma_semaphore, #tpu.memory_space<semaphore_mem>>) src(%arg11 : memref<80x64xf32, #tpu.memory_space<vmem>>) dst(%dma_wait3A_126 : memref<10000x64xf32, #tpu.memory_space<vmem_shared>>)
        tpu.yield
      }) : () -> ()
    }
    %scan3A_30 = arith.constant 125 : i32
    %barrier3A_31 = arith.constant 0 : index
    tpu.barrier barrier_id(%barrier3A_31)
    %sub3A_32 = arith.constant 125 : i32
    %sub3A_33 = arith.subi %sub3A_32, %arg1 : i32
    %sub3A_34 = arith.constant 16 : i32
    %sub3A_35 = arith.constant 1 : i32
    %sub3A_36 = arith.subi %sub3A_34, %sub3A_35 : i32
    %add3A_37 = arith.addi %sub3A_33, %sub3A_36 : i32
    %div3A_38 = arith.constant 16 : i32
    %div3A_39 = arith.divsi %add3A_37, %div3A_38 : i32
    %while3A_40 = arith.constant 16 : i32
    %while3A_41 = arith.constant 0 : i32
    %while3A_42 = arith.subi %div3A_39, %while3A_41 : i32
    %while3A_43 = arith.addi %while3A_41, %while3A_42 : i32
    %while3A_44 = arith.constant 1 : i32
    %while3A_45 = arith.divsi %while3A_42, %while3A_44 : i32
    %while3A_46 = arith.muli %while3A_45, %while3A_44 : i32
    %while3A_47 = arith.addi %while3A_41, %while3A_46 : i32
    %while3A_48 = arith.constant 1 : i32
    scf.for %while3A_83 = %while3A_41 to %while3A_47 step %while3A_48  : i32 {
      %mul3A_84 = arith.muli %while3A_83, %while3A_40 : i32
      %add3A_85 = arith.addi %arg1, %mul3A_84 : i32
      %mul3A_86 = arith.constant 80 : i32
      %mul3A_87 = arith.muli %add3A_85, %mul3A_86 : i32
      "tpu.region"() ({
        %run_scoped3A = tpu.sem_alloc : memref<!tpu.dma_semaphore, #tpu.memory_space<semaphore_mem>>
        %dma_start3A_92 = arith.constant 0 : i32
        %dma_start3A_93 = tpu.memref_slice %arg13[%mul3A_87, %dma_start3A_92] : memref<10000x64xf32, #tpu.memory_space<vmem_shared>> -> memref<80x64xf32, #tpu.memory_space<vmem_shared>>
        %dma_start3A_94 = arith.constant 0 : i32
        %dma_start3A_95 = tpu.memref_slice %arg13[%mul3A_87, %dma_start3A_94] : memref<10000x64xf32, #tpu.memory_space<vmem_shared>> -> memref<80x64xf32, #tpu.memory_space<vmem_shared>>
        tpu.enqueue_dma source(%dma_start3A_95 : memref<80x64xf32, #tpu.memory_space<vmem_shared>>) target(%arg10 : memref<80x64xf32, #tpu.memory_space<vmem>>) target_semaphore(%run_scoped3A : memref<!tpu.dma_semaphore, #tpu.memory_space<semaphore_mem>>)
        %dma_wait3A = arith.constant 0 : i32
        %dma_wait3A_96 = tpu.memref_slice %arg13[%mul3A_87, %dma_wait3A] : memref<10000x64xf32, #tpu.memory_space<vmem_shared>> -> memref<80x64xf32, #tpu.memory_space<vmem_shared>>
        %dma_wait3A_97 = arith.constant 0 : i32
        %dma_wait3A_98 = tpu.memref_slice %arg13[%mul3A_87, %dma_wait3A_97] : memref<10000x64xf32, #tpu.memory_space<vmem_shared>> -> memref<80x64xf32, #tpu.memory_space<vmem_shared>>
        tpu.wait_dma2 semaphore(%run_scoped3A : memref<!tpu.dma_semaphore, #tpu.memory_space<semaphore_mem>>) src(%dma_wait3A_98 : memref<80x64xf32, #tpu.memory_space<vmem_shared>>) dst(%arg10 : memref<80x64xf32, #tpu.memory_space<vmem>>)
        tpu.yield
      }) : () -> ()
      %mul3A_88 = arith.constant 80 : i32
      %mul3A_89 = arith.muli %add3A_85, %mul3A_88 : i32
      "tpu.region"() ({
        %run_scoped3A = tpu.sem_alloc : memref<!tpu.dma_semaphore, #tpu.memory_space<semaphore_mem>>
        %dma_start3A_92 = arith.constant 0 : i32
        %dma_start3A_93 = tpu.memref_slice %arg6[%arg0, %mul3A_89, %dma_start3A_92] : memref<2x10000x64xf32, #tpu.memory_space<hbm>> -> memref<1x80x64xf32, #tpu.memory_space<hbm>>
        %dma_start3A_94 = tpu.memref_squeeze %dma_start3A_93 : memref<1x80x64xf32, #tpu.memory_space<hbm>> -> memref<80x64xf32, #tpu.memory_space<hbm>>
        %dma_start3A_95 = arith.constant 0 : i32
        %dma_start3A_96 = tpu.memref_slice %arg6[%arg0, %mul3A_89, %dma_start3A_95] : memref<2x10000x64xf32, #tpu.memory_space<hbm>> -> memref<1x80x64xf32, #tpu.memory_space<hbm>>
        %dma_start3A_97 = tpu.memref_squeeze %dma_start3A_96 : memref<1x80x64xf32, #tpu.memory_space<hbm>> -> memref<80x64xf32, #tpu.memory_space<hbm>>
        tpu.enqueue_dma source(%arg10 : memref<80x64xf32, #tpu.memory_space<vmem>>) target(%dma_start3A_97 : memref<80x64xf32, #tpu.memory_space<hbm>>) target_semaphore(%run_scoped3A : memref<!tpu.dma_semaphore, #tpu.memory_space<semaphore_mem>>)
        %dma_wait3A = arith.constant 0 : i32
        %dma_wait3A_98 = tpu.memref_slice %arg6[%arg0, %mul3A_89, %dma_wait3A] : memref<2x10000x64xf32, #tpu.memory_space<hbm>> -> memref<1x80x64xf32, #tpu.memory_space<hbm>>
        %dma_wait3A_99 = tpu.memref_squeeze %dma_wait3A_98 : memref<1x80x64xf32, #tpu.memory_space<hbm>> -> memref<80x64xf32, #tpu.memory_space<hbm>>
        %dma_wait3A_100 = arith.constant 0 : i32
        %dma_wait3A_101 = tpu.memref_slice %arg6[%arg0, %mul3A_89, %dma_wait3A_100] : memref<2x10000x64xf32, #tpu.memory_space<hbm>> -> memref<1x80x64xf32, #tpu.memory_space<hbm>>
        %dma_wait3A_102 = tpu.memref_squeeze %dma_wait3A_101 : memref<1x80x64xf32, #tpu.memory_space<hbm>> -> memref<80x64xf32, #tpu.memory_space<hbm>>
        tpu.wait_dma2 semaphore(%run_scoped3A : memref<!tpu.dma_semaphore, #tpu.memory_space<semaphore_mem>>) src(%arg10 : memref<80x64xf32, #tpu.memory_space<vmem>>) dst(%dma_wait3A_102 : memref<80x64xf32, #tpu.memory_space<hbm>>)
        tpu.yield
      }) : () -> ()
      %mul3A_90 = arith.constant 80 : i32
      %mul3A_91 = arith.muli %add3A_85, %mul3A_90 : i32
      "tpu.region"() ({
        %run_scoped3A = tpu.sem_alloc : memref<!tpu.dma_semaphore, #tpu.memory_space<semaphore_mem>>
        %dma_start3A_92 = arith.constant 0 : i32
        %dma_start3A_93 = tpu.memref_slice %arg13[%mul3A_91, %dma_start3A_92] : memref<10000x64xf32, #tpu.memory_space<vmem_shared>> -> memref<80x64xf32, #tpu.memory_space<vmem_shared>>
        %dma_start3A_94 = arith.constant 0 : i32
        %dma_start3A_95 = tpu.memref_slice %arg13[%mul3A_91, %dma_start3A_94] : memref<10000x64xf32, #tpu.memory_space<vmem_shared>> -> memref<80x64xf32, #tpu.memory_space<vmem_shared>>
        tpu.enqueue_dma source(%arg12 : memref<80x64xf32, #tpu.memory_space<vmem>>) target(%dma_start3A_95 : memref<80x64xf32, #tpu.memory_space<vmem_shared>>) target_semaphore(%run_scoped3A : memref<!tpu.dma_semaphore, #tpu.memory_space<semaphore_mem>>)
        %dma_wait3A = arith.constant 0 : i32
        %dma_wait3A_96 = tpu.memref_slice %arg13[%mul3A_91, %dma_wait3A] : memref<10000x64xf32, #tpu.memory_space<vmem_shared>> -> memref<80x64xf32, #tpu.memory_space<vmem_shared>>
        %dma_wait3A_97 = arith.constant 0 : i32
        %dma_wait3A_98 = tpu.memref_slice %arg13[%mul3A_91, %dma_wait3A_97] : memref<10000x64xf32, #tpu.memory_space<vmem_shared>> -> memref<80x64xf32, #tpu.memory_space<vmem_shared>>
        tpu.wait_dma2 semaphore(%run_scoped3A : memref<!tpu.dma_semaphore, #tpu.memory_space<semaphore_mem>>) src(%arg12 : memref<80x64xf32, #tpu.memory_space<vmem>>) dst(%dma_wait3A_98 : memref<80x64xf32, #tpu.memory_space<vmem_shared>>)
        tpu.yield
      }) : () -> ()
    }
    %while3A_49 = arith.constant 1 : i32
    scf.for %while3A_83 = %while3A_47 to %while3A_43 step %while3A_49  : i32 {
      %mul3A_84 = arith.muli %while3A_83, %while3A_40 : i32
      %add3A_85 = arith.addi %arg1, %mul3A_84 : i32
      %mul3A_86 = arith.constant 80 : i32
      %mul3A_87 = arith.muli %add3A_85, %mul3A_86 : i32
      "tpu.region"() ({
        %run_scoped3A = tpu.sem_alloc : memref<!tpu.dma_semaphore, #tpu.memory_space<semaphore_mem>>
        %dma_start3A_92 = arith.constant 0 : i32
        %dma_start3A_93 = tpu.memref_slice %arg13[%mul3A_87, %dma_start3A_92] : memref<10000x64xf32, #tpu.memory_space<vmem_shared>> -> memref<80x64xf32, #tpu.memory_space<vmem_shared>>
        %dma_start3A_94 = arith.constant 0 : i32
        %dma_start3A_95 = tpu.memref_slice %arg13[%mul3A_87, %dma_start3A_94] : memref<10000x64xf32, #tpu.memory_space<vmem_shared>> -> memref<80x64xf32, #tpu.memory_space<vmem_shared>>
        tpu.enqueue_dma source(%dma_start3A_95 : memref<80x64xf32, #tpu.memory_space<vmem_shared>>) target(%arg10 : memref<80x64xf32, #tpu.memory_space<vmem>>) target_semaphore(%run_scoped3A : memref<!tpu.dma_semaphore, #tpu.memory_space<semaphore_mem>>)
        %dma_wait3A = arith.constant 0 : i32
        %dma_wait3A_96 = tpu.memref_slice %arg13[%mul3A_87, %dma_wait3A] : memref<10000x64xf32, #tpu.memory_space<vmem_shared>> -> memref<80x64xf32, #tpu.memory_space<vmem_shared>>
        %dma_wait3A_97 = arith.constant 0 : i32
        %dma_wait3A_98 = tpu.memref_slice %arg13[%mul3A_87, %dma_wait3A_97] : memref<10000x64xf32, #tpu.memory_space<vmem_shared>> -> memref<80x64xf32, #tpu.memory_space<vmem_shared>>
        tpu.wait_dma2 semaphore(%run_scoped3A : memref<!tpu.dma_semaphore, #tpu.memory_space<semaphore_mem>>) src(%dma_wait3A_98 : memref<80x64xf32, #tpu.memory_space<vmem_shared>>) dst(%arg10 : memref<80x64xf32, #tpu.memory_space<vmem>>)
        tpu.yield
      }) : () -> ()
      %mul3A_88 = arith.constant 80 : i32
      %mul3A_89 = arith.muli %add3A_85, %mul3A_88 : i32
      "tpu.region"() ({
        %run_scoped3A = tpu.sem_alloc : memref<!tpu.dma_semaphore, #tpu.memory_space<semaphore_mem>>
        %dma_start3A_92 = arith.constant 0 : i32
        %dma_start3A_93 = tpu.memref_slice %arg6[%arg0, %mul3A_89, %dma_start3A_92] : memref<2x10000x64xf32, #tpu.memory_space<hbm>> -> memref<1x80x64xf32, #tpu.memory_space<hbm>>
        %dma_start3A_94 = tpu.memref_squeeze %dma_start3A_93 : memref<1x80x64xf32, #tpu.memory_space<hbm>> -> memref<80x64xf32, #tpu.memory_space<hbm>>
        %dma_start3A_95 = arith.constant 0 : i32
        %dma_start3A_96 = tpu.memref_slice %arg6[%arg0, %mul3A_89, %dma_start3A_95] : memref<2x10000x64xf32, #tpu.memory_space<hbm>> -> memref<1x80x64xf32, #tpu.memory_space<hbm>>
        %dma_start3A_97 = tpu.memref_squeeze %dma_start3A_96 : memref<1x80x64xf32, #tpu.memory_space<hbm>> -> memref<80x64xf32, #tpu.memory_space<hbm>>
        tpu.enqueue_dma source(%arg10 : memref<80x64xf32, #tpu.memory_space<vmem>>) target(%dma_start3A_97 : memref<80x64xf32, #tpu.memory_space<hbm>>) target_semaphore(%run_scoped3A : memref<!tpu.dma_semaphore, #tpu.memory_space<semaphore_mem>>)
        %dma_wait3A = arith.constant 0 : i32
        %dma_wait3A_98 = tpu.memref_slice %arg6[%arg0, %mul3A_89, %dma_wait3A] : memref<2x10000x64xf32, #tpu.memory_space<hbm>> -> memref<1x80x64xf32, #tpu.memory_space<hbm>>
        %dma_wait3A_99 = tpu.memref_squeeze %dma_wait3A_98 : memref<1x80x64xf32, #tpu.memory_space<hbm>> -> memref<80x64xf32, #tpu.memory_space<hbm>>
        %dma_wait3A_100 = arith.constant 0 : i32
        %dma_wait3A_101 = tpu.memref_slice %arg6[%arg0, %mul3A_89, %dma_wait3A_100] : memref<2x10000x64xf32, #tpu.memory_space<hbm>> -> memref<1x80x64xf32, #tpu.memory_space<hbm>>
        %dma_wait3A_102 = tpu.memref_squeeze %dma_wait3A_101 : memref<1x80x64xf32, #tpu.memory_space<hbm>> -> memref<80x64xf32, #tpu.memory_space<hbm>>
        tpu.wait_dma2 semaphore(%run_scoped3A : memref<!tpu.dma_semaphore, #tpu.memory_space<semaphore_mem>>) src(%arg10 : memref<80x64xf32, #tpu.memory_space<vmem>>) dst(%dma_wait3A_102 : memref<80x64xf32, #tpu.memory_space<hbm>>)
        tpu.yield
      }) : () -> ()
      %mul3A_90 = arith.constant 80 : i32
      %mul3A_91 = arith.muli %add3A_85, %mul3A_90 : i32
      "tpu.region"() ({
        %run_scoped3A = tpu.sem_alloc : memref<!tpu.dma_semaphore, #tpu.memory_space<semaphore_mem>>
        %dma_start3A_92 = arith.constant 0 : i32
        %dma_start3A_93 = tpu.memref_slice %arg13[%mul3A_91, %dma_start3A_92] : memref<10000x64xf32, #tpu.memory_space<vmem_shared>> -> memref<80x64xf32, #tpu.memory_space<vmem_shared>>
        %dma_start3A_94 = arith.constant 0 : i32
        %dma_start3A_95 = tpu.memref_slice %arg13[%mul3A_91, %dma_start3A_94] : memref<10000x64xf32, #tpu.memory_space<vmem_shared>> -> memref<80x64xf32, #tpu.memory_space<vmem_shared>>
        tpu.enqueue_dma source(%arg12 : memref<80x64xf32, #tpu.memory_space<vmem>>) target(%dma_start3A_95 : memref<80x64xf32, #tpu.memory_space<vmem_shared>>) target_semaphore(%run_scoped3A : memref<!tpu.dma_semaphore, #tpu.memory_space<semaphore_mem>>)
        %dma_wait3A = arith.constant 0 : i32
        %dma_wait3A_96 = tpu.memref_slice %arg13[%mul3A_91, %dma_wait3A] : memref<10000x64xf32, #tpu.memory_space<vmem_shared>> -> memref<80x64xf32, #tpu.memory_space<vmem_shared>>
        %dma_wait3A_97 = arith.constant 0 : i32
        %dma_wait3A_98 = tpu.memref_slice %arg13[%mul3A_91, %dma_wait3A_97] : memref<10000x64xf32, #tpu.memory_space<vmem_shared>> -> memref<80x64xf32, #tpu.memory_space<vmem_shared>>
        tpu.wait_dma2 semaphore(%run_scoped3A : memref<!tpu.dma_semaphore, #tpu.memory_space<semaphore_mem>>) src(%arg12 : memref<80x64xf32, #tpu.memory_space<vmem>>) dst(%dma_wait3A_98 : memref<80x64xf32, #tpu.memory_space<vmem_shared>>)
        tpu.yield
      }) : () -> ()
    }
    %barrier3A_50 = arith.constant 0 : index
    tpu.barrier barrier_id(%barrier3A_50)
    %dma_start3A_51 = arith.constant 0 : i32
    %dma_start3A_52 = arith.constant 0 : i32
    %dma_start3A_53 = tpu.memref_slice %arg8[%dma_start3A_51, %dma_start3A_52] : memref<250x80xi32, #tpu.memory_space<vmem>> -> memref<1x80xi32, #tpu.memory_space<vmem>>
    %dma_start3A_54 = tpu.memref_squeeze %dma_start3A_53 : memref<1x80xi32, #tpu.memory_space<vmem>> -> memref<80xi32, #tpu.memory_space<vmem>>
    %dma_start3A_55 = arith.constant 0 : i32
    %dma_start3A_56 = arith.constant 0 : i32
    %dma_start3A_57 = tpu.memref_slice %arg3[%dma_start3A_55, %dma_start3A_56] : memref<10000x64xf32, #tpu.memory_space<hbm>> -> memref<10000x64xf32, #tpu.memory_space<hbm>>
    tpu.enqueue_indirect_dma source(%dma_start3A_57 : memref<10000x64xf32, #tpu.memory_space<hbm>>) target(%arg10 : memref<80x64xf32, #tpu.memory_space<vmem>>) offsets(%dma_start3A_54 : memref<80xi32, #tpu.memory_space<vmem>>) semaphore(%arg14 : memref<!tpu.dma_semaphore, #tpu.memory_space<semaphore_mem>>)
    %scan3A_58 = arith.constant 0 : i32
    %scan3A_59 = arith.constant 125 : i32
    %scan3A_60 = arith.addi %scan3A_58, %scan3A_59 : i32
    %scan3A_61 = arith.constant 1 : i32
    scf.for %scan3A_83 = %scan3A_58 to %scan3A_60 step %scan3A_61  : i32 {
      %mul3A_84 = arith.constant 2 : i32
      %mul3A_85 = arith.muli %scan3A_83, %mul3A_84 : i32
      %add3A_86 = arith.constant 0 : i32
      %add3A_87 = arith.addi %add3A_86, %mul3A_85 : i32
      %dma_wait3A = arith.constant 0 : i32
      %dma_wait3A_88 = tpu.memref_slice %arg8[%add3A_87, %dma_wait3A] : memref<250x80xi32, #tpu.memory_space<vmem>> -> memref<1x80xi32, #tpu.memory_space<vmem>>
      %dma_wait3A_89 = tpu.memref_squeeze %dma_wait3A_88 : memref<1x80xi32, #tpu.memory_space<vmem>> -> memref<80xi32, #tpu.memory_space<vmem>>
      %dma_wait3A_90 = arith.constant 0 : i32
      %dma_wait3A_91 = arith.constant 0 : i32
      %dma_wait3A_92 = tpu.memref_slice %arg3[%dma_wait3A_90, %dma_wait3A_91] : memref<10000x64xf32, #tpu.memory_space<hbm>> -> memref<10000x64xf32, #tpu.memory_space<hbm>>
      tpu.wait_indirect_dma semaphore(%arg14 : memref<!tpu.dma_semaphore, #tpu.memory_space<semaphore_mem>>) src(%dma_wait3A_92 : memref<10000x64xf32, #tpu.memory_space<hbm>>) dst(%arg10 : memref<80x64xf32, #tpu.memory_space<vmem>>)
      %add3A_93 = arith.constant 1 : i32
      %add3A_94 = arith.addi %add3A_87, %add3A_93 : i32
      %dma_start3A_95 = arith.constant 0 : i32
      %dma_start3A_96 = tpu.memref_slice %arg8[%add3A_94, %dma_start3A_95] : memref<250x80xi32, #tpu.memory_space<vmem>> -> memref<1x80xi32, #tpu.memory_space<vmem>>
      %dma_start3A_97 = tpu.memref_squeeze %dma_start3A_96 : memref<1x80xi32, #tpu.memory_space<vmem>> -> memref<80xi32, #tpu.memory_space<vmem>>
      %dma_start3A_98 = arith.constant 0 : i32
      %dma_start3A_99 = arith.constant 0 : i32
      %dma_start3A_100 = tpu.memref_slice %arg3[%dma_start3A_98, %dma_start3A_99] : memref<10000x64xf32, #tpu.memory_space<hbm>> -> memref<10000x64xf32, #tpu.memory_space<hbm>>
      tpu.enqueue_indirect_dma source(%dma_start3A_100 : memref<10000x64xf32, #tpu.memory_space<hbm>>) target(%arg11 : memref<80x64xf32, #tpu.memory_space<vmem>>) offsets(%dma_start3A_97 : memref<80xi32, #tpu.memory_space<vmem>>) semaphore(%arg15 : memref<!tpu.dma_semaphore, #tpu.memory_space<semaphore_mem>>)
      "tpu.region"() ({
        %run_scoped3A = tpu.sem_alloc : memref<!tpu.dma_semaphore, #tpu.memory_space<semaphore_mem>>
        %dma_start3A_115 = arith.constant 0 : i32
        %dma_start3A_116 = tpu.memref_slice %arg9[%add3A_87, %dma_start3A_115] : memref<250x80xi32, #tpu.memory_space<vmem>> -> memref<1x80xi32, #tpu.memory_space<vmem>>
        %dma_start3A_117 = tpu.memref_squeeze %dma_start3A_116 : memref<1x80xi32, #tpu.memory_space<vmem>> -> memref<80xi32, #tpu.memory_space<vmem>>
        %dma_start3A_118 = arith.constant 0 : i32
        %dma_start3A_119 = arith.constant 0 : i32
        %dma_start3A_120 = tpu.memref_slice %arg13[%dma_start3A_118, %dma_start3A_119] : memref<10000x64xf32, #tpu.memory_space<vmem_shared>> -> memref<10000x64xf32, #tpu.memory_space<vmem_shared>>
        tpu.enqueue_indirect_dma source(%arg10 : memref<80x64xf32, #tpu.memory_space<vmem>>) target(%dma_start3A_120 : memref<10000x64xf32, #tpu.memory_space<vmem_shared>>) offsets(%dma_start3A_117 : memref<80xi32, #tpu.memory_space<vmem>>) semaphore(%run_scoped3A : memref<!tpu.dma_semaphore, #tpu.memory_space<semaphore_mem>>) {add = true}
        %dma_wait3A_121 = arith.constant 0 : i32
        %dma_wait3A_122 = tpu.memref_slice %arg9[%add3A_87, %dma_wait3A_121] : memref<250x80xi32, #tpu.memory_space<vmem>> -> memref<1x80xi32, #tpu.memory_space<vmem>>
        %dma_wait3A_123 = tpu.memref_squeeze %dma_wait3A_122 : memref<1x80xi32, #tpu.memory_space<vmem>> -> memref<80xi32, #tpu.memory_space<vmem>>
        %dma_wait3A_124 = arith.constant 0 : i32
        %dma_wait3A_125 = arith.constant 0 : i32
        %dma_wait3A_126 = tpu.memref_slice %arg13[%dma_wait3A_124, %dma_wait3A_125] : memref<10000x64xf32, #tpu.memory_space<vmem_shared>> -> memref<10000x64xf32, #tpu.memory_space<vmem_shared>>
        tpu.wait_indirect_dma semaphore(%run_scoped3A : memref<!tpu.dma_semaphore, #tpu.memory_space<semaphore_mem>>) src(%arg10 : memref<80x64xf32, #tpu.memory_space<vmem>>) dst(%dma_wait3A_126 : memref<10000x64xf32, #tpu.memory_space<vmem_shared>>)
        tpu.yield
      }) : () -> ()
      %add3A_101 = arith.constant 1 : i32
      %add3A_102 = arith.addi %add3A_87, %add3A_101 : i32
      %dma_wait3A_103 = arith.constant 0 : i32
      %dma_wait3A_104 = tpu.memref_slice %arg8[%add3A_102, %dma_wait3A_103] : memref<250x80xi32, #tpu.memory_space<vmem>> -> memref<1x80xi32, #tpu.memory_space<vmem>>
      %dma_wait3A_105 = tpu.memref_squeeze %dma_wait3A_104 : memref<1x80xi32, #tpu.memory_space<vmem>> -> memref<80xi32, #tpu.memory_space<vmem>>
      %dma_wait3A_106 = arith.constant 0 : i32
      %dma_wait3A_107 = arith.constant 0 : i32
      %dma_wait3A_108 = tpu.memref_slice %arg3[%dma_wait3A_106, %dma_wait3A_107] : memref<10000x64xf32, #tpu.memory_space<hbm>> -> memref<10000x64xf32, #tpu.memory_space<hbm>>
      tpu.wait_indirect_dma semaphore(%arg15 : memref<!tpu.dma_semaphore, #tpu.memory_space<semaphore_mem>>) src(%dma_wait3A_108 : memref<10000x64xf32, #tpu.memory_space<hbm>>) dst(%arg11 : memref<80x64xf32, #tpu.memory_space<vmem>>)
      %add3A_109 = arith.constant 2 : i32
      %add3A_110 = arith.addi %add3A_87, %add3A_109 : i32
      %lt3A = arith.constant 250 : i32
      %lt3A_111 = arith.cmpi slt, %add3A_110, %lt3A : i32
      %convert_element_type3A = arith.extui %lt3A_111 : i1 to i32
      %cond3A = arith.constant 0 : i32
      %cond3A_112 = arith.cmpi ne, %convert_element_type3A, %cond3A : i32
      scf.if %cond3A_112 {
        %add3A_115 = arith.constant 2 : i32
        %add3A_116 = arith.addi %add3A_87, %add3A_115 : i32
        %dma_start3A_117 = arith.constant 0 : i32
        %dma_start3A_118 = tpu.memref_slice %arg8[%add3A_116, %dma_start3A_117] : memref<250x80xi32, #tpu.memory_space<vmem>> -> memref<1x80xi32, #tpu.memory_space<vmem>>
        %dma_start3A_119 = tpu.memref_squeeze %dma_start3A_118 : memref<1x80xi32, #tpu.memory_space<vmem>> -> memref<80xi32, #tpu.memory_space<vmem>>
        %dma_start3A_120 = arith.constant 0 : i32
        %dma_start3A_121 = arith.constant 0 : i32
        %dma_start3A_122 = tpu.memref_slice %arg3[%dma_start3A_120, %dma_start3A_121] : memref<10000x64xf32, #tpu.memory_space<hbm>> -> memref<10000x64xf32, #tpu.memory_space<hbm>>
        tpu.enqueue_indirect_dma source(%dma_start3A_122 : memref<10000x64xf32, #tpu.memory_space<hbm>>) target(%arg10 : memref<80x64xf32, #tpu.memory_space<vmem>>) offsets(%dma_start3A_119 : memref<80xi32, #tpu.memory_space<vmem>>) semaphore(%arg14 : memref<!tpu.dma_semaphore, #tpu.memory_space<semaphore_mem>>)
      } else {
      }
      %add3A_113 = arith.constant 1 : i32
      %add3A_114 = arith.addi %add3A_87, %add3A_113 : i32
      "tpu.region"() ({
        %run_scoped3A = tpu.sem_alloc : memref<!tpu.dma_semaphore, #tpu.memory_space<semaphore_mem>>
        %dma_start3A_115 = arith.constant 0 : i32
        %dma_start3A_116 = tpu.memref_slice %arg9[%add3A_114, %dma_start3A_115] : memref<250x80xi32, #tpu.memory_space<vmem>> -> memref<1x80xi32, #tpu.memory_space<vmem>>
        %dma_start3A_117 = tpu.memref_squeeze %dma_start3A_116 : memref<1x80xi32, #tpu.memory_space<vmem>> -> memref<80xi32, #tpu.memory_space<vmem>>
        %dma_start3A_118 = arith.constant 0 : i32
        %dma_start3A_119 = arith.constant 0 : i32
        %dma_start3A_120 = tpu.memref_slice %arg13[%dma_start3A_118, %dma_start3A_119] : memref<10000x64xf32, #tpu.memory_space<vmem_shared>> -> memref<10000x64xf32, #tpu.memory_space<vmem_shared>>
        tpu.enqueue_indirect_dma source(%arg11 : memref<80x64xf32, #tpu.memory_space<vmem>>) target(%dma_start3A_120 : memref<10000x64xf32, #tpu.memory_space<vmem_shared>>) offsets(%dma_start3A_117 : memref<80xi32, #tpu.memory_space<vmem>>) semaphore(%run_scoped3A : memref<!tpu.dma_semaphore, #tpu.memory_space<semaphore_mem>>) {add = true}
        %dma_wait3A_121 = arith.constant 0 : i32
        %dma_wait3A_122 = tpu.memref_slice %arg9[%add3A_114, %dma_wait3A_121] : memref<250x80xi32, #tpu.memory_space<vmem>> -> memref<1x80xi32, #tpu.memory_space<vmem>>
        %dma_wait3A_123 = tpu.memref_squeeze %dma_wait3A_122 : memref<1x80xi32, #tpu.memory_space<vmem>> -> memref<80xi32, #tpu.memory_space<vmem>>
        %dma_wait3A_124 = arith.constant 0 : i32
        %dma_wait3A_125 = arith.constant 0 : i32
        %dma_wait3A_126 = tpu.memref_slice %arg13[%dma_wait3A_124, %dma_wait3A_125] : memref<10000x64xf32, #tpu.memory_space<vmem_shared>> -> memref<10000x64xf32, #tpu.memory_space<vmem_shared>>
        tpu.wait_indirect_dma semaphore(%run_scoped3A : memref<!tpu.dma_semaphore, #tpu.memory_space<semaphore_mem>>) src(%arg11 : memref<80x64xf32, #tpu.memory_space<vmem>>) dst(%dma_wait3A_126 : memref<10000x64xf32, #tpu.memory_space<vmem_shared>>)
        tpu.yield
      }) : () -> ()
    }
    %scan3A_62 = arith.constant 125 : i32
    %barrier3A_63 = arith.constant 0 : index
    tpu.barrier barrier_id(%barrier3A_63)
    %sub3A_64 = arith.constant 125 : i32
    %sub3A_65 = arith.subi %sub3A_64, %arg1 : i32
    %sub3A_66 = arith.constant 16 : i32
    %sub3A_67 = arith.constant 1 : i32
    %sub3A_68 = arith.subi %sub3A_66, %sub3A_67 : i32
    %add3A_69 = arith.addi %sub3A_65, %sub3A_68 : i32
    %div3A_70 = arith.constant 16 : i32
    %div3A_71 = arith.divsi %add3A_69, %div3A_70 : i32
    %while3A_72 = arith.constant 16 : i32
    %while3A_73 = arith.constant 0 : i32
    %while3A_74 = arith.subi %div3A_71, %while3A_73 : i32
    %while3A_75 = arith.addi %while3A_73, %while3A_74 : i32
    %while3A_76 = arith.constant 1 : i32
    %while3A_77 = arith.divsi %while3A_74, %while3A_76 : i32
    %while3A_78 = arith.muli %while3A_77, %while3A_76 : i32
    %while3A_79 = arith.addi %while3A_73, %while3A_78 : i32
    %while3A_80 = arith.constant 1 : i32
    scf.for %while3A_83 = %while3A_73 to %while3A_79 step %while3A_80  : i32 {
      %mul3A_84 = arith.muli %while3A_83, %while3A_72 : i32
      %add3A_85 = arith.addi %arg1, %mul3A_84 : i32
      %mul3A_86 = arith.constant 80 : i32
      %mul3A_87 = arith.muli %add3A_85, %mul3A_86 : i32
      "tpu.region"() ({
        %run_scoped3A = tpu.sem_alloc : memref<!tpu.dma_semaphore, #tpu.memory_space<semaphore_mem>>
        %dma_start3A_90 = arith.constant 0 : i32
        %dma_start3A_91 = tpu.memref_slice %arg13[%mul3A_87, %dma_start3A_90] : memref<10000x64xf32, #tpu.memory_space<vmem_shared>> -> memref<80x64xf32, #tpu.memory_space<vmem_shared>>
        %dma_start3A_92 = arith.constant 0 : i32
        %dma_start3A_93 = tpu.memref_slice %arg13[%mul3A_87, %dma_start3A_92] : memref<10000x64xf32, #tpu.memory_space<vmem_shared>> -> memref<80x64xf32, #tpu.memory_space<vmem_shared>>
        tpu.enqueue_dma source(%dma_start3A_93 : memref<80x64xf32, #tpu.memory_space<vmem_shared>>) target(%arg10 : memref<80x64xf32, #tpu.memory_space<vmem>>) target_semaphore(%run_scoped3A : memref<!tpu.dma_semaphore, #tpu.memory_space<semaphore_mem>>)
        %dma_wait3A = arith.constant 0 : i32
        %dma_wait3A_94 = tpu.memref_slice %arg13[%mul3A_87, %dma_wait3A] : memref<10000x64xf32, #tpu.memory_space<vmem_shared>> -> memref<80x64xf32, #tpu.memory_space<vmem_shared>>
        %dma_wait3A_95 = arith.constant 0 : i32
        %dma_wait3A_96 = tpu.memref_slice %arg13[%mul3A_87, %dma_wait3A_95] : memref<10000x64xf32, #tpu.memory_space<vmem_shared>> -> memref<80x64xf32, #tpu.memory_space<vmem_shared>>
        tpu.wait_dma2 semaphore(%run_scoped3A : memref<!tpu.dma_semaphore, #tpu.memory_space<semaphore_mem>>) src(%dma_wait3A_96 : memref<80x64xf32, #tpu.memory_space<vmem_shared>>) dst(%arg10 : memref<80x64xf32, #tpu.memory_space<vmem>>)
        tpu.yield
      }) : () -> ()
      %mul3A_88 = arith.constant 80 : i32
      %mul3A_89 = arith.muli %add3A_85, %mul3A_88 : i32
      "tpu.region"() ({
        %run_scoped3A = tpu.sem_alloc : memref<!tpu.dma_semaphore, #tpu.memory_space<semaphore_mem>>
        %dma_start3A_90 = arith.constant 0 : i32
        %dma_start3A_91 = tpu.memref_slice %arg7[%arg0, %mul3A_89, %dma_start3A_90] : memref<2x10000x64xf32, #tpu.memory_space<hbm>> -> memref<1x80x64xf32, #tpu.memory_space<hbm>>
        %dma_start3A_92 = tpu.memref_squeeze %dma_start3A_91 : memref<1x80x64xf32, #tpu.memory_space<hbm>> -> memref<80x64xf32, #tpu.memory_space<hbm>>
        %dma_start3A_93 = arith.constant 0 : i32
        %dma_start3A_94 = tpu.memref_slice %arg7[%arg0, %mul3A_89, %dma_start3A_93] : memref<2x10000x64xf32, #tpu.memory_space<hbm>> -> memref<1x80x64xf32, #tpu.memory_space<hbm>>
        %dma_start3A_95 = tpu.memref_squeeze %dma_start3A_94 : memref<1x80x64xf32, #tpu.memory_space<hbm>> -> memref<80x64xf32, #tpu.memory_space<hbm>>
        tpu.enqueue_dma source(%arg10 : memref<80x64xf32, #tpu.memory_space<vmem>>) target(%dma_start3A_95 : memref<80x64xf32, #tpu.memory_space<hbm>>) target_semaphore(%run_scoped3A : memref<!tpu.dma_semaphore, #tpu.memory_space<semaphore_mem>>)
        %dma_wait3A = arith.constant 0 : i32
        %dma_wait3A_96 = tpu.memref_slice %arg7[%arg0, %mul3A_89, %dma_wait3A] : memref<2x10000x64xf32, #tpu.memory_space<hbm>> -> memref<1x80x64xf32, #tpu.memory_space<hbm>>
        %dma_wait3A_97 = tpu.memref_squeeze %dma_wait3A_96 : memref<1x80x64xf32, #tpu.memory_space<hbm>> -> memref<80x64xf32, #tpu.memory_space<hbm>>
        %dma_wait3A_98 = arith.constant 0 : i32
        %dma_wait3A_99 = tpu.memref_slice %arg7[%arg0, %mul3A_89, %dma_wait3A_98] : memref<2x10000x64xf32, #tpu.memory_space<hbm>> -> memref<1x80x64xf32, #tpu.memory_space<hbm>>
        %dma_wait3A_100 = tpu.memref_squeeze %dma_wait3A_99 : memref<1x80x64xf32, #tpu.memory_space<hbm>> -> memref<80x64xf32, #tpu.memory_space<hbm>>
        tpu.wait_dma2 semaphore(%run_scoped3A : memref<!tpu.dma_semaphore, #tpu.memory_space<semaphore_mem>>) src(%arg10 : memref<80x64xf32, #tpu.memory_space<vmem>>) dst(%dma_wait3A_100 : memref<80x64xf32, #tpu.memory_space<hbm>>)
        tpu.yield
      }) : () -> ()
    }
    %while3A_81 = arith.constant 1 : i32
    scf.for %while3A_83 = %while3A_79 to %while3A_75 step %while3A_81  : i32 {
      %mul3A_84 = arith.muli %while3A_83, %while3A_72 : i32
      %add3A_85 = arith.addi %arg1, %mul3A_84 : i32
      %mul3A_86 = arith.constant 80 : i32
      %mul3A_87 = arith.muli %add3A_85, %mul3A_86 : i32
      "tpu.region"() ({
        %run_scoped3A = tpu.sem_alloc : memref<!tpu.dma_semaphore, #tpu.memory_space<semaphore_mem>>
        %dma_start3A_90 = arith.constant 0 : i32
        %dma_start3A_91 = tpu.memref_slice %arg13[%mul3A_87, %dma_start3A_90] : memref<10000x64xf32, #tpu.memory_space<vmem_shared>> -> memref<80x64xf32, #tpu.memory_space<vmem_shared>>
        %dma_start3A_92 = arith.constant 0 : i32
        %dma_start3A_93 = tpu.memref_slice %arg13[%mul3A_87, %dma_start3A_92] : memref<10000x64xf32, #tpu.memory_space<vmem_shared>> -> memref<80x64xf32, #tpu.memory_space<vmem_shared>>
        tpu.enqueue_dma source(%dma_start3A_93 : memref<80x64xf32, #tpu.memory_space<vmem_shared>>) target(%arg10 : memref<80x64xf32, #tpu.memory_space<vmem>>) target_semaphore(%run_scoped3A : memref<!tpu.dma_semaphore, #tpu.memory_space<semaphore_mem>>)
        %dma_wait3A = arith.constant 0 : i32
        %dma_wait3A_94 = tpu.memref_slice %arg13[%mul3A_87, %dma_wait3A] : memref<10000x64xf32, #tpu.memory_space<vmem_shared>> -> memref<80x64xf32, #tpu.memory_space<vmem_shared>>
        %dma_wait3A_95 = arith.constant 0 : i32
        %dma_wait3A_96 = tpu.memref_slice %arg13[%mul3A_87, %dma_wait3A_95] : memref<10000x64xf32, #tpu.memory_space<vmem_shared>> -> memref<80x64xf32, #tpu.memory_space<vmem_shared>>
        tpu.wait_dma2 semaphore(%run_scoped3A : memref<!tpu.dma_semaphore, #tpu.memory_space<semaphore_mem>>) src(%dma_wait3A_96 : memref<80x64xf32, #tpu.memory_space<vmem_shared>>) dst(%arg10 : memref<80x64xf32, #tpu.memory_space<vmem>>)
        tpu.yield
      }) : () -> ()
      %mul3A_88 = arith.constant 80 : i32
      %mul3A_89 = arith.muli %add3A_85, %mul3A_88 : i32
      "tpu.region"() ({
        %run_scoped3A = tpu.sem_alloc : memref<!tpu.dma_semaphore, #tpu.memory_space<semaphore_mem>>
        %dma_start3A_90 = arith.constant 0 : i32
        %dma_start3A_91 = tpu.memref_slice %arg7[%arg0, %mul3A_89, %dma_start3A_90] : memref<2x10000x64xf32, #tpu.memory_space<hbm>> -> memref<1x80x64xf32, #tpu.memory_space<hbm>>
        %dma_start3A_92 = tpu.memref_squeeze %dma_start3A_91 : memref<1x80x64xf32, #tpu.memory_space<hbm>> -> memref<80x64xf32, #tpu.memory_space<hbm>>
        %dma_start3A_93 = arith.constant 0 : i32
        %dma_start3A_94 = tpu.memref_slice %arg7[%arg0, %mul3A_89, %dma_start3A_93] : memref<2x10000x64xf32, #tpu.memory_space<hbm>> -> memref<1x80x64xf32, #tpu.memory_space<hbm>>
        %dma_start3A_95 = tpu.memref_squeeze %dma_start3A_94 : memref<1x80x64xf32, #tpu.memory_space<hbm>> -> memref<80x64xf32, #tpu.memory_space<hbm>>
        tpu.enqueue_dma source(%arg10 : memref<80x64xf32, #tpu.memory_space<vmem>>) target(%dma_start3A_95 : memref<80x64xf32, #tpu.memory_space<hbm>>) target_semaphore(%run_scoped3A : memref<!tpu.dma_semaphore, #tpu.memory_space<semaphore_mem>>)
        %dma_wait3A = arith.constant 0 : i32
        %dma_wait3A_96 = tpu.memref_slice %arg7[%arg0, %mul3A_89, %dma_wait3A] : memref<2x10000x64xf32, #tpu.memory_space<hbm>> -> memref<1x80x64xf32, #tpu.memory_space<hbm>>
        %dma_wait3A_97 = tpu.memref_squeeze %dma_wait3A_96 : memref<1x80x64xf32, #tpu.memory_space<hbm>> -> memref<80x64xf32, #tpu.memory_space<hbm>>
        %dma_wait3A_98 = arith.constant 0 : i32
        %dma_wait3A_99 = tpu.memref_slice %arg7[%arg0, %mul3A_89, %dma_wait3A_98] : memref<2x10000x64xf32, #tpu.memory_space<hbm>> -> memref<1x80x64xf32, #tpu.memory_space<hbm>>
        %dma_wait3A_100 = tpu.memref_squeeze %dma_wait3A_99 : memref<1x80x64xf32, #tpu.memory_space<hbm>> -> memref<80x64xf32, #tpu.memory_space<hbm>>
        tpu.wait_dma2 semaphore(%run_scoped3A : memref<!tpu.dma_semaphore, #tpu.memory_space<semaphore_mem>>) src(%arg10 : memref<80x64xf32, #tpu.memory_space<vmem>>) dst(%dma_wait3A_100 : memref<80x64xf32, #tpu.memory_space<hbm>>)
        tpu.yield
      }) : () -> ()
    }
    %barrier3A_82 = arith.constant 0 : index
    tpu.barrier barrier_id(%barrier3A_82)
    return
  }
}

#map = affine_map<(d0, d1) -> (0, 0)>
#map1 = affine_map<(d0, d1) -> (0, 0, 0)>
module attributes {stable_mosaic.version = 14 : i64} {
  func.func @_agg_kernel(%arg0: i32, %arg1: i32, %arg2: memref<10000x64xf32, #tpu.memory_space<hbm>>, %arg3: memref<10000x64xf32, #tpu.memory_space<hbm>>, %arg4: memref<32x250x80xi32, #tpu.memory_space<hbm>>, %arg5: memref<32x250x80xi32, #tpu.memory_space<hbm>>, %arg6: memref<2x10000x64xf32, #tpu.memory_space<hbm>>, %arg7: memref<2x10000x64xf32, #tpu.memory_space<hbm>>, %arg8: memref<250x80xi32, #tpu.memory_space<vmem>>, %arg9: memref<250x80xi32, #tpu.memory_space<vmem>>, %arg10: memref<80x64xf32, #tpu.memory_space<vmem>>, %arg11: memref<80x64xf32, #tpu.memory_space<vmem>>, %arg12: memref<80x64xf32, #tpu.memory_space<vmem>>, %arg13: memref<10000x64xf32, #tpu.memory_space<vmem_shared>>, %arg14: memref<!tpu.dma_semaphore, #tpu.memory_space<semaphore_mem>>, %arg15: memref<!tpu.dma_semaphore, #tpu.memory_space<semaphore_mem>>) attributes {dimension_semantics = [#tpu.dimension_semantics<core_parallel>, #tpu.dimension_semantics<subcore_parallel>], iteration_bounds = array<i64: 2, 16>, scalar_prefetch = 0 : i64, scratch_operands = 8 : i64, tpu.core_type = #tpu.core_type<sc_vector_subcore>, window_params = [{transform_indices = #map}, {transform_indices = #map}, {transform_indices = #map1}, {transform_indices = #map1}, {transform_indices = #map1}, {transform_indices = #map1}]} {
    %mul3A = arith.constant 2 : i32
    %mul3A_0 = arith.muli %arg1, %mul3A : i32
    %add3A = arith.addi %mul3A_0, %arg0 : i32
    "tpu.region"() ({
      %run_scoped3A = tpu.sem_alloc : memref<!tpu.dma_semaphore, #tpu.memory_space<semaphore_mem>>
      %dma_start3A_83 = arith.constant 0 : i32
      %dma_start3A_84 = arith.constant 0 : i32
      %dma_start3A_85 = tpu.memref_slice %arg4[%add3A, %dma_start3A_83, %dma_start3A_84] : memref<32x250x80xi32, #tpu.memory_space<hbm>> -> memref<1x250x80xi32, #tpu.memory_space<hbm>>
      %dma_start3A_86 = tpu.memref_squeeze %dma_start3A_85 : memref<1x250x80xi32, #tpu.memory_space<hbm>> -> memref<250x80xi32, #tpu.memory_space<hbm>>
      %dma_start3A_87 = arith.constant 0 : i32
      %dma_start3A_88 = arith.constant 0 : i32
      %dma_start3A_89 = tpu.memref_slice %arg4[%add3A, %dma_start3A_87, %dma_start3A_88] : memref<32x250x80xi32, #tpu.memory_space<hbm>> -> memref<1x250x80xi32, #tpu.memory_space<hbm>>
      %dma_start3A_90 = tpu.memref_squeeze %dma_start3A_89 : memref<1x250x80xi32, #tpu.memory_space<hbm>> -> memref<250x80xi32, #tpu.memory_space<hbm>>
      tpu.enqueue_dma source(%dma_start3A_90 : memref<250x80xi32, #tpu.memory_space<hbm>>) target(%arg8 : memref<250x80xi32, #tpu.memory_space<vmem>>) target_semaphore(%run_scoped3A : memref<!tpu.dma_semaphore, #tpu.memory_space<semaphore_mem>>)
      %dma_wait3A = arith.constant 0 : i32
      %dma_wait3A_91 = arith.constant 0 : i32
      %dma_wait3A_92 = tpu.memref_slice %arg4[%add3A, %dma_wait3A, %dma_wait3A_91] : memref<32x250x80xi32, #tpu.memory_space<hbm>> -> memref<1x250x80xi32, #tpu.memory_space<hbm>>
      %dma_wait3A_93 = tpu.memref_squeeze %dma_wait3A_92 : memref<1x250x80xi32, #tpu.memory_space<hbm>> -> memref<250x80xi32, #tpu.memory_space<hbm>>
      %dma_wait3A_94 = arith.constant 0 : i32
      %dma_wait3A_95 = arith.constant 0 : i32
      %dma_wait3A_96 = tpu.memref_slice %arg4[%add3A, %dma_wait3A_94, %dma_wait3A_95] : memref<32x250x80xi32, #tpu.memory_space<hbm>> -> memref<1x250x80xi32, #tpu.memory_space<hbm>>
      %dma_wait3A_97 = tpu.memref_squeeze %dma_wait3A_96 : memref<1x250x80xi32, #tpu.memory_space<hbm>> -> memref<250x80xi32, #tpu.memory_space<hbm>>
      tpu.wait_dma2 semaphore(%run_scoped3A : memref<!tpu.dma_semaphore, #tpu.memory_space<semaphore_mem>>) src(%dma_wait3A_97 : memref<250x80xi32, #tpu.memory_space<hbm>>) dst(%arg8 : memref<250x80xi32, #tpu.memory_space<vmem>>)
      tpu.yield
    }) : () -> ()
    "tpu.region"() ({
      %run_scoped3A = tpu.sem_alloc : memref<!tpu.dma_semaphore, #tpu.memory_space<semaphore_mem>>
      %dma_start3A_83 = arith.constant 0 : i32
      %dma_start3A_84 = arith.constant 0 : i32
      %dma_start3A_85 = tpu.memref_slice %arg5[%add3A, %dma_start3A_83, %dma_start3A_84] : memref<32x250x80xi32, #tpu.memory_space<hbm>> -> memref<1x250x80xi32, #tpu.memory_space<hbm>>
      %dma_start3A_86 = tpu.memref_squeeze %dma_start3A_85 : memref<1x250x80xi32, #tpu.memory_space<hbm>> -> memref<250x80xi32, #tpu.memory_space<hbm>>
      %dma_start3A_87 = arith.constant 0 : i32
      %dma_start3A_88 = arith.constant 0 : i32
      %dma_start3A_89 = tpu.memref_slice %arg5[%add3A, %dma_start3A_87, %dma_start3A_88] : memref<32x250x80xi32, #tpu.memory_space<hbm>> -> memref<1x250x80xi32, #tpu.memory_space<hbm>>
      %dma_start3A_90 = tpu.memref_squeeze %dma_start3A_89 : memref<1x250x80xi32, #tpu.memory_space<hbm>> -> memref<250x80xi32, #tpu.memory_space<hbm>>
      tpu.enqueue_dma source(%dma_start3A_90 : memref<250x80xi32, #tpu.memory_space<hbm>>) target(%arg9 : memref<250x80xi32, #tpu.memory_space<vmem>>) target_semaphore(%run_scoped3A : memref<!tpu.dma_semaphore, #tpu.memory_space<semaphore_mem>>)
      %dma_wait3A = arith.constant 0 : i32
      %dma_wait3A_91 = arith.constant 0 : i32
      %dma_wait3A_92 = tpu.memref_slice %arg5[%add3A, %dma_wait3A, %dma_wait3A_91] : memref<32x250x80xi32, #tpu.memory_space<hbm>> -> memref<1x250x80xi32, #tpu.memory_space<hbm>>
      %dma_wait3A_93 = tpu.memref_squeeze %dma_wait3A_92 : memref<1x250x80xi32, #tpu.memory_space<hbm>> -> memref<250x80xi32, #tpu.memory_space<hbm>>
      %dma_wait3A_94 = arith.constant 0 : i32
      %dma_wait3A_95 = arith.constant 0 : i32
      %dma_wait3A_96 = tpu.memref_slice %arg5[%add3A, %dma_wait3A_94, %dma_wait3A_95] : memref<32x250x80xi32, #tpu.memory_space<hbm>> -> memref<1x250x80xi32, #tpu.memory_space<hbm>>
      %dma_wait3A_97 = tpu.memref_squeeze %dma_wait3A_96 : memref<1x250x80xi32, #tpu.memory_space<hbm>> -> memref<250x80xi32, #tpu.memory_space<hbm>>
      tpu.wait_dma2 semaphore(%run_scoped3A : memref<!tpu.dma_semaphore, #tpu.memory_space<semaphore_mem>>) src(%dma_wait3A_97 : memref<250x80xi32, #tpu.memory_space<hbm>>) dst(%arg9 : memref<250x80xi32, #tpu.memory_space<vmem>>)
      tpu.yield
    }) : () -> ()
    %scan3A = arith.constant 0 : i32
    %scan3A_1 = arith.constant 80 : i32
    %scan3A_2 = arith.addi %scan3A, %scan3A_1 : i32
    %scan3A_3 = arith.constant 1 : i32
    scf.for %scan3A_83 = %scan3A to %scan3A_2 step %scan3A_3  : i32 {
      %mul3A_84 = arith.constant 1 : i32
      %mul3A_85 = arith.muli %scan3A_83, %mul3A_84 : i32
      %add3A_86 = arith.constant 0 : i32
      %add3A_87 = arith.addi %add3A_86, %mul3A_85 : i32
      %broadcast_in_dim3A = arith.constant 0.000000e+00 : f32
      %broadcast_in_dim3A_88 = vector.broadcast %broadcast_in_dim3A : f32 to vector<16xf32>
      %swap3A = arith.index_cast %add3A_87 : i32 to index
      %swap3A_89 = arith.constant 0 : index
      %swap3A_90 = tpu.vector_load %arg12[%swap3A, %swap3A_89] {strides = array<i32>} : memref<80x64xf32, #tpu.memory_space<vmem>>, vector<1x16xf32>,
      %swap3A_91 = vector.shape_cast %swap3A_90 : vector<1x16xf32> to vector<16xf32>
      %swap3A_92 = vector.shape_cast %broadcast_in_dim3A_88 : vector<16xf32> to vector<1x16xf32>
      tpu.vector_store %arg12[%swap3A, %swap3A_89], %swap3A_92 {strides = array<i32>} : memref<80x64xf32, #tpu.memory_space<vmem>>, vector<1x16xf32>,
      %broadcast_in_dim3A_93 = arith.constant 0.000000e+00 : f32
      %broadcast_in_dim3A_94 = vector.broadcast %broadcast_in_dim3A_93 : f32 to vector<16xf32>
      %swap3A_95 = arith.index_cast %add3A_87 : i32 to index
      %swap3A_96 = arith.constant 16 : index
      %swap3A_97 = tpu.vector_load %arg12[%swap3A_95, %swap3A_96] {strides = array<i32>} : memref<80x64xf32, #tpu.memory_space<vmem>>, vector<1x16xf32>,
      %swap3A_98 = vector.shape_cast %swap3A_97 : vector<1x16xf32> to vector<16xf32>
      %swap3A_99 = vector.shape_cast %broadcast_in_dim3A_94 : vector<16xf32> to vector<1x16xf32>
      tpu.vector_store %arg12[%swap3A_95, %swap3A_96], %swap3A_99 {strides = array<i32>} : memref<80x64xf32, #tpu.memory_space<vmem>>, vector<1x16xf32>,
      %broadcast_in_dim3A_100 = arith.constant 0.000000e+00 : f32
      %broadcast_in_dim3A_101 = vector.broadcast %broadcast_in_dim3A_100 : f32 to vector<16xf32>
      %swap3A_102 = arith.index_cast %add3A_87 : i32 to index
      %swap3A_103 = arith.constant 32 : index
      %swap3A_104 = tpu.vector_load %arg12[%swap3A_102, %swap3A_103] {strides = array<i32>} : memref<80x64xf32, #tpu.memory_space<vmem>>, vector<1x16xf32>,
      %swap3A_105 = vector.shape_cast %swap3A_104 : vector<1x16xf32> to vector<16xf32>
      %swap3A_106 = vector.shape_cast %broadcast_in_dim3A_101 : vector<16xf32> to vector<1x16xf32>
      tpu.vector_store %arg12[%swap3A_102, %swap3A_103], %swap3A_106 {strides = array<i32>} : memref<80x64xf32, #tpu.memory_space<vmem>>, vector<1x16xf32>,
      %broadcast_in_dim3A_107 = arith.constant 0.000000e+00 : f32
      %broadcast_in_dim3A_108 = vector.broadcast %broadcast_in_dim3A_107 : f32 to vector<16xf32>
      %swap3A_109 = arith.index_cast %add3A_87 : i32 to index
      %swap3A_110 = arith.constant 48 : index
      %swap3A_111 = tpu.vector_load %arg12[%swap3A_109, %swap3A_110] {strides = array<i32>} : memref<80x64xf32, #tpu.memory_space<vmem>>, vector<1x16xf32>,
      %swap3A_112 = vector.shape_cast %swap3A_111 : vector<1x16xf32> to vector<16xf32>
      %swap3A_113 = vector.shape_cast %broadcast_in_dim3A_108 : vector<16xf32> to vector<1x16xf32>
      tpu.vector_store %arg12[%swap3A_109, %swap3A_110], %swap3A_113 {strides = array<i32>} : memref<80x64xf32, #tpu.memory_space<vmem>>, vector<1x16xf32>,
    }
    %scan3A_4 = arith.constant 80 : i32
    %sub3A = arith.constant 125 : i32
    %sub3A_5 = arith.subi %sub3A, %arg1 : i32
    %sub3A_6 = arith.constant 16 : i32
    %sub3A_7 = arith.constant 1 : i32
    %sub3A_8 = arith.subi %sub3A_6, %sub3A_7 : i32
    %add3A_9 = arith.addi %sub3A_5, %sub3A_8 : i32
    %div3A = arith.constant 16 : i32
    %div3A_10 = arith.divsi %add3A_9, %div3A : i32
    %while3A = arith.constant 16 : i32
    %while3A_11 = arith.constant 0 : i32
    %while3A_12 = arith.subi %div3A_10, %while3A_11 : i32
    %while3A_13 = arith.addi %while3A_11, %while3A_12 : i32
    %while3A_14 = arith.constant 1 : i32
    %while3A_15 = arith.divsi %while3A_12, %while3A_14 : i32
    %while3A_16 = arith.muli %while3A_15, %while3A_14 : i32
    %while3A_17 = arith.addi %while3A_11, %while3A_16 : i32
    %while3A_18 = arith.constant 1 : i32
    scf.for %while3A_83 = %while3A_11 to %while3A_17 step %while3A_18  : i32 {
      %mul3A_84 = arith.muli %while3A_83, %while3A : i32
      %add3A_85 = arith.addi %arg1, %mul3A_84 : i32
      %mul3A_86 = arith.constant 80 : i32
      %mul3A_87 = arith.muli %add3A_85, %mul3A_86 : i32
      "tpu.region"() ({
        %run_scoped3A = tpu.sem_alloc : memref<!tpu.dma_semaphore, #tpu.memory_space<semaphore_mem>>
        %dma_start3A_88 = arith.constant 0 : i32
        %dma_start3A_89 = tpu.memref_slice %arg13[%mul3A_87, %dma_start3A_88] : memref<10000x64xf32, #tpu.memory_space<vmem_shared>> -> memref<80x64xf32, #tpu.memory_space<vmem_shared>>
        %dma_start3A_90 = arith.constant 0 : i32
        %dma_start3A_91 = tpu.memref_slice %arg13[%mul3A_87, %dma_start3A_90] : memref<10000x64xf32, #tpu.memory_space<vmem_shared>> -> memref<80x64xf32, #tpu.memory_space<vmem_shared>>
        tpu.enqueue_dma source(%arg12 : memref<80x64xf32, #tpu.memory_space<vmem>>) target(%dma_start3A_91 : memref<80x64xf32, #tpu.memory_space<vmem_shared>>) target_semaphore(%run_scoped3A : memref<!tpu.dma_semaphore, #tpu.memory_space<semaphore_mem>>)
        %dma_wait3A = arith.constant 0 : i32
        %dma_wait3A_92 = tpu.memref_slice %arg13[%mul3A_87, %dma_wait3A] : memref<10000x64xf32, #tpu.memory_space<vmem_shared>> -> memref<80x64xf32, #tpu.memory_space<vmem_shared>>
        %dma_wait3A_93 = arith.constant 0 : i32
        %dma_wait3A_94 = tpu.memref_slice %arg13[%mul3A_87, %dma_wait3A_93] : memref<10000x64xf32, #tpu.memory_space<vmem_shared>> -> memref<80x64xf32, #tpu.memory_space<vmem_shared>>
        tpu.wait_dma2 semaphore(%run_scoped3A : memref<!tpu.dma_semaphore, #tpu.memory_space<semaphore_mem>>) src(%arg12 : memref<80x64xf32, #tpu.memory_space<vmem>>) dst(%dma_wait3A_94 : memref<80x64xf32, #tpu.memory_space<vmem_shared>>)
        tpu.yield
      }) : () -> ()
    }
    %while3A_19 = arith.constant 1 : i32
    scf.for %while3A_83 = %while3A_17 to %while3A_13 step %while3A_19  : i32 {
      %mul3A_84 = arith.muli %while3A_83, %while3A : i32
      %add3A_85 = arith.addi %arg1, %mul3A_84 : i32
      %mul3A_86 = arith.constant 80 : i32
      %mul3A_87 = arith.muli %add3A_85, %mul3A_86 : i32
      "tpu.region"() ({
        %run_scoped3A = tpu.sem_alloc : memref<!tpu.dma_semaphore, #tpu.memory_space<semaphore_mem>>
        %dma_start3A_88 = arith.constant 0 : i32
        %dma_start3A_89 = tpu.memref_slice %arg13[%mul3A_87, %dma_start3A_88] : memref<10000x64xf32, #tpu.memory_space<vmem_shared>> -> memref<80x64xf32, #tpu.memory_space<vmem_shared>>
        %dma_start3A_90 = arith.constant 0 : i32
        %dma_start3A_91 = tpu.memref_slice %arg13[%mul3A_87, %dma_start3A_90] : memref<10000x64xf32, #tpu.memory_space<vmem_shared>> -> memref<80x64xf32, #tpu.memory_space<vmem_shared>>
        tpu.enqueue_dma source(%arg12 : memref<80x64xf32, #tpu.memory_space<vmem>>) target(%dma_start3A_91 : memref<80x64xf32, #tpu.memory_space<vmem_shared>>) target_semaphore(%run_scoped3A : memref<!tpu.dma_semaphore, #tpu.memory_space<semaphore_mem>>)
        %dma_wait3A = arith.constant 0 : i32
        %dma_wait3A_92 = tpu.memref_slice %arg13[%mul3A_87, %dma_wait3A] : memref<10000x64xf32, #tpu.memory_space<vmem_shared>> -> memref<80x64xf32, #tpu.memory_space<vmem_shared>>
        %dma_wait3A_93 = arith.constant 0 : i32
        %dma_wait3A_94 = tpu.memref_slice %arg13[%mul3A_87, %dma_wait3A_93] : memref<10000x64xf32, #tpu.memory_space<vmem_shared>> -> memref<80x64xf32, #tpu.memory_space<vmem_shared>>
        tpu.wait_dma2 semaphore(%run_scoped3A : memref<!tpu.dma_semaphore, #tpu.memory_space<semaphore_mem>>) src(%arg12 : memref<80x64xf32, #tpu.memory_space<vmem>>) dst(%dma_wait3A_94 : memref<80x64xf32, #tpu.memory_space<vmem_shared>>)
        tpu.yield
      }) : () -> ()
    }
    %barrier3A = arith.constant 0 : index
    tpu.barrier barrier_id(%barrier3A)
    %dma_start3A = arith.constant 0 : i32
    %dma_start3A_20 = arith.constant 0 : i32
    %dma_start3A_21 = tpu.memref_slice %arg8[%dma_start3A, %dma_start3A_20] : memref<250x80xi32, #tpu.memory_space<vmem>> -> memref<1x80xi32, #tpu.memory_space<vmem>>
    %dma_start3A_22 = tpu.memref_squeeze %dma_start3A_21 : memref<1x80xi32, #tpu.memory_space<vmem>> -> memref<80xi32, #tpu.memory_space<vmem>>
    %dma_start3A_23 = arith.constant 0 : i32
    %dma_start3A_24 = arith.constant 0 : i32
    %dma_start3A_25 = tpu.memref_slice %arg2[%dma_start3A_23, %dma_start3A_24] : memref<10000x64xf32, #tpu.memory_space<hbm>> -> memref<10000x64xf32, #tpu.memory_space<hbm>>
    tpu.enqueue_indirect_dma source(%dma_start3A_25 : memref<10000x64xf32, #tpu.memory_space<hbm>>) target(%arg10 : memref<80x64xf32, #tpu.memory_space<vmem>>) offsets(%dma_start3A_22 : memref<80xi32, #tpu.memory_space<vmem>>) semaphore(%arg14 : memref<!tpu.dma_semaphore, #tpu.memory_space<semaphore_mem>>)
    %scan3A_26 = arith.constant 0 : i32
    %scan3A_27 = arith.constant 125 : i32
    %scan3A_28 = arith.addi %scan3A_26, %scan3A_27 : i32
    %scan3A_29 = arith.constant 1 : i32
    scf.for %scan3A_83 = %scan3A_26 to %scan3A_28 step %scan3A_29  : i32 {
      %mul3A_84 = arith.constant 2 : i32
      %mul3A_85 = arith.muli %scan3A_83, %mul3A_84 : i32
      %add3A_86 = arith.constant 0 : i32
      %add3A_87 = arith.addi %add3A_86, %mul3A_85 : i32
      %dma_wait3A = arith.constant 0 : i32
      %dma_wait3A_88 = tpu.memref_slice %arg8[%add3A_87, %dma_wait3A] : memref<250x80xi32, #tpu.memory_space<vmem>> -> memref<1x80xi32, #tpu.memory_space<vmem>>
      %dma_wait3A_89 = tpu.memref_squeeze %dma_wait3A_88 : memref<1x80xi32, #tpu.memory_space<vmem>> -> memref<80xi32, #tpu.memory_space<vmem>>
      %dma_wait3A_90 = arith.constant 0 : i32
      %dma_wait3A_91 = arith.constant 0 : i32
      %dma_wait3A_92 = tpu.memref_slice %arg2[%dma_wait3A_90, %dma_wait3A_91] : memref<10000x64xf32, #tpu.memory_space<hbm>> -> memref<10000x64xf32, #tpu.memory_space<hbm>>
      tpu.wait_indirect_dma semaphore(%arg14 : memref<!tpu.dma_semaphore, #tpu.memory_space<semaphore_mem>>) src(%dma_wait3A_92 : memref<10000x64xf32, #tpu.memory_space<hbm>>) dst(%arg10 : memref<80x64xf32, #tpu.memory_space<vmem>>)
      %add3A_93 = arith.constant 1 : i32
      %add3A_94 = arith.addi %add3A_87, %add3A_93 : i32
      %dma_start3A_95 = arith.constant 0 : i32
      %dma_start3A_96 = tpu.memref_slice %arg8[%add3A_94, %dma_start3A_95] : memref<250x80xi32, #tpu.memory_space<vmem>> -> memref<1x80xi32, #tpu.memory_space<vmem>>
      %dma_start3A_97 = tpu.memref_squeeze %dma_start3A_96 : memref<1x80xi32, #tpu.memory_space<vmem>> -> memref<80xi32, #tpu.memory_space<vmem>>
      %dma_start3A_98 = arith.constant 0 : i32
      %dma_start3A_99 = arith.constant 0 : i32
      %dma_start3A_100 = tpu.memref_slice %arg2[%dma_start3A_98, %dma_start3A_99] : memref<10000x64xf32, #tpu.memory_space<hbm>> -> memref<10000x64xf32, #tpu.memory_space<hbm>>
      tpu.enqueue_indirect_dma source(%dma_start3A_100 : memref<10000x64xf32, #tpu.memory_space<hbm>>) target(%arg11 : memref<80x64xf32, #tpu.memory_space<vmem>>) offsets(%dma_start3A_97 : memref<80xi32, #tpu.memory_space<vmem>>) semaphore(%arg15 : memref<!tpu.dma_semaphore, #tpu.memory_space<semaphore_mem>>)
      "tpu.region"() ({
        %run_scoped3A = tpu.sem_alloc : memref<!tpu.dma_semaphore, #tpu.memory_space<semaphore_mem>>
        %dma_start3A_115 = arith.constant 0 : i32
        %dma_start3A_116 = tpu.memref_slice %arg9[%add3A_87, %dma_start3A_115] : memref<250x80xi32, #tpu.memory_space<vmem>> -> memref<1x80xi32, #tpu.memory_space<vmem>>
        %dma_start3A_117 = tpu.memref_squeeze %dma_start3A_116 : memref<1x80xi32, #tpu.memory_space<vmem>> -> memref<80xi32, #tpu.memory_space<vmem>>
        %dma_start3A_118 = arith.constant 0 : i32
        %dma_start3A_119 = arith.constant 0 : i32
        %dma_start3A_120 = tpu.memref_slice %arg13[%dma_start3A_118, %dma_start3A_119] : memref<10000x64xf32, #tpu.memory_space<vmem_shared>> -> memref<10000x64xf32, #tpu.memory_space<vmem_shared>>
        tpu.enqueue_indirect_dma source(%arg10 : memref<80x64xf32, #tpu.memory_space<vmem>>) target(%dma_start3A_120 : memref<10000x64xf32, #tpu.memory_space<vmem_shared>>) offsets(%dma_start3A_117 : memref<80xi32, #tpu.memory_space<vmem>>) semaphore(%run_scoped3A : memref<!tpu.dma_semaphore, #tpu.memory_space<semaphore_mem>>) {add = true}
        %dma_wait3A_121 = arith.constant 0 : i32
        %dma_wait3A_122 = tpu.memref_slice %arg9[%add3A_87, %dma_wait3A_121] : memref<250x80xi32, #tpu.memory_space<vmem>> -> memref<1x80xi32, #tpu.memory_space<vmem>>
        %dma_wait3A_123 = tpu.memref_squeeze %dma_wait3A_122 : memref<1x80xi32, #tpu.memory_space<vmem>> -> memref<80xi32, #tpu.memory_space<vmem>>
        %dma_wait3A_124 = arith.constant 0 : i32
        %dma_wait3A_125 = arith.constant 0 : i32
        %dma_wait3A_126 = tpu.memref_slice %arg13[%dma_wait3A_124, %dma_wait3A_125] : memref<10000x64xf32, #tpu.memory_space<vmem_shared>> -> memref<10000x64xf32, #tpu.memory_space<vmem_shared>>
        tpu.wait_indirect_dma semaphore(%run_scoped3A : memref<!tpu.dma_semaphore, #tpu.memory_space<semaphore_mem>>) src(%arg10 : memref<80x64xf32, #tpu.memory_space<vmem>>) dst(%dma_wait3A_126 : memref<10000x64xf32, #tpu.memory_space<vmem_shared>>)
        tpu.yield
      }) : () -> ()
      %add3A_101 = arith.constant 1 : i32
      %add3A_102 = arith.addi %add3A_87, %add3A_101 : i32
      %dma_wait3A_103 = arith.constant 0 : i32
      %dma_wait3A_104 = tpu.memref_slice %arg8[%add3A_102, %dma_wait3A_103] : memref<250x80xi32, #tpu.memory_space<vmem>> -> memref<1x80xi32, #tpu.memory_space<vmem>>
      %dma_wait3A_105 = tpu.memref_squeeze %dma_wait3A_104 : memref<1x80xi32, #tpu.memory_space<vmem>> -> memref<80xi32, #tpu.memory_space<vmem>>
      %dma_wait3A_106 = arith.constant 0 : i32
      %dma_wait3A_107 = arith.constant 0 : i32
      %dma_wait3A_108 = tpu.memref_slice %arg2[%dma_wait3A_106, %dma_wait3A_107] : memref<10000x64xf32, #tpu.memory_space<hbm>> -> memref<10000x64xf32, #tpu.memory_space<hbm>>
      tpu.wait_indirect_dma semaphore(%arg15 : memref<!tpu.dma_semaphore, #tpu.memory_space<semaphore_mem>>) src(%dma_wait3A_108 : memref<10000x64xf32, #tpu.memory_space<hbm>>) dst(%arg11 : memref<80x64xf32, #tpu.memory_space<vmem>>)
      %add3A_109 = arith.constant 2 : i32
      %add3A_110 = arith.addi %add3A_87, %add3A_109 : i32
      %lt3A = arith.constant 250 : i32
      %lt3A_111 = arith.cmpi slt, %add3A_110, %lt3A : i32
      %convert_element_type3A = arith.extui %lt3A_111 : i1 to i32
      %cond3A = arith.constant 0 : i32
      %cond3A_112 = arith.cmpi ne, %convert_element_type3A, %cond3A : i32
      scf.if %cond3A_112 {
        %add3A_115 = arith.constant 2 : i32
        %add3A_116 = arith.addi %add3A_87, %add3A_115 : i32
        %dma_start3A_117 = arith.constant 0 : i32
        %dma_start3A_118 = tpu.memref_slice %arg8[%add3A_116, %dma_start3A_117] : memref<250x80xi32, #tpu.memory_space<vmem>> -> memref<1x80xi32, #tpu.memory_space<vmem>>
        %dma_start3A_119 = tpu.memref_squeeze %dma_start3A_118 : memref<1x80xi32, #tpu.memory_space<vmem>> -> memref<80xi32, #tpu.memory_space<vmem>>
        %dma_start3A_120 = arith.constant 0 : i32
        %dma_start3A_121 = arith.constant 0 : i32
        %dma_start3A_122 = tpu.memref_slice %arg2[%dma_start3A_120, %dma_start3A_121] : memref<10000x64xf32, #tpu.memory_space<hbm>> -> memref<10000x64xf32, #tpu.memory_space<hbm>>
        tpu.enqueue_indirect_dma source(%dma_start3A_122 : memref<10000x64xf32, #tpu.memory_space<hbm>>) target(%arg10 : memref<80x64xf32, #tpu.memory_space<vmem>>) offsets(%dma_start3A_119 : memref<80xi32, #tpu.memory_space<vmem>>) semaphore(%arg14 : memref<!tpu.dma_semaphore, #tpu.memory_space<semaphore_mem>>)
      } else {
      }
      %add3A_113 = arith.constant 1 : i32
      %add3A_114 = arith.addi %add3A_87, %add3A_113 : i32
      "tpu.region"() ({
        %run_scoped3A = tpu.sem_alloc : memref<!tpu.dma_semaphore, #tpu.memory_space<semaphore_mem>>
        %dma_start3A_115 = arith.constant 0 : i32
        %dma_start3A_116 = tpu.memref_slice %arg9[%add3A_114, %dma_start3A_115] : memref<250x80xi32, #tpu.memory_space<vmem>> -> memref<1x80xi32, #tpu.memory_space<vmem>>
        %dma_start3A_117 = tpu.memref_squeeze %dma_start3A_116 : memref<1x80xi32, #tpu.memory_space<vmem>> -> memref<80xi32, #tpu.memory_space<vmem>>
        %dma_start3A_118 = arith.constant 0 : i32
        %dma_start3A_119 = arith.constant 0 : i32
        %dma_start3A_120 = tpu.memref_slice %arg13[%dma_start3A_118, %dma_start3A_119] : memref<10000x64xf32, #tpu.memory_space<vmem_shared>> -> memref<10000x64xf32, #tpu.memory_space<vmem_shared>>
        tpu.enqueue_indirect_dma source(%arg11 : memref<80x64xf32, #tpu.memory_space<vmem>>) target(%dma_start3A_120 : memref<10000x64xf32, #tpu.memory_space<vmem_shared>>) offsets(%dma_start3A_117 : memref<80xi32, #tpu.memory_space<vmem>>) semaphore(%run_scoped3A : memref<!tpu.dma_semaphore, #tpu.memory_space<semaphore_mem>>) {add = true}
        %dma_wait3A_121 = arith.constant 0 : i32
        %dma_wait3A_122 = tpu.memref_slice %arg9[%add3A_114, %dma_wait3A_121] : memref<250x80xi32, #tpu.memory_space<vmem>> -> memref<1x80xi32, #tpu.memory_space<vmem>>
        %dma_wait3A_123 = tpu.memref_squeeze %dma_wait3A_122 : memref<1x80xi32, #tpu.memory_space<vmem>> -> memref<80xi32, #tpu.memory_space<vmem>>
        %dma_wait3A_124 = arith.constant 0 : i32
        %dma_wait3A_125 = arith.constant 0 : i32
        %dma_wait3A_126 = tpu.memref_slice %arg13[%dma_wait3A_124, %dma_wait3A_125] : memref<10000x64xf32, #tpu.memory_space<vmem_shared>> -> memref<10000x64xf32, #tpu.memory_space<vmem_shared>>
        tpu.wait_indirect_dma semaphore(%run_scoped3A : memref<!tpu.dma_semaphore, #tpu.memory_space<semaphore_mem>>) src(%arg11 : memref<80x64xf32, #tpu.memory_space<vmem>>) dst(%dma_wait3A_126 : memref<10000x64xf32, #tpu.memory_space<vmem_shared>>)
        tpu.yield
      }) : () -> ()
    }
    %scan3A_30 = arith.constant 125 : i32
    %barrier3A_31 = arith.constant 0 : index
    tpu.barrier barrier_id(%barrier3A_31)
    %sub3A_32 = arith.constant 125 : i32
    %sub3A_33 = arith.subi %sub3A_32, %arg1 : i32
    %sub3A_34 = arith.constant 16 : i32
    %sub3A_35 = arith.constant 1 : i32
    %sub3A_36 = arith.subi %sub3A_34, %sub3A_35 : i32
    %add3A_37 = arith.addi %sub3A_33, %sub3A_36 : i32
    %div3A_38 = arith.constant 16 : i32
    %div3A_39 = arith.divsi %add3A_37, %div3A_38 : i32
    %while3A_40 = arith.constant 16 : i32
    %while3A_41 = arith.constant 0 : i32
    %while3A_42 = arith.subi %div3A_39, %while3A_41 : i32
    %while3A_43 = arith.addi %while3A_41, %while3A_42 : i32
    %while3A_44 = arith.constant 1 : i32
    %while3A_45 = arith.divsi %while3A_42, %while3A_44 : i32
    %while3A_46 = arith.muli %while3A_45, %while3A_44 : i32
    %while3A_47 = arith.addi %while3A_41, %while3A_46 : i32
    %while3A_48 = arith.constant 1 : i32
    scf.for %while3A_83 = %while3A_41 to %while3A_47 step %while3A_48  : i32 {
      %mul3A_84 = arith.muli %while3A_83, %while3A_40 : i32
      %add3A_85 = arith.addi %arg1, %mul3A_84 : i32
      %mul3A_86 = arith.constant 80 : i32
      %mul3A_87 = arith.muli %add3A_85, %mul3A_86 : i32
      "tpu.region"() ({
        %run_scoped3A = tpu.sem_alloc : memref<!tpu.dma_semaphore, #tpu.memory_space<semaphore_mem>>
        %dma_start3A_92 = arith.constant 0 : i32
        %dma_start3A_93 = tpu.memref_slice %arg13[%mul3A_87, %dma_start3A_92] : memref<10000x64xf32, #tpu.memory_space<vmem_shared>> -> memref<80x64xf32, #tpu.memory_space<vmem_shared>>
        %dma_start3A_94 = arith.constant 0 : i32
        %dma_start3A_95 = tpu.memref_slice %arg13[%mul3A_87, %dma_start3A_94] : memref<10000x64xf32, #tpu.memory_space<vmem_shared>> -> memref<80x64xf32, #tpu.memory_space<vmem_shared>>
        tpu.enqueue_dma source(%dma_start3A_95 : memref<80x64xf32, #tpu.memory_space<vmem_shared>>) target(%arg10 : memref<80x64xf32, #tpu.memory_space<vmem>>) target_semaphore(%run_scoped3A : memref<!tpu.dma_semaphore, #tpu.memory_space<semaphore_mem>>)
        %dma_wait3A = arith.constant 0 : i32
        %dma_wait3A_96 = tpu.memref_slice %arg13[%mul3A_87, %dma_wait3A] : memref<10000x64xf32, #tpu.memory_space<vmem_shared>> -> memref<80x64xf32, #tpu.memory_space<vmem_shared>>
        %dma_wait3A_97 = arith.constant 0 : i32
        %dma_wait3A_98 = tpu.memref_slice %arg13[%mul3A_87, %dma_wait3A_97] : memref<10000x64xf32, #tpu.memory_space<vmem_shared>> -> memref<80x64xf32, #tpu.memory_space<vmem_shared>>
        tpu.wait_dma2 semaphore(%run_scoped3A : memref<!tpu.dma_semaphore, #tpu.memory_space<semaphore_mem>>) src(%dma_wait3A_98 : memref<80x64xf32, #tpu.memory_space<vmem_shared>>) dst(%arg10 : memref<80x64xf32, #tpu.memory_space<vmem>>)
        tpu.yield
      }) : () -> ()
      %mul3A_88 = arith.constant 80 : i32
      %mul3A_89 = arith.muli %add3A_85, %mul3A_88 : i32
      "tpu.region"() ({
        %run_scoped3A = tpu.sem_alloc : memref<!tpu.dma_semaphore, #tpu.memory_space<semaphore_mem>>
        %dma_start3A_92 = arith.constant 0 : i32
        %dma_start3A_93 = tpu.memref_slice %arg6[%arg0, %mul3A_89, %dma_start3A_92] : memref<2x10000x64xf32, #tpu.memory_space<hbm>> -> memref<1x80x64xf32, #tpu.memory_space<hbm>>
        %dma_start3A_94 = tpu.memref_squeeze %dma_start3A_93 : memref<1x80x64xf32, #tpu.memory_space<hbm>> -> memref<80x64xf32, #tpu.memory_space<hbm>>
        %dma_start3A_95 = arith.constant 0 : i32
        %dma_start3A_96 = tpu.memref_slice %arg6[%arg0, %mul3A_89, %dma_start3A_95] : memref<2x10000x64xf32, #tpu.memory_space<hbm>> -> memref<1x80x64xf32, #tpu.memory_space<hbm>>
        %dma_start3A_97 = tpu.memref_squeeze %dma_start3A_96 : memref<1x80x64xf32, #tpu.memory_space<hbm>> -> memref<80x64xf32, #tpu.memory_space<hbm>>
        tpu.enqueue_dma source(%arg10 : memref<80x64xf32, #tpu.memory_space<vmem>>) target(%dma_start3A_97 : memref<80x64xf32, #tpu.memory_space<hbm>>) target_semaphore(%run_scoped3A : memref<!tpu.dma_semaphore, #tpu.memory_space<semaphore_mem>>)
        %dma_wait3A = arith.constant 0 : i32
        %dma_wait3A_98 = tpu.memref_slice %arg6[%arg0, %mul3A_89, %dma_wait3A] : memref<2x10000x64xf32, #tpu.memory_space<hbm>> -> memref<1x80x64xf32, #tpu.memory_space<hbm>>
        %dma_wait3A_99 = tpu.memref_squeeze %dma_wait3A_98 : memref<1x80x64xf32, #tpu.memory_space<hbm>> -> memref<80x64xf32, #tpu.memory_space<hbm>>
        %dma_wait3A_100 = arith.constant 0 : i32
        %dma_wait3A_101 = tpu.memref_slice %arg6[%arg0, %mul3A_89, %dma_wait3A_100] : memref<2x10000x64xf32, #tpu.memory_space<hbm>> -> memref<1x80x64xf32, #tpu.memory_space<hbm>>
        %dma_wait3A_102 = tpu.memref_squeeze %dma_wait3A_101 : memref<1x80x64xf32, #tpu.memory_space<hbm>> -> memref<80x64xf32, #tpu.memory_space<hbm>>
        tpu.wait_dma2 semaphore(%run_scoped3A : memref<!tpu.dma_semaphore, #tpu.memory_space<semaphore_mem>>) src(%arg10 : memref<80x64xf32, #tpu.memory_space<vmem>>) dst(%dma_wait3A_102 : memref<80x64xf32, #tpu.memory_space<hbm>>)
        tpu.yield
      }) : () -> ()
      %mul3A_90 = arith.constant 80 : i32
      %mul3A_91 = arith.muli %add3A_85, %mul3A_90 : i32
      "tpu.region"() ({
        %run_scoped3A = tpu.sem_alloc : memref<!tpu.dma_semaphore, #tpu.memory_space<semaphore_mem>>
        %dma_start3A_92 = arith.constant 0 : i32
        %dma_start3A_93 = tpu.memref_slice %arg13[%mul3A_91, %dma_start3A_92] : memref<10000x64xf32, #tpu.memory_space<vmem_shared>> -> memref<80x64xf32, #tpu.memory_space<vmem_shared>>
        %dma_start3A_94 = arith.constant 0 : i32
        %dma_start3A_95 = tpu.memref_slice %arg13[%mul3A_91, %dma_start3A_94] : memref<10000x64xf32, #tpu.memory_space<vmem_shared>> -> memref<80x64xf32, #tpu.memory_space<vmem_shared>>
        tpu.enqueue_dma source(%arg12 : memref<80x64xf32, #tpu.memory_space<vmem>>) target(%dma_start3A_95 : memref<80x64xf32, #tpu.memory_space<vmem_shared>>) target_semaphore(%run_scoped3A : memref<!tpu.dma_semaphore, #tpu.memory_space<semaphore_mem>>)
        %dma_wait3A = arith.constant 0 : i32
        %dma_wait3A_96 = tpu.memref_slice %arg13[%mul3A_91, %dma_wait3A] : memref<10000x64xf32, #tpu.memory_space<vmem_shared>> -> memref<80x64xf32, #tpu.memory_space<vmem_shared>>
        %dma_wait3A_97 = arith.constant 0 : i32
        %dma_wait3A_98 = tpu.memref_slice %arg13[%mul3A_91, %dma_wait3A_97] : memref<10000x64xf32, #tpu.memory_space<vmem_shared>> -> memref<80x64xf32, #tpu.memory_space<vmem_shared>>
        tpu.wait_dma2 semaphore(%run_scoped3A : memref<!tpu.dma_semaphore, #tpu.memory_space<semaphore_mem>>) src(%arg12 : memref<80x64xf32, #tpu.memory_space<vmem>>) dst(%dma_wait3A_98 : memref<80x64xf32, #tpu.memory_space<vmem_shared>>)
        tpu.yield
      }) : () -> ()
    }
    %while3A_49 = arith.constant 1 : i32
    scf.for %while3A_83 = %while3A_47 to %while3A_43 step %while3A_49  : i32 {
      %mul3A_84 = arith.muli %while3A_83, %while3A_40 : i32
      %add3A_85 = arith.addi %arg1, %mul3A_84 : i32
      %mul3A_86 = arith.constant 80 : i32
      %mul3A_87 = arith.muli %add3A_85, %mul3A_86 : i32
      "tpu.region"() ({
        %run_scoped3A = tpu.sem_alloc : memref<!tpu.dma_semaphore, #tpu.memory_space<semaphore_mem>>
        %dma_start3A_92 = arith.constant 0 : i32
        %dma_start3A_93 = tpu.memref_slice %arg13[%mul3A_87, %dma_start3A_92] : memref<10000x64xf32, #tpu.memory_space<vmem_shared>> -> memref<80x64xf32, #tpu.memory_space<vmem_shared>>
        %dma_start3A_94 = arith.constant 0 : i32
        %dma_start3A_95 = tpu.memref_slice %arg13[%mul3A_87, %dma_start3A_94] : memref<10000x64xf32, #tpu.memory_space<vmem_shared>> -> memref<80x64xf32, #tpu.memory_space<vmem_shared>>
        tpu.enqueue_dma source(%dma_start3A_95 : memref<80x64xf32, #tpu.memory_space<vmem_shared>>) target(%arg10 : memref<80x64xf32, #tpu.memory_space<vmem>>) target_semaphore(%run_scoped3A : memref<!tpu.dma_semaphore, #tpu.memory_space<semaphore_mem>>)
        %dma_wait3A = arith.constant 0 : i32
        %dma_wait3A_96 = tpu.memref_slice %arg13[%mul3A_87, %dma_wait3A] : memref<10000x64xf32, #tpu.memory_space<vmem_shared>> -> memref<80x64xf32, #tpu.memory_space<vmem_shared>>
        %dma_wait3A_97 = arith.constant 0 : i32
        %dma_wait3A_98 = tpu.memref_slice %arg13[%mul3A_87, %dma_wait3A_97] : memref<10000x64xf32, #tpu.memory_space<vmem_shared>> -> memref<80x64xf32, #tpu.memory_space<vmem_shared>>
        tpu.wait_dma2 semaphore(%run_scoped3A : memref<!tpu.dma_semaphore, #tpu.memory_space<semaphore_mem>>) src(%dma_wait3A_98 : memref<80x64xf32, #tpu.memory_space<vmem_shared>>) dst(%arg10 : memref<80x64xf32, #tpu.memory_space<vmem>>)
        tpu.yield
      }) : () -> ()
      %mul3A_88 = arith.constant 80 : i32
      %mul3A_89 = arith.muli %add3A_85, %mul3A_88 : i32
      "tpu.region"() ({
        %run_scoped3A = tpu.sem_alloc : memref<!tpu.dma_semaphore, #tpu.memory_space<semaphore_mem>>
        %dma_start3A_92 = arith.constant 0 : i32
        %dma_start3A_93 = tpu.memref_slice %arg6[%arg0, %mul3A_89, %dma_start3A_92] : memref<2x10000x64xf32, #tpu.memory_space<hbm>> -> memref<1x80x64xf32, #tpu.memory_space<hbm>>
        %dma_start3A_94 = tpu.memref_squeeze %dma_start3A_93 : memref<1x80x64xf32, #tpu.memory_space<hbm>> -> memref<80x64xf32, #tpu.memory_space<hbm>>
        %dma_start3A_95 = arith.constant 0 : i32
        %dma_start3A_96 = tpu.memref_slice %arg6[%arg0, %mul3A_89, %dma_start3A_95] : memref<2x10000x64xf32, #tpu.memory_space<hbm>> -> memref<1x80x64xf32, #tpu.memory_space<hbm>>
        %dma_start3A_97 = tpu.memref_squeeze %dma_start3A_96 : memref<1x80x64xf32, #tpu.memory_space<hbm>> -> memref<80x64xf32, #tpu.memory_space<hbm>>
        tpu.enqueue_dma source(%arg10 : memref<80x64xf32, #tpu.memory_space<vmem>>) target(%dma_start3A_97 : memref<80x64xf32, #tpu.memory_space<hbm>>) target_semaphore(%run_scoped3A : memref<!tpu.dma_semaphore, #tpu.memory_space<semaphore_mem>>)
        %dma_wait3A = arith.constant 0 : i32
        %dma_wait3A_98 = tpu.memref_slice %arg6[%arg0, %mul3A_89, %dma_wait3A] : memref<2x10000x64xf32, #tpu.memory_space<hbm>> -> memref<1x80x64xf32, #tpu.memory_space<hbm>>
        %dma_wait3A_99 = tpu.memref_squeeze %dma_wait3A_98 : memref<1x80x64xf32, #tpu.memory_space<hbm>> -> memref<80x64xf32, #tpu.memory_space<hbm>>
        %dma_wait3A_100 = arith.constant 0 : i32
        %dma_wait3A_101 = tpu.memref_slice %arg6[%arg0, %mul3A_89, %dma_wait3A_100] : memref<2x10000x64xf32, #tpu.memory_space<hbm>> -> memref<1x80x64xf32, #tpu.memory_space<hbm>>
        %dma_wait3A_102 = tpu.memref_squeeze %dma_wait3A_101 : memref<1x80x64xf32, #tpu.memory_space<hbm>> -> memref<80x64xf32, #tpu.memory_space<hbm>>
        tpu.wait_dma2 semaphore(%run_scoped3A : memref<!tpu.dma_semaphore, #tpu.memory_space<semaphore_mem>>) src(%arg10 : memref<80x64xf32, #tpu.memory_space<vmem>>) dst(%dma_wait3A_102 : memref<80x64xf32, #tpu.memory_space<hbm>>)
        tpu.yield
      }) : () -> ()
      %mul3A_90 = arith.constant 80 : i32
      %mul3A_91 = arith.muli %add3A_85, %mul3A_90 : i32
      "tpu.region"() ({
        %run_scoped3A = tpu.sem_alloc : memref<!tpu.dma_semaphore, #tpu.memory_space<semaphore_mem>>
        %dma_start3A_92 = arith.constant 0 : i32
        %dma_start3A_93 = tpu.memref_slice %arg13[%mul3A_91, %dma_start3A_92] : memref<10000x64xf32, #tpu.memory_space<vmem_shared>> -> memref<80x64xf32, #tpu.memory_space<vmem_shared>>
        %dma_start3A_94 = arith.constant 0 : i32
        %dma_start3A_95 = tpu.memref_slice %arg13[%mul3A_91, %dma_start3A_94] : memref<10000x64xf32, #tpu.memory_space<vmem_shared>> -> memref<80x64xf32, #tpu.memory_space<vmem_shared>>
        tpu.enqueue_dma source(%arg12 : memref<80x64xf32, #tpu.memory_space<vmem>>) target(%dma_start3A_95 : memref<80x64xf32, #tpu.memory_space<vmem_shared>>) target_semaphore(%run_scoped3A : memref<!tpu.dma_semaphore, #tpu.memory_space<semaphore_mem>>)
        %dma_wait3A = arith.constant 0 : i32
        %dma_wait3A_96 = tpu.memref_slice %arg13[%mul3A_91, %dma_wait3A] : memref<10000x64xf32, #tpu.memory_space<vmem_shared>> -> memref<80x64xf32, #tpu.memory_space<vmem_shared>>
        %dma_wait3A_97 = arith.constant 0 : i32
        %dma_wait3A_98 = tpu.memref_slice %arg13[%mul3A_91, %dma_wait3A_97] : memref<10000x64xf32, #tpu.memory_space<vmem_shared>> -> memref<80x64xf32, #tpu.memory_space<vmem_shared>>
        tpu.wait_dma2 semaphore(%run_scoped3A : memref<!tpu.dma_semaphore, #tpu.memory_space<semaphore_mem>>) src(%arg12 : memref<80x64xf32, #tpu.memory_space<vmem>>) dst(%dma_wait3A_98 : memref<80x64xf32, #tpu.memory_space<vmem_shared>>)
        tpu.yield
      }) : () -> ()
    }
    %barrier3A_50 = arith.constant 0 : index
    tpu.barrier barrier_id(%barrier3A_50)
    %dma_start3A_51 = arith.constant 0 : i32
    %dma_start3A_52 = arith.constant 0 : i32
    %dma_start3A_53 = tpu.memref_slice %arg8[%dma_start3A_51, %dma_start3A_52] : memref<250x80xi32, #tpu.memory_space<vmem>> -> memref<1x80xi32, #tpu.memory_space<vmem>>
    %dma_start3A_54 = tpu.memref_squeeze %dma_start3A_53 : memref<1x80xi32, #tpu.memory_space<vmem>> -> memref<80xi32, #tpu.memory_space<vmem>>
    %dma_start3A_55 = arith.constant 0 : i32
    %dma_start3A_56 = arith.constant 0 : i32
    %dma_start3A_57 = tpu.memref_slice %arg3[%dma_start3A_55, %dma_start3A_56] : memref<10000x64xf32, #tpu.memory_space<hbm>> -> memref<10000x64xf32, #tpu.memory_space<hbm>>
    tpu.enqueue_indirect_dma source(%dma_start3A_57 : memref<10000x64xf32, #tpu.memory_space<hbm>>) target(%arg10 : memref<80x64xf32, #tpu.memory_space<vmem>>) offsets(%dma_start3A_54 : memref<80xi32, #tpu.memory_space<vmem>>) semaphore(%arg14 : memref<!tpu.dma_semaphore, #tpu.memory_space<semaphore_mem>>)
    %scan3A_58 = arith.constant 0 : i32
    %scan3A_59 = arith.constant 125 : i32
    %scan3A_60 = arith.addi %scan3A_58, %scan3A_59 : i32
    %scan3A_61 = arith.constant 1 : i32
    scf.for %scan3A_83 = %scan3A_58 to %scan3A_60 step %scan3A_61  : i32 {
      %mul3A_84 = arith.constant 2 : i32
      %mul3A_85 = arith.muli %scan3A_83, %mul3A_84 : i32
      %add3A_86 = arith.constant 0 : i32
      %add3A_87 = arith.addi %add3A_86, %mul3A_85 : i32
      %dma_wait3A = arith.constant 0 : i32
      %dma_wait3A_88 = tpu.memref_slice %arg8[%add3A_87, %dma_wait3A] : memref<250x80xi32, #tpu.memory_space<vmem>> -> memref<1x80xi32, #tpu.memory_space<vmem>>
      %dma_wait3A_89 = tpu.memref_squeeze %dma_wait3A_88 : memref<1x80xi32, #tpu.memory_space<vmem>> -> memref<80xi32, #tpu.memory_space<vmem>>
      %dma_wait3A_90 = arith.constant 0 : i32
      %dma_wait3A_91 = arith.constant 0 : i32
      %dma_wait3A_92 = tpu.memref_slice %arg3[%dma_wait3A_90, %dma_wait3A_91] : memref<10000x64xf32, #tpu.memory_space<hbm>> -> memref<10000x64xf32, #tpu.memory_space<hbm>>
      tpu.wait_indirect_dma semaphore(%arg14 : memref<!tpu.dma_semaphore, #tpu.memory_space<semaphore_mem>>) src(%dma_wait3A_92 : memref<10000x64xf32, #tpu.memory_space<hbm>>) dst(%arg10 : memref<80x64xf32, #tpu.memory_space<vmem>>)
      %add3A_93 = arith.constant 1 : i32
      %add3A_94 = arith.addi %add3A_87, %add3A_93 : i32
      %dma_start3A_95 = arith.constant 0 : i32
      %dma_start3A_96 = tpu.memref_slice %arg8[%add3A_94, %dma_start3A_95] : memref<250x80xi32, #tpu.memory_space<vmem>> -> memref<1x80xi32, #tpu.memory_space<vmem>>
      %dma_start3A_97 = tpu.memref_squeeze %dma_start3A_96 : memref<1x80xi32, #tpu.memory_space<vmem>> -> memref<80xi32, #tpu.memory_space<vmem>>
      %dma_start3A_98 = arith.constant 0 : i32
      %dma_start3A_99 = arith.constant 0 : i32
      %dma_start3A_100 = tpu.memref_slice %arg3[%dma_start3A_98, %dma_start3A_99] : memref<10000x64xf32, #tpu.memory_space<hbm>> -> memref<10000x64xf32, #tpu.memory_space<hbm>>
      tpu.enqueue_indirect_dma source(%dma_start3A_100 : memref<10000x64xf32, #tpu.memory_space<hbm>>) target(%arg11 : memref<80x64xf32, #tpu.memory_space<vmem>>) offsets(%dma_start3A_97 : memref<80xi32, #tpu.memory_space<vmem>>) semaphore(%arg15 : memref<!tpu.dma_semaphore, #tpu.memory_space<semaphore_mem>>)
      "tpu.region"() ({
        %run_scoped3A = tpu.sem_alloc : memref<!tpu.dma_semaphore, #tpu.memory_space<semaphore_mem>>
        %dma_start3A_115 = arith.constant 0 : i32
        %dma_start3A_116 = tpu.memref_slice %arg9[%add3A_87, %dma_start3A_115] : memref<250x80xi32, #tpu.memory_space<vmem>> -> memref<1x80xi32, #tpu.memory_space<vmem>>
        %dma_start3A_117 = tpu.memref_squeeze %dma_start3A_116 : memref<1x80xi32, #tpu.memory_space<vmem>> -> memref<80xi32, #tpu.memory_space<vmem>>
        %dma_start3A_118 = arith.constant 0 : i32
        %dma_start3A_119 = arith.constant 0 : i32
        %dma_start3A_120 = tpu.memref_slice %arg13[%dma_start3A_118, %dma_start3A_119] : memref<10000x64xf32, #tpu.memory_space<vmem_shared>> -> memref<10000x64xf32, #tpu.memory_space<vmem_shared>>
        tpu.enqueue_indirect_dma source(%arg10 : memref<80x64xf32, #tpu.memory_space<vmem>>) target(%dma_start3A_120 : memref<10000x64xf32, #tpu.memory_space<vmem_shared>>) offsets(%dma_start3A_117 : memref<80xi32, #tpu.memory_space<vmem>>) semaphore(%run_scoped3A : memref<!tpu.dma_semaphore, #tpu.memory_space<semaphore_mem>>) {add = true}
        %dma_wait3A_121 = arith.constant 0 : i32
        %dma_wait3A_122 = tpu.memref_slice %arg9[%add3A_87, %dma_wait3A_121] : memref<250x80xi32, #tpu.memory_space<vmem>> -> memref<1x80xi32, #tpu.memory_space<vmem>>
        %dma_wait3A_123 = tpu.memref_squeeze %dma_wait3A_122 : memref<1x80xi32, #tpu.memory_space<vmem>> -> memref<80xi32, #tpu.memory_space<vmem>>
        %dma_wait3A_124 = arith.constant 0 : i32
        %dma_wait3A_125 = arith.constant 0 : i32
        %dma_wait3A_126 = tpu.memref_slice %arg13[%dma_wait3A_124, %dma_wait3A_125] : memref<10000x64xf32, #tpu.memory_space<vmem_shared>> -> memref<10000x64xf32, #tpu.memory_space<vmem_shared>>
        tpu.wait_indirect_dma semaphore(%run_scoped3A : memref<!tpu.dma_semaphore, #tpu.memory_space<semaphore_mem>>) src(%arg10 : memref<80x64xf32, #tpu.memory_space<vmem>>) dst(%dma_wait3A_126 : memref<10000x64xf32, #tpu.memory_space<vmem_shared>>)
        tpu.yield
      }) : () -> ()
      %add3A_101 = arith.constant 1 : i32
      %add3A_102 = arith.addi %add3A_87, %add3A_101 : i32
      %dma_wait3A_103 = arith.constant 0 : i32
      %dma_wait3A_104 = tpu.memref_slice %arg8[%add3A_102, %dma_wait3A_103] : memref<250x80xi32, #tpu.memory_space<vmem>> -> memref<1x80xi32, #tpu.memory_space<vmem>>
      %dma_wait3A_105 = tpu.memref_squeeze %dma_wait3A_104 : memref<1x80xi32, #tpu.memory_space<vmem>> -> memref<80xi32, #tpu.memory_space<vmem>>
      %dma_wait3A_106 = arith.constant 0 : i32
      %dma_wait3A_107 = arith.constant 0 : i32
      %dma_wait3A_108 = tpu.memref_slice %arg3[%dma_wait3A_106, %dma_wait3A_107] : memref<10000x64xf32, #tpu.memory_space<hbm>> -> memref<10000x64xf32, #tpu.memory_space<hbm>>
      tpu.wait_indirect_dma semaphore(%arg15 : memref<!tpu.dma_semaphore, #tpu.memory_space<semaphore_mem>>) src(%dma_wait3A_108 : memref<10000x64xf32, #tpu.memory_space<hbm>>) dst(%arg11 : memref<80x64xf32, #tpu.memory_space<vmem>>)
      %add3A_109 = arith.constant 2 : i32
      %add3A_110 = arith.addi %add3A_87, %add3A_109 : i32
      %lt3A = arith.constant 250 : i32
      %lt3A_111 = arith.cmpi slt, %add3A_110, %lt3A : i32
      %convert_element_type3A = arith.extui %lt3A_111 : i1 to i32
      %cond3A = arith.constant 0 : i32
      %cond3A_112 = arith.cmpi ne, %convert_element_type3A, %cond3A : i32
      scf.if %cond3A_112 {
        %add3A_115 = arith.constant 2 : i32
        %add3A_116 = arith.addi %add3A_87, %add3A_115 : i32
        %dma_start3A_117 = arith.constant 0 : i32
        %dma_start3A_118 = tpu.memref_slice %arg8[%add3A_116, %dma_start3A_117] : memref<250x80xi32, #tpu.memory_space<vmem>> -> memref<1x80xi32, #tpu.memory_space<vmem>>
        %dma_start3A_119 = tpu.memref_squeeze %dma_start3A_118 : memref<1x80xi32, #tpu.memory_space<vmem>> -> memref<80xi32, #tpu.memory_space<vmem>>
        %dma_start3A_120 = arith.constant 0 : i32
        %dma_start3A_121 = arith.constant 0 : i32
        %dma_start3A_122 = tpu.memref_slice %arg3[%dma_start3A_120, %dma_start3A_121] : memref<10000x64xf32, #tpu.memory_space<hbm>> -> memref<10000x64xf32, #tpu.memory_space<hbm>>
        tpu.enqueue_indirect_dma source(%dma_start3A_122 : memref<10000x64xf32, #tpu.memory_space<hbm>>) target(%arg10 : memref<80x64xf32, #tpu.memory_space<vmem>>) offsets(%dma_start3A_119 : memref<80xi32, #tpu.memory_space<vmem>>) semaphore(%arg14 : memref<!tpu.dma_semaphore, #tpu.memory_space<semaphore_mem>>)
      } else {
      }
      %add3A_113 = arith.constant 1 : i32
      %add3A_114 = arith.addi %add3A_87, %add3A_113 : i32
      "tpu.region"() ({
        %run_scoped3A = tpu.sem_alloc : memref<!tpu.dma_semaphore, #tpu.memory_space<semaphore_mem>>
        %dma_start3A_115 = arith.constant 0 : i32
        %dma_start3A_116 = tpu.memref_slice %arg9[%add3A_114, %dma_start3A_115] : memref<250x80xi32, #tpu.memory_space<vmem>> -> memref<1x80xi32, #tpu.memory_space<vmem>>
        %dma_start3A_117 = tpu.memref_squeeze %dma_start3A_116 : memref<1x80xi32, #tpu.memory_space<vmem>> -> memref<80xi32, #tpu.memory_space<vmem>>
        %dma_start3A_118 = arith.constant 0 : i32
        %dma_start3A_119 = arith.constant 0 : i32
        %dma_start3A_120 = tpu.memref_slice %arg13[%dma_start3A_118, %dma_start3A_119] : memref<10000x64xf32, #tpu.memory_space<vmem_shared>> -> memref<10000x64xf32, #tpu.memory_space<vmem_shared>>
        tpu.enqueue_indirect_dma source(%arg11 : memref<80x64xf32, #tpu.memory_space<vmem>>) target(%dma_start3A_120 : memref<10000x64xf32, #tpu.memory_space<vmem_shared>>) offsets(%dma_start3A_117 : memref<80xi32, #tpu.memory_space<vmem>>) semaphore(%run_scoped3A : memref<!tpu.dma_semaphore, #tpu.memory_space<semaphore_mem>>) {add = true}
        %dma_wait3A_121 = arith.constant 0 : i32
        %dma_wait3A_122 = tpu.memref_slice %arg9[%add3A_114, %dma_wait3A_121] : memref<250x80xi32, #tpu.memory_space<vmem>> -> memref<1x80xi32, #tpu.memory_space<vmem>>
        %dma_wait3A_123 = tpu.memref_squeeze %dma_wait3A_122 : memref<1x80xi32, #tpu.memory_space<vmem>> -> memref<80xi32, #tpu.memory_space<vmem>>
        %dma_wait3A_124 = arith.constant 0 : i32
        %dma_wait3A_125 = arith.constant 0 : i32
        %dma_wait3A_126 = tpu.memref_slice %arg13[%dma_wait3A_124, %dma_wait3A_125] : memref<10000x64xf32, #tpu.memory_space<vmem_shared>> -> memref<10000x64xf32, #tpu.memory_space<vmem_shared>>
        tpu.wait_indirect_dma semaphore(%run_scoped3A : memref<!tpu.dma_semaphore, #tpu.memory_space<semaphore_mem>>) src(%arg11 : memref<80x64xf32, #tpu.memory_space<vmem>>) dst(%dma_wait3A_126 : memref<10000x64xf32, #tpu.memory_space<vmem_shared>>)
        tpu.yield
      }) : () -> ()
    }
    %scan3A_62 = arith.constant 125 : i32
    %barrier3A_63 = arith.constant 0 : index
    tpu.barrier barrier_id(%barrier3A_63)
    %sub3A_64 = arith.constant 125 : i32
    %sub3A_65 = arith.subi %sub3A_64, %arg1 : i32
    %sub3A_66 = arith.constant 16 : i32
    %sub3A_67 = arith.constant 1 : i32
    %sub3A_68 = arith.subi %sub3A_66, %sub3A_67 : i32
    %add3A_69 = arith.addi %sub3A_65, %sub3A_68 : i32
    %div3A_70 = arith.constant 16 : i32
    %div3A_71 = arith.divsi %add3A_69, %div3A_70 : i32
    %while3A_72 = arith.constant 16 : i32
    %while3A_73 = arith.constant 0 : i32
    %while3A_74 = arith.subi %div3A_71, %while3A_73 : i32
    %while3A_75 = arith.addi %while3A_73, %while3A_74 : i32
    %while3A_76 = arith.constant 1 : i32
    %while3A_77 = arith.divsi %while3A_74, %while3A_76 : i32
    %while3A_78 = arith.muli %while3A_77, %while3A_76 : i32
    %while3A_79 = arith.addi %while3A_73, %while3A_78 : i32
    %while3A_80 = arith.constant 1 : i32
    scf.for %while3A_83 = %while3A_73 to %while3A_79 step %while3A_80  : i32 {
      %mul3A_84 = arith.muli %while3A_83, %while3A_72 : i32
      %add3A_85 = arith.addi %arg1, %mul3A_84 : i32
      %mul3A_86 = arith.constant 80 : i32
      %mul3A_87 = arith.muli %add3A_85, %mul3A_86 : i32
      "tpu.region"() ({
        %run_scoped3A = tpu.sem_alloc : memref<!tpu.dma_semaphore, #tpu.memory_space<semaphore_mem>>
        %dma_start3A_90 = arith.constant 0 : i32
        %dma_start3A_91 = tpu.memref_slice %arg13[%mul3A_87, %dma_start3A_90] : memref<10000x64xf32, #tpu.memory_space<vmem_shared>> -> memref<80x64xf32, #tpu.memory_space<vmem_shared>>
        %dma_start3A_92 = arith.constant 0 : i32
        %dma_start3A_93 = tpu.memref_slice %arg13[%mul3A_87, %dma_start3A_92] : memref<10000x64xf32, #tpu.memory_space<vmem_shared>> -> memref<80x64xf32, #tpu.memory_space<vmem_shared>>
        tpu.enqueue_dma source(%dma_start3A_93 : memref<80x64xf32, #tpu.memory_space<vmem_shared>>) target(%arg10 : memref<80x64xf32, #tpu.memory_space<vmem>>) target_semaphore(%run_scoped3A : memref<!tpu.dma_semaphore, #tpu.memory_space<semaphore_mem>>)
        %dma_wait3A = arith.constant 0 : i32
        %dma_wait3A_94 = tpu.memref_slice %arg13[%mul3A_87, %dma_wait3A] : memref<10000x64xf32, #tpu.memory_space<vmem_shared>> -> memref<80x64xf32, #tpu.memory_space<vmem_shared>>
        %dma_wait3A_95 = arith.constant 0 : i32
        %dma_wait3A_96 = tpu.memref_slice %arg13[%mul3A_87, %dma_wait3A_95] : memref<10000x64xf32, #tpu.memory_space<vmem_shared>> -> memref<80x64xf32, #tpu.memory_space<vmem_shared>>
        tpu.wait_dma2 semaphore(%run_scoped3A : memref<!tpu.dma_semaphore, #tpu.memory_space<semaphore_mem>>) src(%dma_wait3A_96 : memref<80x64xf32, #tpu.memory_space<vmem_shared>>) dst(%arg10 : memref<80x64xf32, #tpu.memory_space<vmem>>)
        tpu.yield
      }) : () -> ()
      %mul3A_88 = arith.constant 80 : i32
      %mul3A_89 = arith.muli %add3A_85, %mul3A_88 : i32
      "tpu.region"() ({
        %run_scoped3A = tpu.sem_alloc : memref<!tpu.dma_semaphore, #tpu.memory_space<semaphore_mem>>
        %dma_start3A_90 = arith.constant 0 : i32
        %dma_start3A_91 = tpu.memref_slice %arg7[%arg0, %mul3A_89, %dma_start3A_90] : memref<2x10000x64xf32, #tpu.memory_space<hbm>> -> memref<1x80x64xf32, #tpu.memory_space<hbm>>
        %dma_start3A_92 = tpu.memref_squeeze %dma_start3A_91 : memref<1x80x64xf32, #tpu.memory_space<hbm>> -> memref<80x64xf32, #tpu.memory_space<hbm>>
        %dma_start3A_93 = arith.constant 0 : i32
        %dma_start3A_94 = tpu.memref_slice %arg7[%arg0, %mul3A_89, %dma_start3A_93] : memref<2x10000x64xf32, #tpu.memory_space<hbm>> -> memref<1x80x64xf32, #tpu.memory_space<hbm>>
        %dma_start3A_95 = tpu.memref_squeeze %dma_start3A_94 : memref<1x80x64xf32, #tpu.memory_space<hbm>> -> memref<80x64xf32, #tpu.memory_space<hbm>>
        tpu.enqueue_dma source(%arg10 : memref<80x64xf32, #tpu.memory_space<vmem>>) target(%dma_start3A_95 : memref<80x64xf32, #tpu.memory_space<hbm>>) target_semaphore(%run_scoped3A : memref<!tpu.dma_semaphore, #tpu.memory_space<semaphore_mem>>)
        %dma_wait3A = arith.constant 0 : i32
        %dma_wait3A_96 = tpu.memref_slice %arg7[%arg0, %mul3A_89, %dma_wait3A] : memref<2x10000x64xf32, #tpu.memory_space<hbm>> -> memref<1x80x64xf32, #tpu.memory_space<hbm>>
        %dma_wait3A_97 = tpu.memref_squeeze %dma_wait3A_96 : memref<1x80x64xf32, #tpu.memory_space<hbm>> -> memref<80x64xf32, #tpu.memory_space<hbm>>
        %dma_wait3A_98 = arith.constant 0 : i32
        %dma_wait3A_99 = tpu.memref_slice %arg7[%arg0, %mul3A_89, %dma_wait3A_98] : memref<2x10000x64xf32, #tpu.memory_space<hbm>> -> memref<1x80x64xf32, #tpu.memory_space<hbm>>
        %dma_wait3A_100 = tpu.memref_squeeze %dma_wait3A_99 : memref<1x80x64xf32, #tpu.memory_space<hbm>> -> memref<80x64xf32, #tpu.memory_space<hbm>>
        tpu.wait_dma2 semaphore(%run_scoped3A : memref<!tpu.dma_semaphore, #tpu.memory_space<semaphore_mem>>) src(%arg10 : memref<80x64xf32, #tpu.memory_space<vmem>>) dst(%dma_wait3A_100 : memref<80x64xf32, #tpu.memory_space<hbm>>)
        tpu.yield
      }) : () -> ()
    }
    %while3A_81 = arith.constant 1 : i32
    scf.for %while3A_83 = %while3A_79 to %while3A_75 step %while3A_81  : i32 {
      %mul3A_84 = arith.muli %while3A_83, %while3A_72 : i32
      %add3A_85 = arith.addi %arg1, %mul3A_84 : i32
      %mul3A_86 = arith.constant 80 : i32
      %mul3A_87 = arith.muli %add3A_85, %mul3A_86 : i32
      "tpu.region"() ({
        %run_scoped3A = tpu.sem_alloc : memref<!tpu.dma_semaphore, #tpu.memory_space<semaphore_mem>>
        %dma_start3A_90 = arith.constant 0 : i32
        %dma_start3A_91 = tpu.memref_slice %arg13[%mul3A_87, %dma_start3A_90] : memref<10000x64xf32, #tpu.memory_space<vmem_shared>> -> memref<80x64xf32, #tpu.memory_space<vmem_shared>>
        %dma_start3A_92 = arith.constant 0 : i32
        %dma_start3A_93 = tpu.memref_slice %arg13[%mul3A_87, %dma_start3A_92] : memref<10000x64xf32, #tpu.memory_space<vmem_shared>> -> memref<80x64xf32, #tpu.memory_space<vmem_shared>>
        tpu.enqueue_dma source(%dma_start3A_93 : memref<80x64xf32, #tpu.memory_space<vmem_shared>>) target(%arg10 : memref<80x64xf32, #tpu.memory_space<vmem>>) target_semaphore(%run_scoped3A : memref<!tpu.dma_semaphore, #tpu.memory_space<semaphore_mem>>)
        %dma_wait3A = arith.constant 0 : i32
        %dma_wait3A_94 = tpu.memref_slice %arg13[%mul3A_87, %dma_wait3A] : memref<10000x64xf32, #tpu.memory_space<vmem_shared>> -> memref<80x64xf32, #tpu.memory_space<vmem_shared>>
        %dma_wait3A_95 = arith.constant 0 : i32
        %dma_wait3A_96 = tpu.memref_slice %arg13[%mul3A_87, %dma_wait3A_95] : memref<10000x64xf32, #tpu.memory_space<vmem_shared>> -> memref<80x64xf32, #tpu.memory_space<vmem_shared>>
        tpu.wait_dma2 semaphore(%run_scoped3A : memref<!tpu.dma_semaphore, #tpu.memory_space<semaphore_mem>>) src(%dma_wait3A_96 : memref<80x64xf32, #tpu.memory_space<vmem_shared>>) dst(%arg10 : memref<80x64xf32, #tpu.memory_space<vmem>>)
        tpu.yield
      }) : () -> ()
      %mul3A_88 = arith.constant 80 : i32
      %mul3A_89 = arith.muli %add3A_85, %mul3A_88 : i32
      "tpu.region"() ({
        %run_scoped3A = tpu.sem_alloc : memref<!tpu.dma_semaphore, #tpu.memory_space<semaphore_mem>>
        %dma_start3A_90 = arith.constant 0 : i32
        %dma_start3A_91 = tpu.memref_slice %arg7[%arg0, %mul3A_89, %dma_start3A_90] : memref<2x10000x64xf32, #tpu.memory_space<hbm>> -> memref<1x80x64xf32, #tpu.memory_space<hbm>>
        %dma_start3A_92 = tpu.memref_squeeze %dma_start3A_91 : memref<1x80x64xf32, #tpu.memory_space<hbm>> -> memref<80x64xf32, #tpu.memory_space<hbm>>
        %dma_start3A_93 = arith.constant 0 : i32
        %dma_start3A_94 = tpu.memref_slice %arg7[%arg0, %mul3A_89, %dma_start3A_93] : memref<2x10000x64xf32, #tpu.memory_space<hbm>> -> memref<1x80x64xf32, #tpu.memory_space<hbm>>
        %dma_start3A_95 = tpu.memref_squeeze %dma_start3A_94 : memref<1x80x64xf32, #tpu.memory_space<hbm>> -> memref<80x64xf32, #tpu.memory_space<hbm>>
        tpu.enqueue_dma source(%arg10 : memref<80x64xf32, #tpu.memory_space<vmem>>) target(%dma_start3A_95 : memref<80x64xf32, #tpu.memory_space<hbm>>) target_semaphore(%run_scoped3A : memref<!tpu.dma_semaphore, #tpu.memory_space<semaphore_mem>>)
        %dma_wait3A = arith.constant 0 : i32
        %dma_wait3A_96 = tpu.memref_slice %arg7[%arg0, %mul3A_89, %dma_wait3A] : memref<2x10000x64xf32, #tpu.memory_space<hbm>> -> memref<1x80x64xf32, #tpu.memory_space<hbm>>
        %dma_wait3A_97 = tpu.memref_squeeze %dma_wait3A_96 : memref<1x80x64xf32, #tpu.memory_space<hbm>> -> memref<80x64xf32, #tpu.memory_space<hbm>>
        %dma_wait3A_98 = arith.constant 0 : i32
        %dma_wait3A_99 = tpu.memref_slice %arg7[%arg0, %mul3A_89, %dma_wait3A_98] : memref<2x10000x64xf32, #tpu.memory_space<hbm>> -> memref<1x80x64xf32, #tpu.memory_space<hbm>>
        %dma_wait3A_100 = tpu.memref_squeeze %dma_wait3A_99 : memref<1x80x64xf32, #tpu.memory_space<hbm>> -> memref<80x64xf32, #tpu.memory_space<hbm>>
        tpu.wait_dma2 semaphore(%run_scoped3A : memref<!tpu.dma_semaphore, #tpu.memory_space<semaphore_mem>>) src(%arg10 : memref<80x64xf32, #tpu.memory_space<vmem>>) dst(%dma_wait3A_100 : memref<80x64xf32, #tpu.memory_space<hbm>>)
        tpu.yield
      }) : () -> ()
    }
    %barrier3A_82 = arith.constant 0 : index
    tpu.barrier barrier_id(%barrier3A_82)
    return
  }
}

#map = affine_map<(d0, d1) -> (0, 0, 0)>
#map1 = affine_map<(d0, d1) -> (0)>
module attributes {stable_mosaic.version = 14 : i64} {
  func.func @_deg_kernel(%arg0: i32, %arg1: i32, %arg2: memref<32x250x80xi32, #tpu.memory_space<hbm>>, %arg3: memref<10000xf32, #tpu.memory_space<hbm>>, %arg4: memref<10000xf32, #tpu.memory_space<hbm>>, %arg5: memref<250x80xi32, #tpu.memory_space<vmem>>, %arg6: memref<80xf32, #tpu.memory_space<vmem>>, %arg7: memref<80xf32, #tpu.memory_space<vmem>>, %arg8: memref<10000xf32, #tpu.memory_space<vmem_shared>>) attributes {dimension_semantics = [#tpu.dimension_semantics<core_parallel>, #tpu.dimension_semantics<subcore_parallel>], iteration_bounds = array<i64: 2, 16>, scalar_prefetch = 0 : i64, scratch_operands = 4 : i64, tpu.core_type = #tpu.core_type<sc_vector_subcore>, window_params = [{transform_indices = #map}, {transform_indices = #map1}, {transform_indices = #map1}]} {
    %mul3A = arith.constant 2 : i32
    %mul3A_0 = arith.muli %arg1, %mul3A : i32
    %add3A = arith.addi %mul3A_0, %arg0 : i32
    "tpu.region"() ({
      %run_scoped3A = tpu.sem_alloc : memref<!tpu.dma_semaphore, #tpu.memory_space<semaphore_mem>>
      %dma_start3A = arith.constant 0 : i32
      %dma_start3A_97 = arith.constant 0 : i32
      %dma_start3A_98 = tpu.memref_slice %arg2[%add3A, %dma_start3A, %dma_start3A_97] : memref<32x250x80xi32, #tpu.memory_space<hbm>> -> memref<1x250x80xi32, #tpu.memory_space<hbm>>
      %dma_start3A_99 = tpu.memref_squeeze %dma_start3A_98 : memref<1x250x80xi32, #tpu.memory_space<hbm>> -> memref<250x80xi32, #tpu.memory_space<hbm>>
      %dma_start3A_100 = arith.constant 0 : i32
      %dma_start3A_101 = arith.constant 0 : i32
      %dma_start3A_102 = tpu.memref_slice %arg2[%add3A, %dma_start3A_100, %dma_start3A_101] : memref<32x250x80xi32, #tpu.memory_space<hbm>> -> memref<1x250x80xi32, #tpu.memory_space<hbm>>
      %dma_start3A_103 = tpu.memref_squeeze %dma_start3A_102 : memref<1x250x80xi32, #tpu.memory_space<hbm>> -> memref<250x80xi32, #tpu.memory_space<hbm>>
      tpu.enqueue_dma source(%dma_start3A_103 : memref<250x80xi32, #tpu.memory_space<hbm>>) target(%arg5 : memref<250x80xi32, #tpu.memory_space<vmem>>) target_semaphore(%run_scoped3A : memref<!tpu.dma_semaphore, #tpu.memory_space<semaphore_mem>>)
      %dma_wait3A = arith.constant 0 : i32
      %dma_wait3A_104 = arith.constant 0 : i32
      %dma_wait3A_105 = tpu.memref_slice %arg2[%add3A, %dma_wait3A, %dma_wait3A_104] : memref<32x250x80xi32, #tpu.memory_space<hbm>> -> memref<1x250x80xi32, #tpu.memory_space<hbm>>
      %dma_wait3A_106 = tpu.memref_squeeze %dma_wait3A_105 : memref<1x250x80xi32, #tpu.memory_space<hbm>> -> memref<250x80xi32, #tpu.memory_space<hbm>>
      %dma_wait3A_107 = arith.constant 0 : i32
      %dma_wait3A_108 = arith.constant 0 : i32
      %dma_wait3A_109 = tpu.memref_slice %arg2[%add3A, %dma_wait3A_107, %dma_wait3A_108] : memref<32x250x80xi32, #tpu.memory_space<hbm>> -> memref<1x250x80xi32, #tpu.memory_space<hbm>>
      %dma_wait3A_110 = tpu.memref_squeeze %dma_wait3A_109 : memref<1x250x80xi32, #tpu.memory_space<hbm>> -> memref<250x80xi32, #tpu.memory_space<hbm>>
      tpu.wait_dma2 semaphore(%run_scoped3A : memref<!tpu.dma_semaphore, #tpu.memory_space<semaphore_mem>>) src(%dma_wait3A_110 : memref<250x80xi32, #tpu.memory_space<hbm>>) dst(%arg5 : memref<250x80xi32, #tpu.memory_space<vmem>>)
      tpu.yield
    }) : () -> ()
    %broadcast_in_dim3A = arith.constant 1.000000e+00 : f32
    %broadcast_in_dim3A_1 = vector.broadcast %broadcast_in_dim3A : f32 to vector<16xf32>
    %swap3A = arith.constant 0 : index
    %swap3A_2 = tpu.vector_load %arg6[%swap3A] {strides = array<i32>} : memref<80xf32, #tpu.memory_space<vmem>>, vector<16xf32>,
    %swap3A_3 = vector.shape_cast %swap3A_2 : vector<16xf32> to vector<16xf32>
    %swap3A_4 = vector.shape_cast %broadcast_in_dim3A_1 : vector<16xf32> to vector<16xf32>
    tpu.vector_store %arg6[%swap3A], %swap3A_4 {strides = array<i32>} : memref<80xf32, #tpu.memory_space<vmem>>, vector<16xf32>,
    %broadcast_in_dim3A_5 = arith.constant 0.000000e+00 : f32
    %broadcast_in_dim3A_6 = vector.broadcast %broadcast_in_dim3A_5 : f32 to vector<16xf32>
    %swap3A_7 = arith.constant 0 : index
    %swap3A_8 = tpu.vector_load %arg7[%swap3A_7] {strides = array<i32>} : memref<80xf32, #tpu.memory_space<vmem>>, vector<16xf32>,
    %swap3A_9 = vector.shape_cast %swap3A_8 : vector<16xf32> to vector<16xf32>
    %swap3A_10 = vector.shape_cast %broadcast_in_dim3A_6 : vector<16xf32> to vector<16xf32>
    tpu.vector_store %arg7[%swap3A_7], %swap3A_10 {strides = array<i32>} : memref<80xf32, #tpu.memory_space<vmem>>, vector<16xf32>,
    %broadcast_in_dim3A_11 = arith.constant 1.000000e+00 : f32
    %broadcast_in_dim3A_12 = vector.broadcast %broadcast_in_dim3A_11 : f32 to vector<16xf32>
    %swap3A_13 = arith.constant 16 : index
    %swap3A_14 = tpu.vector_load %arg6[%swap3A_13] {strides = array<i32>} : memref<80xf32, #tpu.memory_space<vmem>>, vector<16xf32>,
    %swap3A_15 = vector.shape_cast %swap3A_14 : vector<16xf32> to vector<16xf32>
    %swap3A_16 = vector.shape_cast %broadcast_in_dim3A_12 : vector<16xf32> to vector<16xf32>
    tpu.vector_store %arg6[%swap3A_13], %swap3A_16 {strides = array<i32>} : memref<80xf32, #tpu.memory_space<vmem>>, vector<16xf32>,
    %broadcast_in_dim3A_17 = arith.constant 0.000000e+00 : f32
    %broadcast_in_dim3A_18 = vector.broadcast %broadcast_in_dim3A_17 : f32 to vector<16xf32>
    %swap3A_19 = arith.constant 16 : index
    %swap3A_20 = tpu.vector_load %arg7[%swap3A_19] {strides = array<i32>} : memref<80xf32, #tpu.memory_space<vmem>>, vector<16xf32>,
    %swap3A_21 = vector.shape_cast %swap3A_20 : vector<16xf32> to vector<16xf32>
    %swap3A_22 = vector.shape_cast %broadcast_in_dim3A_18 : vector<16xf32> to vector<16xf32>
    tpu.vector_store %arg7[%swap3A_19], %swap3A_22 {strides = array<i32>} : memref<80xf32, #tpu.memory_space<vmem>>, vector<16xf32>,
    %broadcast_in_dim3A_23 = arith.constant 1.000000e+00 : f32
    %broadcast_in_dim3A_24 = vector.broadcast %broadcast_in_dim3A_23 : f32 to vector<16xf32>
    %swap3A_25 = arith.constant 32 : index
    %swap3A_26 = tpu.vector_load %arg6[%swap3A_25] {strides = array<i32>} : memref<80xf32, #tpu.memory_space<vmem>>, vector<16xf32>,
    %swap3A_27 = vector.shape_cast %swap3A_26 : vector<16xf32> to vector<16xf32>
    %swap3A_28 = vector.shape_cast %broadcast_in_dim3A_24 : vector<16xf32> to vector<16xf32>
    tpu.vector_store %arg6[%swap3A_25], %swap3A_28 {strides = array<i32>} : memref<80xf32, #tpu.memory_space<vmem>>, vector<16xf32>,
    %broadcast_in_dim3A_29 = arith.constant 0.000000e+00 : f32
    %broadcast_in_dim3A_30 = vector.broadcast %broadcast_in_dim3A_29 : f32 to vector<16xf32>
    %swap3A_31 = arith.constant 32 : index
    %swap3A_32 = tpu.vector_load %arg7[%swap3A_31] {strides = array<i32>} : memref<80xf32, #tpu.memory_space<vmem>>, vector<16xf32>,
    %swap3A_33 = vector.shape_cast %swap3A_32 : vector<16xf32> to vector<16xf32>
    %swap3A_34 = vector.shape_cast %broadcast_in_dim3A_30 : vector<16xf32> to vector<16xf32>
    tpu.vector_store %arg7[%swap3A_31], %swap3A_34 {strides = array<i32>} : memref<80xf32, #tpu.memory_space<vmem>>, vector<16xf32>,
    %broadcast_in_dim3A_35 = arith.constant 1.000000e+00 : f32
    %broadcast_in_dim3A_36 = vector.broadcast %broadcast_in_dim3A_35 : f32 to vector<16xf32>
    %swap3A_37 = arith.constant 48 : index
    %swap3A_38 = tpu.vector_load %arg6[%swap3A_37] {strides = array<i32>} : memref<80xf32, #tpu.memory_space<vmem>>, vector<16xf32>,
    %swap3A_39 = vector.shape_cast %swap3A_38 : vector<16xf32> to vector<16xf32>
    %swap3A_40 = vector.shape_cast %broadcast_in_dim3A_36 : vector<16xf32> to vector<16xf32>
    tpu.vector_store %arg6[%swap3A_37], %swap3A_40 {strides = array<i32>} : memref<80xf32, #tpu.memory_space<vmem>>, vector<16xf32>,
    %broadcast_in_dim3A_41 = arith.constant 0.000000e+00 : f32
    %broadcast_in_dim3A_42 = vector.broadcast %broadcast_in_dim3A_41 : f32 to vector<16xf32>
    %swap3A_43 = arith.constant 48 : index
    %swap3A_44 = tpu.vector_load %arg7[%swap3A_43] {strides = array<i32>} : memref<80xf32, #tpu.memory_space<vmem>>, vector<16xf32>,
    %swap3A_45 = vector.shape_cast %swap3A_44 : vector<16xf32> to vector<16xf32>
    %swap3A_46 = vector.shape_cast %broadcast_in_dim3A_42 : vector<16xf32> to vector<16xf32>
    tpu.vector_store %arg7[%swap3A_43], %swap3A_46 {strides = array<i32>} : memref<80xf32, #tpu.memory_space<vmem>>, vector<16xf32>,
    %broadcast_in_dim3A_47 = arith.constant 1.000000e+00 : f32
    %broadcast_in_dim3A_48 = vector.broadcast %broadcast_in_dim3A_47 : f32 to vector<16xf32>
    %swap3A_49 = arith.constant 64 : index
    %swap3A_50 = tpu.vector_load %arg6[%swap3A_49] {strides = array<i32>} : memref<80xf32, #tpu.memory_space<vmem>>, vector<16xf32>,
    %swap3A_51 = vector.shape_cast %swap3A_50 : vector<16xf32> to vector<16xf32>
    %swap3A_52 = vector.shape_cast %broadcast_in_dim3A_48 : vector<16xf32> to vector<16xf32>
    tpu.vector_store %arg6[%swap3A_49], %swap3A_52 {strides = array<i32>} : memref<80xf32, #tpu.memory_space<vmem>>, vector<16xf32>,
    %broadcast_in_dim3A_53 = arith.constant 0.000000e+00 : f32
    %broadcast_in_dim3A_54 = vector.broadcast %broadcast_in_dim3A_53 : f32 to vector<16xf32>
    %swap3A_55 = arith.constant 64 : index
    %swap3A_56 = tpu.vector_load %arg7[%swap3A_55] {strides = array<i32>} : memref<80xf32, #tpu.memory_space<vmem>>, vector<16xf32>,
    %swap3A_57 = vector.shape_cast %swap3A_56 : vector<16xf32> to vector<16xf32>
    %swap3A_58 = vector.shape_cast %broadcast_in_dim3A_54 : vector<16xf32> to vector<16xf32>
    tpu.vector_store %arg7[%swap3A_55], %swap3A_58 {strides = array<i32>} : memref<80xf32, #tpu.memory_space<vmem>>, vector<16xf32>,
    %sub3A = arith.constant 125 : i32
    %sub3A_59 = arith.subi %sub3A, %arg1 : i32
    %sub3A_60 = arith.constant 16 : i32
    %sub3A_61 = arith.constant 1 : i32
    %sub3A_62 = arith.subi %sub3A_60, %sub3A_61 : i32
    %add3A_63 = arith.addi %sub3A_59, %sub3A_62 : i32
    %div3A = arith.constant 16 : i32
    %div3A_64 = arith.divsi %add3A_63, %div3A : i32
    %while3A = arith.constant 16 : i32
    %while3A_65 = arith.constant 0 : i32
    %while3A_66 = arith.subi %div3A_64, %while3A_65 : i32
    %while3A_67 = arith.addi %while3A_65, %while3A_66 : i32
    %while3A_68 = arith.constant 1 : i32
    %while3A_69 = arith.divsi %while3A_66, %while3A_68 : i32
    %while3A_70 = arith.muli %while3A_69, %while3A_68 : i32
    %while3A_71 = arith.addi %while3A_65, %while3A_70 : i32
    %while3A_72 = arith.constant 1 : i32
    scf.for %while3A_97 = %while3A_65 to %while3A_71 step %while3A_72  : i32 {
      %mul3A_98 = arith.muli %while3A_97, %while3A : i32
      %add3A_99 = arith.addi %arg1, %mul3A_98 : i32
      %mul3A_100 = arith.constant 80 : i32
      %mul3A_101 = arith.muli %add3A_99, %mul3A_100 : i32
      "tpu.region"() ({
        %run_scoped3A = tpu.sem_alloc : memref<!tpu.dma_semaphore, #tpu.memory_space<semaphore_mem>>
        %dma_start3A = tpu.memref_slice %arg8[%mul3A_101] : memref<10000xf32, #tpu.memory_space<vmem_shared>> -> memref<80xf32, #tpu.memory_space<vmem_shared>>
        %dma_start3A_102 = tpu.memref_slice %arg8[%mul3A_101] : memref<10000xf32, #tpu.memory_space<vmem_shared>> -> memref<80xf32, #tpu.memory_space<vmem_shared>>
        tpu.enqueue_dma source(%arg7 : memref<80xf32, #tpu.memory_space<vmem>>) target(%dma_start3A_102 : memref<80xf32, #tpu.memory_space<vmem_shared>>) target_semaphore(%run_scoped3A : memref<!tpu.dma_semaphore, #tpu.memory_space<semaphore_mem>>)
        %dma_wait3A = tpu.memref_slice %arg8[%mul3A_101] : memref<10000xf32, #tpu.memory_space<vmem_shared>> -> memref<80xf32, #tpu.memory_space<vmem_shared>>
        %dma_wait3A_103 = tpu.memref_slice %arg8[%mul3A_101] : memref<10000xf32, #tpu.memory_space<vmem_shared>> -> memref<80xf32, #tpu.memory_space<vmem_shared>>
        tpu.wait_dma2 semaphore(%run_scoped3A : memref<!tpu.dma_semaphore, #tpu.memory_space<semaphore_mem>>) src(%arg7 : memref<80xf32, #tpu.memory_space<vmem>>) dst(%dma_wait3A_103 : memref<80xf32, #tpu.memory_space<vmem_shared>>)
        tpu.yield
      }) : () -> ()
    }
    %while3A_73 = arith.constant 1 : i32
    scf.for %while3A_97 = %while3A_71 to %while3A_67 step %while3A_73  : i32 {
      %mul3A_98 = arith.muli %while3A_97, %while3A : i32
      %add3A_99 = arith.addi %arg1, %mul3A_98 : i32
      %mul3A_100 = arith.constant 80 : i32
      %mul3A_101 = arith.muli %add3A_99, %mul3A_100 : i32
      "tpu.region"() ({
        %run_scoped3A = tpu.sem_alloc : memref<!tpu.dma_semaphore, #tpu.memory_space<semaphore_mem>>
        %dma_start3A = tpu.memref_slice %arg8[%mul3A_101] : memref<10000xf32, #tpu.memory_space<vmem_shared>> -> memref<80xf32, #tpu.memory_space<vmem_shared>>
        %dma_start3A_102 = tpu.memref_slice %arg8[%mul3A_101] : memref<10000xf32, #tpu.memory_space<vmem_shared>> -> memref<80xf32, #tpu.memory_space<vmem_shared>>
        tpu.enqueue_dma source(%arg7 : memref<80xf32, #tpu.memory_space<vmem>>) target(%dma_start3A_102 : memref<80xf32, #tpu.memory_space<vmem_shared>>) target_semaphore(%run_scoped3A : memref<!tpu.dma_semaphore, #tpu.memory_space<semaphore_mem>>)
        %dma_wait3A = tpu.memref_slice %arg8[%mul3A_101] : memref<10000xf32, #tpu.memory_space<vmem_shared>> -> memref<80xf32, #tpu.memory_space<vmem_shared>>
        %dma_wait3A_103 = tpu.memref_slice %arg8[%mul3A_101] : memref<10000xf32, #tpu.memory_space<vmem_shared>> -> memref<80xf32, #tpu.memory_space<vmem_shared>>
        tpu.wait_dma2 semaphore(%run_scoped3A : memref<!tpu.dma_semaphore, #tpu.memory_space<semaphore_mem>>) src(%arg7 : memref<80xf32, #tpu.memory_space<vmem>>) dst(%dma_wait3A_103 : memref<80xf32, #tpu.memory_space<vmem_shared>>)
        tpu.yield
      }) : () -> ()
    }
    %barrier3A = arith.constant 0 : index
    tpu.barrier barrier_id(%barrier3A)
    %scan3A = arith.constant 0 : i32
    %scan3A_74 = arith.constant 250 : i32
    %scan3A_75 = arith.addi %scan3A, %scan3A_74 : i32
    %scan3A_76 = arith.constant 1 : i32
    scf.for %scan3A_97 = %scan3A to %scan3A_75 step %scan3A_76  : i32 {
      %mul3A_98 = arith.constant 1 : i32
      %mul3A_99 = arith.muli %scan3A_97, %mul3A_98 : i32
      %add3A_100 = arith.constant 0 : i32
      %add3A_101 = arith.addi %add3A_100, %mul3A_99 : i32
      "tpu.region"() ({
        %run_scoped3A = tpu.sem_alloc : memref<!tpu.dma_semaphore, #tpu.memory_space<semaphore_mem>>
        %dma_start3A = arith.constant 0 : i32
        %dma_start3A_102 = tpu.memref_slice %arg5[%add3A_101, %dma_start3A] : memref<250x80xi32, #tpu.memory_space<vmem>> -> memref<1x80xi32, #tpu.memory_space<vmem>>
        %dma_start3A_103 = tpu.memref_squeeze %dma_start3A_102 : memref<1x80xi32, #tpu.memory_space<vmem>> -> memref<80xi32, #tpu.memory_space<vmem>>
        %dma_start3A_104 = arith.constant 0 : i32
        %dma_start3A_105 = tpu.memref_slice %arg8[%dma_start3A_104] : memref<10000xf32, #tpu.memory_space<vmem_shared>> -> memref<10000xf32, #tpu.memory_space<vmem_shared>>
        tpu.enqueue_indirect_dma source(%arg6 : memref<80xf32, #tpu.memory_space<vmem>>) target(%dma_start3A_105 : memref<10000xf32, #tpu.memory_space<vmem_shared>>) offsets(%dma_start3A_103 : memref<80xi32, #tpu.memory_space<vmem>>) semaphore(%run_scoped3A : memref<!tpu.dma_semaphore, #tpu.memory_space<semaphore_mem>>) {add = true}
        %dma_wait3A = arith.constant 0 : i32
        %dma_wait3A_106 = tpu.memref_slice %arg5[%add3A_101, %dma_wait3A] : memref<250x80xi32, #tpu.memory_space<vmem>> -> memref<1x80xi32, #tpu.memory_space<vmem>>
        %dma_wait3A_107 = tpu.memref_squeeze %dma_wait3A_106 : memref<1x80xi32, #tpu.memory_space<vmem>> -> memref<80xi32, #tpu.memory_space<vmem>>
        %dma_wait3A_108 = arith.constant 0 : i32
        %dma_wait3A_109 = tpu.memref_slice %arg8[%dma_wait3A_108] : memref<10000xf32, #tpu.memory_space<vmem_shared>> -> memref<10000xf32, #tpu.memory_space<vmem_shared>>
        tpu.wait_indirect_dma semaphore(%run_scoped3A : memref<!tpu.dma_semaphore, #tpu.memory_space<semaphore_mem>>) src(%arg6 : memref<80xf32, #tpu.memory_space<vmem>>) dst(%dma_wait3A_109 : memref<10000xf32, #tpu.memory_space<vmem_shared>>)
        tpu.yield
      }) : () -> ()
    }
    %scan3A_77 = arith.constant 250 : i32
    %barrier3A_78 = arith.constant 0 : index
    tpu.barrier barrier_id(%barrier3A_78)
    %sub3A_79 = arith.constant 125 : i32
    %sub3A_80 = arith.subi %sub3A_79, %arg1 : i32
    %sub3A_81 = arith.constant 16 : i32
    %sub3A_82 = arith.constant 1 : i32
    %sub3A_83 = arith.subi %sub3A_81, %sub3A_82 : i32
    %add3A_84 = arith.addi %sub3A_80, %sub3A_83 : i32
    %div3A_85 = arith.constant 16 : i32
    %div3A_86 = arith.divsi %add3A_84, %div3A_85 : i32
    %while3A_87 = arith.constant 16 : i32
    %while3A_88 = arith.constant 0 : i32
    %while3A_89 = arith.subi %div3A_86, %while3A_88 : i32
    %while3A_90 = arith.addi %while3A_88, %while3A_89 : i32
    %while3A_91 = arith.constant 1 : i32
    %while3A_92 = arith.divsi %while3A_89, %while3A_91 : i32
    %while3A_93 = arith.muli %while3A_92, %while3A_91 : i32
    %while3A_94 = arith.addi %while3A_88, %while3A_93 : i32
    %while3A_95 = arith.constant 1 : i32
    scf.for %while3A_97 = %while3A_88 to %while3A_94 step %while3A_95  : i32 {
      %mul3A_98 = arith.muli %while3A_97, %while3A_87 : i32
      %add3A_99 = arith.addi %arg1, %mul3A_98 : i32
      %mul3A_100 = arith.constant 80 : i32
      %mul3A_101 = arith.muli %add3A_99, %mul3A_100 : i32
      "tpu.region"() ({
        %run_scoped3A = tpu.sem_alloc : memref<!tpu.dma_semaphore, #tpu.memory_space<semaphore_mem>>
        %dma_start3A = tpu.memref_slice %arg8[%mul3A_101] : memref<10000xf32, #tpu.memory_space<vmem_shared>> -> memref<80xf32, #tpu.memory_space<vmem_shared>>
        %dma_start3A_109 = tpu.memref_slice %arg8[%mul3A_101] : memref<10000xf32, #tpu.memory_space<vmem_shared>> -> memref<80xf32, #tpu.memory_space<vmem_shared>>
        tpu.enqueue_dma source(%dma_start3A_109 : memref<80xf32, #tpu.memory_space<vmem_shared>>) target(%arg7 : memref<80xf32, #tpu.memory_space<vmem>>) target_semaphore(%run_scoped3A : memref<!tpu.dma_semaphore, #tpu.memory_space<semaphore_mem>>)
        %dma_wait3A = tpu.memref_slice %arg8[%mul3A_101] : memref<10000xf32, #tpu.memory_space<vmem_shared>> -> memref<80xf32, #tpu.memory_space<vmem_shared>>
        %dma_wait3A_110 = tpu.memref_slice %arg8[%mul3A_101] : memref<10000xf32, #tpu.memory_space<vmem_shared>> -> memref<80xf32, #tpu.memory_space<vmem_shared>>
        tpu.wait_dma2 semaphore(%run_scoped3A : memref<!tpu.dma_semaphore, #tpu.memory_space<semaphore_mem>>) src(%dma_wait3A_110 : memref<80xf32, #tpu.memory_space<vmem_shared>>) dst(%arg7 : memref<80xf32, #tpu.memory_space<vmem>>)
        tpu.yield
      }) : () -> ()
      %eq3A = arith.constant 0 : i32
      %eq3A_102 = arith.cmpi eq, %arg0, %eq3A : i32
      %convert_element_type3A = arith.extui %eq3A_102 : i1 to i32
      %cond3A = arith.constant 0 : i32
      %cond3A_103 = arith.cmpi ne, %convert_element_type3A, %cond3A : i32
      scf.if %cond3A_103 {
        %mul3A_109 = arith.constant 80 : i32
        %mul3A_110 = arith.muli %add3A_99, %mul3A_109 : i32
        "tpu.region"() ({
          %run_scoped3A = tpu.sem_alloc : memref<!tpu.dma_semaphore, #tpu.memory_space<semaphore_mem>>
          %dma_start3A = tpu.memref_slice %arg3[%mul3A_110] : memref<10000xf32, #tpu.memory_space<hbm>> -> memref<80xf32, #tpu.memory_space<hbm>>
          %dma_start3A_111 = tpu.memref_slice %arg3[%mul3A_110] : memref<10000xf32, #tpu.memory_space<hbm>> -> memref<80xf32, #tpu.memory_space<hbm>>
          tpu.enqueue_dma source(%arg7 : memref<80xf32, #tpu.memory_space<vmem>>) target(%dma_start3A_111 : memref<80xf32, #tpu.memory_space<hbm>>) target_semaphore(%run_scoped3A : memref<!tpu.dma_semaphore, #tpu.memory_space<semaphore_mem>>)
          %dma_wait3A = tpu.memref_slice %arg3[%mul3A_110] : memref<10000xf32, #tpu.memory_space<hbm>> -> memref<80xf32, #tpu.memory_space<hbm>>
          %dma_wait3A_112 = tpu.memref_slice %arg3[%mul3A_110] : memref<10000xf32, #tpu.memory_space<hbm>> -> memref<80xf32, #tpu.memory_space<hbm>>
          tpu.wait_dma2 semaphore(%run_scoped3A : memref<!tpu.dma_semaphore, #tpu.memory_space<semaphore_mem>>) src(%arg7 : memref<80xf32, #tpu.memory_space<vmem>>) dst(%dma_wait3A_112 : memref<80xf32, #tpu.memory_space<hbm>>)
          tpu.yield
        }) : () -> ()
      } else {
      }
      %eq3A_104 = arith.constant 1 : i32
      %eq3A_105 = arith.cmpi eq, %arg0, %eq3A_104 : i32
      %convert_element_type3A_106 = arith.extui %eq3A_105 : i1 to i32
      %cond3A_107 = arith.constant 0 : i32
      %cond3A_108 = arith.cmpi ne, %convert_element_type3A_106, %cond3A_107 : i32
      scf.if %cond3A_108 {
        %mul3A_109 = arith.constant 80 : i32
        %mul3A_110 = arith.muli %add3A_99, %mul3A_109 : i32
        "tpu.region"() ({
          %run_scoped3A = tpu.sem_alloc : memref<!tpu.dma_semaphore, #tpu.memory_space<semaphore_mem>>
          %dma_start3A = tpu.memref_slice %arg4[%mul3A_110] : memref<10000xf32, #tpu.memory_space<hbm>> -> memref<80xf32, #tpu.memory_space<hbm>>
          %dma_start3A_111 = tpu.memref_slice %arg4[%mul3A_110] : memref<10000xf32, #tpu.memory_space<hbm>> -> memref<80xf32, #tpu.memory_space<hbm>>
          tpu.enqueue_dma source(%arg7 : memref<80xf32, #tpu.memory_space<vmem>>) target(%dma_start3A_111 : memref<80xf32, #tpu.memory_space<hbm>>) target_semaphore(%run_scoped3A : memref<!tpu.dma_semaphore, #tpu.memory_space<semaphore_mem>>)
          %dma_wait3A = tpu.memref_slice %arg4[%mul3A_110] : memref<10000xf32, #tpu.memory_space<hbm>> -> memref<80xf32, #tpu.memory_space<hbm>>
          %dma_wait3A_112 = tpu.memref_slice %arg4[%mul3A_110] : memref<10000xf32, #tpu.memory_space<hbm>> -> memref<80xf32, #tpu.memory_space<hbm>>
          tpu.wait_dma2 semaphore(%run_scoped3A : memref<!tpu.dma_semaphore, #tpu.memory_space<semaphore_mem>>) src(%arg7 : memref<80xf32, #tpu.memory_space<vmem>>) dst(%dma_wait3A_112 : memref<80xf32, #tpu.memory_space<hbm>>)
          tpu.yield
        }) : () -> ()
      } else {
      }
    }
    %while3A_96 = arith.constant 1 : i32
    scf.for %while3A_97 = %while3A_94 to %while3A_90 step %while3A_96  : i32 {
      %mul3A_98 = arith.muli %while3A_97, %while3A_87 : i32
      %add3A_99 = arith.addi %arg1, %mul3A_98 : i32
      %mul3A_100 = arith.constant 80 : i32
      %mul3A_101 = arith.muli %add3A_99, %mul3A_100 : i32
      "tpu.region"() ({
        %run_scoped3A = tpu.sem_alloc : memref<!tpu.dma_semaphore, #tpu.memory_space<semaphore_mem>>
        %dma_start3A = tpu.memref_slice %arg8[%mul3A_101] : memref<10000xf32, #tpu.memory_space<vmem_shared>> -> memref<80xf32, #tpu.memory_space<vmem_shared>>
        %dma_start3A_109 = tpu.memref_slice %arg8[%mul3A_101] : memref<10000xf32, #tpu.memory_space<vmem_shared>> -> memref<80xf32, #tpu.memory_space<vmem_shared>>
        tpu.enqueue_dma source(%dma_start3A_109 : memref<80xf32, #tpu.memory_space<vmem_shared>>) target(%arg7 : memref<80xf32, #tpu.memory_space<vmem>>) target_semaphore(%run_scoped3A : memref<!tpu.dma_semaphore, #tpu.memory_space<semaphore_mem>>)
        %dma_wait3A = tpu.memref_slice %arg8[%mul3A_101] : memref<10000xf32, #tpu.memory_space<vmem_shared>> -> memref<80xf32, #tpu.memory_space<vmem_shared>>
        %dma_wait3A_110 = tpu.memref_slice %arg8[%mul3A_101] : memref<10000xf32, #tpu.memory_space<vmem_shared>> -> memref<80xf32, #tpu.memory_space<vmem_shared>>
        tpu.wait_dma2 semaphore(%run_scoped3A : memref<!tpu.dma_semaphore, #tpu.memory_space<semaphore_mem>>) src(%dma_wait3A_110 : memref<80xf32, #tpu.memory_space<vmem_shared>>) dst(%arg7 : memref<80xf32, #tpu.memory_space<vmem>>)
        tpu.yield
      }) : () -> ()
      %eq3A = arith.constant 0 : i32
      %eq3A_102 = arith.cmpi eq, %arg0, %eq3A : i32
      %convert_element_type3A = arith.extui %eq3A_102 : i1 to i32
      %cond3A = arith.constant 0 : i32
      %cond3A_103 = arith.cmpi ne, %convert_element_type3A, %cond3A : i32
      scf.if %cond3A_103 {
        %mul3A_109 = arith.constant 80 : i32
        %mul3A_110 = arith.muli %add3A_99, %mul3A_109 : i32
        "tpu.region"() ({
          %run_scoped3A = tpu.sem_alloc : memref<!tpu.dma_semaphore, #tpu.memory_space<semaphore_mem>>
          %dma_start3A = tpu.memref_slice %arg3[%mul3A_110] : memref<10000xf32, #tpu.memory_space<hbm>> -> memref<80xf32, #tpu.memory_space<hbm>>
          %dma_start3A_111 = tpu.memref_slice %arg3[%mul3A_110] : memref<10000xf32, #tpu.memory_space<hbm>> -> memref<80xf32, #tpu.memory_space<hbm>>
          tpu.enqueue_dma source(%arg7 : memref<80xf32, #tpu.memory_space<vmem>>) target(%dma_start3A_111 : memref<80xf32, #tpu.memory_space<hbm>>) target_semaphore(%run_scoped3A : memref<!tpu.dma_semaphore, #tpu.memory_space<semaphore_mem>>)
          %dma_wait3A = tpu.memref_slice %arg3[%mul3A_110] : memref<10000xf32, #tpu.memory_space<hbm>> -> memref<80xf32, #tpu.memory_space<hbm>>
          %dma_wait3A_112 = tpu.memref_slice %arg3[%mul3A_110] : memref<10000xf32, #tpu.memory_space<hbm>> -> memref<80xf32, #tpu.memory_space<hbm>>
          tpu.wait_dma2 semaphore(%run_scoped3A : memref<!tpu.dma_semaphore, #tpu.memory_space<semaphore_mem>>) src(%arg7 : memref<80xf32, #tpu.memory_space<vmem>>) dst(%dma_wait3A_112 : memref<80xf32, #tpu.memory_space<hbm>>)
          tpu.yield
        }) : () -> ()
      } else {
      }
      %eq3A_104 = arith.constant 1 : i32
      %eq3A_105 = arith.cmpi eq, %arg0, %eq3A_104 : i32
      %convert_element_type3A_106 = arith.extui %eq3A_105 : i1 to i32
      %cond3A_107 = arith.constant 0 : i32
      %cond3A_108 = arith.cmpi ne, %convert_element_type3A_106, %cond3A_107 : i32
      scf.if %cond3A_108 {
        %mul3A_109 = arith.constant 80 : i32
        %mul3A_110 = arith.muli %add3A_99, %mul3A_109 : i32
        "tpu.region"() ({
          %run_scoped3A = tpu.sem_alloc : memref<!tpu.dma_semaphore, #tpu.memory_space<semaphore_mem>>
          %dma_start3A = tpu.memref_slice %arg4[%mul3A_110] : memref<10000xf32, #tpu.memory_space<hbm>> -> memref<80xf32, #tpu.memory_space<hbm>>
          %dma_start3A_111 = tpu.memref_slice %arg4[%mul3A_110] : memref<10000xf32, #tpu.memory_space<hbm>> -> memref<80xf32, #tpu.memory_space<hbm>>
          tpu.enqueue_dma source(%arg7 : memref<80xf32, #tpu.memory_space<vmem>>) target(%dma_start3A_111 : memref<80xf32, #tpu.memory_space<hbm>>) target_semaphore(%run_scoped3A : memref<!tpu.dma_semaphore, #tpu.memory_space<semaphore_mem>>)
          %dma_wait3A = tpu.memref_slice %arg4[%mul3A_110] : memref<10000xf32, #tpu.memory_space<hbm>> -> memref<80xf32, #tpu.memory_space<hbm>>
          %dma_wait3A_112 = tpu.memref_slice %arg4[%mul3A_110] : memref<10000xf32, #tpu.memory_space<hbm>> -> memref<80xf32, #tpu.memory_space<hbm>>
          tpu.wait_dma2 semaphore(%run_scoped3A : memref<!tpu.dma_semaphore, #tpu.memory_space<semaphore_mem>>) src(%arg7 : memref<80xf32, #tpu.memory_space<vmem>>) dst(%dma_wait3A_112 : memref<80xf32, #tpu.memory_space<hbm>>)
          tpu.yield
        }) : () -> ()
      } else {
      }
    }
    return
  }
}

module attributes {stable_mosaic.version = 14 : i64} {
  func.func @_dis_body(%arg0: i32, %arg1: memref<1x10000xf32, #tpu.memory_space<vmem>>, %arg2: memref<1x10000xf32, #tpu.memory_space<vmem>>, %arg3: memref<1x10000xf32, #tpu.memory_space<vmem>>) attributes {dimension_semantics = [#tpu.dimension_semantics<arbitrary>], iteration_bounds = array<i64: 1>, scalar_prefetch = 0 : i64, scratch_operands = 0 : i64, tpu.core_type = #tpu.core_type<tc>, window_params = [{pipeline_mode = #tpu.pipeline_mode<synchronous>, transform_indices = @transform_0, window_bounds = array<i64: 1, 10000>}, {pipeline_mode = #tpu.pipeline_mode<synchronous>, transform_indices = @transform_1, window_bounds = array<i64: 1, 10000>}, {pipeline_mode = #tpu.pipeline_mode<synchronous>, transform_indices = @transform_2, window_bounds = array<i64: 1, 10000>}]} {
    %get3A = arith.constant 0 : index
    %get3A_0 = arith.constant 0 : index
    %get3A_1 = vector.load %arg1[%get3A, %get3A_0] : memref<1x10000xf32, #tpu.memory_space<vmem>>, vector<1x10000xf32>
    %get3A_2 = arith.constant 0 : index
    %get3A_3 = arith.constant 0 : index
    %get3A_4 = vector.load %arg2[%get3A_2, %get3A_3] : memref<1x10000xf32, #tpu.memory_space<vmem>>, vector<1x10000xf32>
    %add3A = arith.addf %get3A_1, %get3A_4 : vector<1x10000xf32>
    %gt3A = arith.constant 0.000000e+00 : f32
    %gt3A_5 = vector.broadcast %gt3A : f32 to vector<1x10000xf32>
    %gt3A_6 = arith.cmpf ogt, %add3A, %gt3A_5 : vector<1x10000xf32>
    %max3A = arith.constant 1.000000e+00 : f32
    %max3A_7 = vector.broadcast %max3A : f32 to vector<1x10000xf32>
    %max3A_8 = arith.maximumf %add3A, %max3A_7 : vector<1x10000xf32>
    %sqrt3A = math.sqrt %max3A_8 : vector<1x10000xf32>
    %div3A = arith.constant 1.000000e+00 : f32
    %div3A_9 = vector.broadcast %div3A : f32 to vector<1x10000xf32>
    %div3A_10 = arith.divf %div3A_9, %sqrt3A : vector<1x10000xf32>
    %jit3A = arith.constant 0.000000e+00 : f32
    %broadcast_in_dim3A = vector.broadcast %jit3A : f32 to vector<1x10000xf32>
    %select_n3A = arith.select %gt3A_6, %div3A_10, %broadcast_in_dim3A : vector<1x10000xi1>, vector<1x10000xf32>
    %swap3A = arith.constant 0 : index
    %swap3A_11 = arith.constant 0 : index
    %swap3A_12 = vector.load %arg3[%swap3A, %swap3A_11] : memref<1x10000xf32, #tpu.memory_space<vmem>>, vector<1x10000xf32>
    tpu.vector_store %arg3[%swap3A, %swap3A_11], %select_n3A {strides = array<i32>} : memref<1x10000xf32, #tpu.memory_space<vmem>>, vector<1x10000xf32>,
    return
  }
  func.func @transform_0(%arg0: i32) -> (i32, i32) {
    %c0_i32 = arith.constant 0 : i32
    %c0_i32_0 = arith.constant 0 : i32
    %c0_i32_1 = arith.constant 0 : i32
    return %c0_i32, %c0_i32_0 : i32, i32
  }
  func.func @transform_1(%arg0: i32) -> (i32, i32) {
    %c0_i32 = arith.constant 0 : i32
    %c0_i32_0 = arith.constant 0 : i32
    %c0_i32_1 = arith.constant 0 : i32
    return %c0_i32, %c0_i32_0 : i32, i32
  }
  func.func @transform_2(%arg0: i32) -> (i32, i32) {
    %c0_i32 = arith.constant 0 : i32
    %c0_i32_0 = arith.constant 0 : i32
    %c0_i32_1 = arith.constant 0 : i32
    return %c0_i32, %c0_i32_0 : i32, i32
  }
}

module attributes {stable_mosaic.version = 14 : i64} {
  func.func @_mm_scale_body(%arg0: i32, %arg1: memref<400x128xf32, #tpu.memory_space<vmem>>, %arg2: memref<128x128xf32, #tpu.memory_space<vmem>>, %arg3: memref<400x1xf32, #tpu.memory_space<vmem>>, %arg4: memref<400x64xf32, #tpu.memory_space<vmem>>, %arg5: memref<400x64xf32, #tpu.memory_space<vmem>>) attributes {dimension_semantics = [#tpu.dimension_semantics<arbitrary>], iteration_bounds = array<i64: 25>, scalar_prefetch = 0 : i64, scratch_operands = 0 : i64, tpu.core_type = #tpu.core_type<tc>, window_params = [{transform_indices = @transform_0, window_bounds = array<i64: 400, 128>}, {pipeline_mode = #tpu.pipeline_mode<synchronous>, transform_indices = @transform_1, window_bounds = array<i64: 128, 128>}, {transform_indices = @transform_2, window_bounds = array<i64: 400, 1>}, {transform_indices = @transform_3, window_bounds = array<i64: 400, 64>}, {transform_indices = @transform_4, window_bounds = array<i64: 400, 64>}]} {
    %get3A = arith.constant 0 : index
    %get3A_0 = arith.constant 0 : index
    %get3A_1 = vector.load %arg1[%get3A, %get3A_0] : memref<400x128xf32, #tpu.memory_space<vmem>>, vector<400x128xf32>
    %get3A_2 = arith.constant 0 : index
    %get3A_3 = arith.constant 0 : index
    %get3A_4 = vector.load %arg2[%get3A_2, %get3A_3] : memref<128x128xf32, #tpu.memory_space<vmem>>, vector<128x128xf32>
    %dot_general3A = arith.constant dense<0.000000e+00> : vector<400x128xf32>
    %dot_general3A_5 = tpu.matmul %get3A_1, %get3A_4, %dot_general3A {dimension_numbers = #tpu.dot_dimension_numbers<[1], [0], [0], [1], [0, 0, 1, 1], [], []>, transpose_lhs_hint = false} : vector<400x128xf32>, vector<128x128xf32>, vector<400x128xf32> -> vector<400x128xf32>
    %get3A_6 = arith.constant 0 : index
    %get3A_7 = arith.constant 0 : index
    %get3A_8 = vector.load %arg3[%get3A_6, %get3A_7] : memref<400x1xf32, #tpu.memory_space<vmem>>, vector<400x1xf32>
    %mul3A = vector.broadcast %get3A_8 : vector<400x1xf32> to vector<400x128xf32>
    %mul3A_9 = arith.mulf %dot_general3A_5, %mul3A : vector<400x128xf32>
    %slice3A = vector.extract_strided_slice %mul3A_9 {offsets = [0, 0], sizes = [400, 64], strides = [1, 1]} : vector<400x128xf32> to vector<400x64xf32>
    %swap3A = arith.constant 0 : index
    %swap3A_10 = arith.constant 0 : index
    %swap3A_11 = vector.load %arg4[%swap3A, %swap3A_10] : memref<400x64xf32, #tpu.memory_space<vmem>>, vector<400x64xf32>
    tpu.vector_store %arg4[%swap3A, %swap3A_10], %slice3A {strides = array<i32>} : memref<400x64xf32, #tpu.memory_space<vmem>>, vector<400x64xf32>,
    %slice3A_12 = vector.extract_strided_slice %mul3A_9 {offsets = [0, 64], sizes = [400, 64], strides = [1, 1]} : vector<400x128xf32> to vector<400x64xf32>
    %swap3A_13 = arith.constant 0 : index
    %swap3A_14 = arith.constant 0 : index
    %swap3A_15 = vector.load %arg5[%swap3A_13, %swap3A_14] : memref<400x64xf32, #tpu.memory_space<vmem>>, vector<400x64xf32>
    tpu.vector_store %arg5[%swap3A_13, %swap3A_14], %slice3A_12 {strides = array<i32>} : memref<400x64xf32, #tpu.memory_space<vmem>>, vector<400x64xf32>,
    return
  }
  func.func @transform_0(%arg0: i32) -> (i32, i32) {
    %c0_i32 = arith.constant 0 : i32
    %c0_i32_0 = arith.constant 0 : i32
    return %arg0, %c0_i32 : i32, i32
  }
  func.func @transform_1(%arg0: i32) -> (i32, i32) {
    %c0_i32 = arith.constant 0 : i32
    %c0_i32_0 = arith.constant 0 : i32
    %c0_i32_1 = arith.constant 0 : i32
    return %c0_i32, %c0_i32_0 : i32, i32
  }
  func.func @transform_2(%arg0: i32) -> (i32, i32) {
    %c0_i32 = arith.constant 0 : i32
    %c0_i32_0 = arith.constant 0 : i32
    return %arg0, %c0_i32 : i32, i32
  }
  func.func @transform_3(%arg0: i32) -> (i32, i32) {
    %c0_i32 = arith.constant 0 : i32
    %c0_i32_0 = arith.constant 0 : i32
    return %arg0, %c0_i32 : i32, i32
  }
  func.func @transform_4(%arg0: i32) -> (i32, i32) {
    %c0_i32 = arith.constant 0 : i32
    %c0_i32_0 = arith.constant 0 : i32
    return %arg0, %c0_i32 : i32, i32
  }
}

module attributes {stable_mosaic.version = 14 : i64} {
  func.func @_mid_body(%arg0: i32, %arg1: memref<400x64xf32, #tpu.memory_space<vmem>>, %arg2: memref<400x64xf32, #tpu.memory_space<vmem>>, %arg3: memref<400x64xf32, #tpu.memory_space<vmem>>, %arg4: memref<400x64xf32, #tpu.memory_space<vmem>>, %arg5: memref<400x1xf32, #tpu.memory_space<vmem>>, %arg6: memref<1x128xf32, #tpu.memory_space<vmem>>, %arg7: memref<1x128xf32, #tpu.memory_space<vmem>>, %arg8: memref<1x128xf32, #tpu.memory_space<vmem>>, %arg9: memref<128x128xf32, #tpu.memory_space<vmem>>, %arg10: memref<400x64xf32, #tpu.memory_space<vmem>>, %arg11: memref<400x64xf32, #tpu.memory_space<vmem>>) attributes {dimension_semantics = [#tpu.dimension_semantics<arbitrary>], iteration_bounds = array<i64: 25>, scalar_prefetch = 0 : i64, scratch_operands = 0 : i64, tpu.core_type = #tpu.core_type<tc>, window_params = [{transform_indices = @transform_0, window_bounds = array<i64: 400, 64>}, {transform_indices = @transform_1, window_bounds = array<i64: 400, 64>}, {transform_indices = @transform_2, window_bounds = array<i64: 400, 64>}, {transform_indices = @transform_3, window_bounds = array<i64: 400, 64>}, {transform_indices = @transform_4, window_bounds = array<i64: 400, 1>}, {pipeline_mode = #tpu.pipeline_mode<synchronous>, transform_indices = @transform_5, window_bounds = array<i64: 1, 128>}, {pipeline_mode = #tpu.pipeline_mode<synchronous>, transform_indices = @transform_6, window_bounds = array<i64: 1, 128>}, {pipeline_mode = #tpu.pipeline_mode<synchronous>, transform_indices = @transform_7, window_bounds = array<i64: 1, 128>}, {pipeline_mode = #tpu.pipeline_mode<synchronous>, transform_indices = @transform_8, window_bounds = array<i64: 128, 128>}, {transform_indices = @transform_9, window_bounds = array<i64: 400, 64>}, {transform_indices = @transform_10, window_bounds = array<i64: 400, 64>}]} {
    %get3A = arith.constant 0 : index
    %get3A_0 = arith.constant 0 : index
    %get3A_1 = vector.load %arg5[%get3A, %get3A_0] : memref<400x1xf32, #tpu.memory_space<vmem>>, vector<400x1xf32>
    %get3A_2 = arith.constant 0 : index
    %get3A_3 = arith.constant 0 : index
    %get3A_4 = vector.load %arg1[%get3A_2, %get3A_3] : memref<400x64xf32, #tpu.memory_space<vmem>>, vector<400x64xf32>
    %get3A_5 = arith.constant 0 : index
    %get3A_6 = arith.constant 0 : index
    %get3A_7 = vector.load %arg2[%get3A_5, %get3A_6] : memref<400x64xf32, #tpu.memory_space<vmem>>, vector<400x64xf32>
    %add3A = arith.addf %get3A_4, %get3A_7 : vector<400x64xf32>
    %get3A_8 = arith.constant 0 : index
    %get3A_9 = arith.constant 0 : index
    %get3A_10 = vector.load %arg3[%get3A_8, %get3A_9] : memref<400x64xf32, #tpu.memory_space<vmem>>, vector<400x64xf32>
    %get3A_11 = arith.constant 0 : index
    %get3A_12 = arith.constant 0 : index
    %get3A_13 = vector.load %arg4[%get3A_11, %get3A_12] : memref<400x64xf32, #tpu.memory_space<vmem>>, vector<400x64xf32>
    %add3A_14 = arith.addf %get3A_10, %get3A_13 : vector<400x64xf32>
    %concatenate3A = tpu.concatenate %add3A, %add3A_14 in 1 : vector<400x64xf32>, vector<400x64xf32> -> vector<400x128xf32>
    %mul3A = vector.broadcast %get3A_1 : vector<400x1xf32> to vector<400x128xf32>
    %mul3A_15 = arith.mulf %concatenate3A, %mul3A : vector<400x128xf32>
    %get3A_16 = arith.constant 0 : index
    %get3A_17 = arith.constant 0 : index
    %get3A_18 = vector.load %arg6[%get3A_16, %get3A_17] : memref<1x128xf32, #tpu.memory_space<vmem>>, vector<1x128xf32>
    %add3A_19 = vector.broadcast %get3A_18 : vector<1x128xf32> to vector<400x128xf32>
    %add3A_20 = arith.addf %mul3A_15, %add3A_19 : vector<400x128xf32>
    %reduce_sum3A = arith.constant dense<0.000000e+00> : vector<400xf32>
    %reduce_sum3A_21 = vector.multi_reduction <add>, %add3A_20, %reduce_sum3A [1] : vector<400x128xf32> to vector<400xf32>
    %broadcast_in_dim3A = vector.shape_cast %reduce_sum3A_21 : vector<400xf32> to vector<400x1xf32>
    %div3A = arith.constant 1.280000e+02 : f32
    %div3A_22 = vector.broadcast %div3A : f32 to vector<400x1xf32>
    %div3A_23 = arith.divf %broadcast_in_dim3A, %div3A_22 : vector<400x1xf32>
    %sub3A = vector.broadcast %div3A_23 : vector<400x1xf32> to vector<400x128xf32>
    %sub3A_24 = arith.subf %add3A_20, %sub3A : vector<400x128xf32>
    %integer_pow3A = arith.mulf %sub3A_24, %sub3A_24 : vector<400x128xf32>
    %reduce_sum3A_25 = arith.constant dense<0.000000e+00> : vector<400xf32>
    %reduce_sum3A_26 = vector.multi_reduction <add>, %integer_pow3A, %reduce_sum3A_25 [1] : vector<400x128xf32> to vector<400xf32>
    %broadcast_in_dim3A_27 = vector.shape_cast %reduce_sum3A_26 : vector<400xf32> to vector<400x1xf32>
    %div3A_28 = arith.constant 1.280000e+02 : f32
    %div3A_29 = vector.broadcast %div3A_28 : f32 to vector<400x1xf32>
    %div3A_30 = arith.divf %broadcast_in_dim3A_27, %div3A_29 : vector<400x1xf32>
    %sub3A_31 = vector.broadcast %div3A_23 : vector<400x1xf32> to vector<400x128xf32>
    %sub3A_32 = arith.subf %add3A_20, %sub3A_31 : vector<400x128xf32>
    %add3A_33 = arith.constant 9.99999974E-6 : f32
    %add3A_34 = vector.broadcast %add3A_33 : f32 to vector<400x1xf32>
    %add3A_35 = arith.addf %div3A_30, %add3A_34 : vector<400x1xf32>
    %sqrt3A = math.sqrt %add3A_35 : vector<400x1xf32>
    %div3A_36 = vector.broadcast %sqrt3A : vector<400x1xf32> to vector<400x128xf32>
    %div3A_37 = arith.divf %sub3A_32, %div3A_36 : vector<400x128xf32>
    %get3A_38 = arith.constant 0 : index
    %get3A_39 = arith.constant 0 : index
    %get3A_40 = vector.load %arg7[%get3A_38, %get3A_39] : memref<1x128xf32, #tpu.memory_space<vmem>>, vector<1x128xf32>
    %mul3A_41 = vector.broadcast %get3A_40 : vector<1x128xf32> to vector<400x128xf32>
    %mul3A_42 = arith.mulf %div3A_37, %mul3A_41 : vector<400x128xf32>
    %get3A_43 = arith.constant 0 : index
    %get3A_44 = arith.constant 0 : index
    %get3A_45 = vector.load %arg8[%get3A_43, %get3A_44] : memref<1x128xf32, #tpu.memory_space<vmem>>, vector<1x128xf32>
    %add3A_46 = vector.broadcast %get3A_45 : vector<1x128xf32> to vector<400x128xf32>
    %add3A_47 = arith.addf %mul3A_42, %add3A_46 : vector<400x128xf32>
    %max3A = arith.constant 0.000000e+00 : f32
    %max3A_48 = vector.broadcast %max3A : f32 to vector<400x128xf32>
    %max3A_49 = arith.maximumf %add3A_47, %max3A_48 : vector<400x128xf32>
    %get3A_50 = arith.constant 0 : index
    %get3A_51 = arith.constant 0 : index
    %get3A_52 = vector.load %arg9[%get3A_50, %get3A_51] : memref<128x128xf32, #tpu.memory_space<vmem>>, vector<128x128xf32>
    %dot_general3A = arith.constant dense<0.000000e+00> : vector<400x128xf32>
    %dot_general3A_53 = tpu.matmul %max3A_49, %get3A_52, %dot_general3A {dimension_numbers = #tpu.dot_dimension_numbers<[1], [0], [0], [1], [0, 0, 1, 1], [], []>, transpose_lhs_hint = false} : vector<400x128xf32>, vector<128x128xf32>, vector<400x128xf32> -> vector<400x128xf32>
    %mul3A_54 = vector.broadcast %get3A_1 : vector<400x1xf32> to vector<400x128xf32>
    %mul3A_55 = arith.mulf %dot_general3A_53, %mul3A_54 : vector<400x128xf32>
    %slice3A = vector.extract_strided_slice %mul3A_55 {offsets = [0, 0], sizes = [400, 64], strides = [1, 1]} : vector<400x128xf32> to vector<400x64xf32>
    %swap3A = arith.constant 0 : index
    %swap3A_56 = arith.constant 0 : index
    %swap3A_57 = vector.load %arg10[%swap3A, %swap3A_56] : memref<400x64xf32, #tpu.memory_space<vmem>>, vector<400x64xf32>
    tpu.vector_store %arg10[%swap3A, %swap3A_56], %slice3A {strides = array<i32>} : memref<400x64xf32, #tpu.memory_space<vmem>>, vector<400x64xf32>,
    %slice3A_58 = vector.extract_strided_slice %mul3A_55 {offsets = [0, 64], sizes = [400, 64], strides = [1, 1]} : vector<400x128xf32> to vector<400x64xf32>
    %swap3A_59 = arith.constant 0 : index
    %swap3A_60 = arith.constant 0 : index
    %swap3A_61 = vector.load %arg11[%swap3A_59, %swap3A_60] : memref<400x64xf32, #tpu.memory_space<vmem>>, vector<400x64xf32>
    tpu.vector_store %arg11[%swap3A_59, %swap3A_60], %slice3A_58 {strides = array<i32>} : memref<400x64xf32, #tpu.memory_space<vmem>>, vector<400x64xf32>,
    return
  }
  func.func @transform_0(%arg0: i32) -> (i32, i32) {
    %c0_i32 = arith.constant 0 : i32
    %c0_i32_0 = arith.constant 0 : i32
    return %arg0, %c0_i32 : i32, i32
  }
  func.func @transform_1(%arg0: i32) -> (i32, i32) {
    %c0_i32 = arith.constant 0 : i32
    %c0_i32_0 = arith.constant 0 : i32
    return %arg0, %c0_i32 : i32, i32
  }
  func.func @transform_2(%arg0: i32) -> (i32, i32) {
    %c0_i32 = arith.constant 0 : i32
    %c0_i32_0 = arith.constant 0 : i32
    return %arg0, %c0_i32 : i32, i32
  }
  func.func @transform_3(%arg0: i32) -> (i32, i32) {
    %c0_i32 = arith.constant 0 : i32
    %c0_i32_0 = arith.constant 0 : i32
    return %arg0, %c0_i32 : i32, i32
  }
  func.func @transform_4(%arg0: i32) -> (i32, i32) {
    %c0_i32 = arith.constant 0 : i32
    %c0_i32_0 = arith.constant 0 : i32
    return %arg0, %c0_i32 : i32, i32
  }
  func.func @transform_5(%arg0: i32) -> (i32, i32) {
    %c0_i32 = arith.constant 0 : i32
    %c0_i32_0 = arith.constant 0 : i32
    %c0_i32_1 = arith.constant 0 : i32
    return %c0_i32, %c0_i32_0 : i32, i32
  }
  func.func @transform_6(%arg0: i32) -> (i32, i32) {
    %c0_i32 = arith.constant 0 : i32
    %c0_i32_0 = arith.constant 0 : i32
    %c0_i32_1 = arith.constant 0 : i32
    return %c0_i32, %c0_i32_0 : i32, i32
  }
  func.func @transform_7(%arg0: i32) -> (i32, i32) {
    %c0_i32 = arith.constant 0 : i32
    %c0_i32_0 = arith.constant 0 : i32
    %c0_i32_1 = arith.constant 0 : i32
    return %c0_i32, %c0_i32_0 : i32, i32
  }
  func.func @transform_8(%arg0: i32) -> (i32, i32) {
    %c0_i32 = arith.constant 0 : i32
    %c0_i32_0 = arith.constant 0 : i32
    %c0_i32_1 = arith.constant 0 : i32
    return %c0_i32, %c0_i32_0 : i32, i32
  }
  func.func @transform_9(%arg0: i32) -> (i32, i32) {
    %c0_i32 = arith.constant 0 : i32
    %c0_i32_0 = arith.constant 0 : i32
    return %arg0, %c0_i32 : i32, i32
  }
  func.func @transform_10(%arg0: i32) -> (i32, i32) {
    %c0_i32 = arith.constant 0 : i32
    %c0_i32_0 = arith.constant 0 : i32
    return %arg0, %c0_i32 : i32, i32
  }
}

module attributes {stable_mosaic.version = 14 : i64} {
  func.func @_final_body(%arg0: i32, %arg1: memref<400x64xf32, #tpu.memory_space<vmem>>, %arg2: memref<400x64xf32, #tpu.memory_space<vmem>>, %arg3: memref<400x64xf32, #tpu.memory_space<vmem>>, %arg4: memref<400x64xf32, #tpu.memory_space<vmem>>, %arg5: memref<400x1xf32, #tpu.memory_space<vmem>>, %arg6: memref<1x128xf32, #tpu.memory_space<vmem>>, %arg7: memref<400x128xf32, #tpu.memory_space<vmem>>) attributes {dimension_semantics = [#tpu.dimension_semantics<arbitrary>], iteration_bounds = array<i64: 25>, scalar_prefetch = 0 : i64, scratch_operands = 0 : i64, tpu.core_type = #tpu.core_type<tc>, window_params = [{transform_indices = @transform_0, window_bounds = array<i64: 400, 64>}, {transform_indices = @transform_1, window_bounds = array<i64: 400, 64>}, {transform_indices = @transform_2, window_bounds = array<i64: 400, 64>}, {transform_indices = @transform_3, window_bounds = array<i64: 400, 64>}, {transform_indices = @transform_4, window_bounds = array<i64: 400, 1>}, {pipeline_mode = #tpu.pipeline_mode<synchronous>, transform_indices = @transform_5, window_bounds = array<i64: 1, 128>}, {transform_indices = @transform_6, window_bounds = array<i64: 400, 128>}]} {
    %get3A = arith.constant 0 : index
    %get3A_0 = arith.constant 0 : index
    %get3A_1 = vector.load %arg1[%get3A, %get3A_0] : memref<400x64xf32, #tpu.memory_space<vmem>>, vector<400x64xf32>
    %get3A_2 = arith.constant 0 : index
    %get3A_3 = arith.constant 0 : index
    %get3A_4 = vector.load %arg2[%get3A_2, %get3A_3] : memref<400x64xf32, #tpu.memory_space<vmem>>, vector<400x64xf32>
    %add3A = arith.addf %get3A_1, %get3A_4 : vector<400x64xf32>
    %get3A_5 = arith.constant 0 : index
    %get3A_6 = arith.constant 0 : index
    %get3A_7 = vector.load %arg3[%get3A_5, %get3A_6] : memref<400x64xf32, #tpu.memory_space<vmem>>, vector<400x64xf32>
    %get3A_8 = arith.constant 0 : index
    %get3A_9 = arith.constant 0 : index
    %get3A_10 = vector.load %arg4[%get3A_8, %get3A_9] : memref<400x64xf32, #tpu.memory_space<vmem>>, vector<400x64xf32>
    %add3A_11 = arith.addf %get3A_7, %get3A_10 : vector<400x64xf32>
    %concatenate3A = tpu.concatenate %add3A, %add3A_11 in 1 : vector<400x64xf32>, vector<400x64xf32> -> vector<400x128xf32>
    %get3A_12 = arith.constant 0 : index
    %get3A_13 = arith.constant 0 : index
    %get3A_14 = vector.load %arg5[%get3A_12, %get3A_13] : memref<400x1xf32, #tpu.memory_space<vmem>>, vector<400x1xf32>
    %mul3A = vector.broadcast %get3A_14 : vector<400x1xf32> to vector<400x128xf32>
    %mul3A_15 = arith.mulf %concatenate3A, %mul3A : vector<400x128xf32>
    %get3A_16 = arith.constant 0 : index
    %get3A_17 = arith.constant 0 : index
    %get3A_18 = vector.load %arg6[%get3A_16, %get3A_17] : memref<1x128xf32, #tpu.memory_space<vmem>>, vector<1x128xf32>
    %add3A_19 = vector.broadcast %get3A_18 : vector<1x128xf32> to vector<400x128xf32>
    %add3A_20 = arith.addf %mul3A_15, %add3A_19 : vector<400x128xf32>
    %swap3A = arith.constant 0 : index
    %swap3A_21 = arith.constant 0 : index
    %swap3A_22 = vector.load %arg7[%swap3A, %swap3A_21] : memref<400x128xf32, #tpu.memory_space<vmem>>, vector<400x128xf32>
    tpu.vector_store %arg7[%swap3A, %swap3A_21], %add3A_20 {strides = array<i32>} : memref<400x128xf32, #tpu.memory_space<vmem>>, vector<400x128xf32>,
    return
  }
  func.func @transform_0(%arg0: i32) -> (i32, i32) {
    %c0_i32 = arith.constant 0 : i32
    %c0_i32_0 = arith.constant 0 : i32
    return %arg0, %c0_i32 : i32, i32
  }
  func.func @transform_1(%arg0: i32) -> (i32, i32) {
    %c0_i32 = arith.constant 0 : i32
    %c0_i32_0 = arith.constant 0 : i32
    return %arg0, %c0_i32 : i32, i32
  }
  func.func @transform_2(%arg0: i32) -> (i32, i32) {
    %c0_i32 = arith.constant 0 : i32
    %c0_i32_0 = arith.constant 0 : i32
    return %arg0, %c0_i32 : i32, i32
  }
  func.func @transform_3(%arg0: i32) -> (i32, i32) {
    %c0_i32 = arith.constant 0 : i32
    %c0_i32_0 = arith.constant 0 : i32
    return %arg0, %c0_i32 : i32, i32
  }
  func.func @transform_4(%arg0: i32) -> (i32, i32) {
    %c0_i32 = arith.constant 0 : i32
    %c0_i32_0 = arith.constant 0 : i32
    return %arg0, %c0_i32 : i32, i32
  }
  func.func @transform_5(%arg0: i32) -> (i32, i32) {
    %c0_i32 = arith.constant 0 : i32
    %c0_i32_0 = arith.constant 0 : i32
    %c0_i32_1 = arith.constant 0 : i32
    return %c0_i32, %c0_i32_0 : i32, i32
  }
  func.func @transform_6(%arg0: i32) -> (i32, i32) {
    %c0_i32 = arith.constant 0 : i32
    %c0_i32_0 = arith.constant 0 : i32
    return %arg0, %c0_i32 : i32, i32
  }
}

</mosaic_0001>

<sc_bundles>
// kernel: kernel.12.cloned.1.call-start
scs
__scs_entry_jumppad:
0x0: {  	(pc) =	sbr.rel $0x88, $3  }
0x1: {  	(tag) =	ssettag $0x0;
	lr =	simm.s32 $0x1  }
0x2: {  	[smem:$0x3F99] =	sst lr;
	_ =	strace $0xD0000000  }
0x3: {  	_ = 	snop  }
0x4: {  	_ = 	snop  }
0x5: {  	_ = 	snop  }
0x6: {  	_ = 	snop  }
0x7: {  	_ = 	snop  }
__scs_overlays_trampoline_lowered:
0x8: {  	[smem:$0x3FA8] =	sst s0  }
0x9: {  	[smem:$0x3FA9] =	sst s1  }
0xa: {  	[smem:$0x3FAA] =	sst s2  }
0xb: {  	[smem:$0x3FAB] =	sst s3  }
0xc: {  	[smem:$0x3FAC] =	sst s4  }
0xd: {  	[smem:$0x3FAD] =	sst s5  }
0xe: {  	[smem:$0x3FAE] =	sst s6  }
0xf: {  	[smem:$0x3FAF] =	sst s7  }
0x10: {  	[smem:$0x3FB0] =	sst s8  }
0x11: {  	[smem:$0x3FB1] =	sst s9;
	s0 =	simm.s32 @!p0 $0x0  }
0x12: {  	s1 =	sld [smem:$0x3F97];
	s0 =	simm.s32 @p0 $0x1  }
0x13: {  	[smem:$0x3FB2] =	sst s0;
	s0 =	simm.s32 @!p1 $0x0  }
0x14: {  	s2 =	sld [smem:$0x3F96];
	s0 =	simm.s32 @p1 $0x1  }
0x15: {  	[smem:$0x3FB3] =	sst s0;
	s0 =	simm.s32 @!p2 $0x0  }
0x16: {  	s3 =	sld [smem:$0x3FDB];
	s0 =	simm.s32 @p2 $0x1  }
0x17: {  	s4 =	simm.s32 $0x1BF5;
	[smem:$0x3FB5] =	sst s0  }
0x18: {  	s0 =	sld [smem:$0x3F98];
	_ =	swait.ge [sflag:s4], $0x0  }
0x19: {  	s7 =	sld [smem:$0x3F99]  }
0x1a: {  	s8 =	sadd.s32 $0xFFFFE003, lr  }
0x1b: {  	s9 =	sadd.s32 $0xFFFFFEF7, lr;
	s5 =	simm.s32 $0xFFFFFFFF;
	p2 =	slt.u32 s8, $0xFFFFF086  }
0x1c: {  	p1 =	slt.u32 s9, $0xF7A;
	s5 =	simm.s32 @!p2 $0x0  }
0x1d: {  	s5 =	simm.s32 @p1 $0x1;
	p0 =	seq.s32 s7, s2  }
0x1e: {  	s7 =	smul.u32 @!p0 $0xF7A, s2;
	p2 =	seq.s32 @!p0 s5, $0x0  }
0x1f: {  	s9 =	smul.u32 $0xF7A, s1;
	s8 =	simm.s32 @!p0 $0x1BF5;
	p2 =	por !p2, p0  }
0x20: {  	[sflag:s8] =	ssyncset.s32 @!p0 $0xFFFFF086;
	s6 =	sadd.s32 @!p0 s3, s7;
	s7 =	simm.s32 @!p0 $0x108  }
0x21: {  	s3 =	sadd.s32 s3, s9;
	s6 =	sadd.s32 @!p0 $0x88, s6;
	s7 =	simm.s32 @p2 $0x1082  }
0x22: {  	[simem:s7], [sflag:s8] =	dma.local @!p0 [hbm:s6], $0xF7A  }
0x23: {  	s9 =	sor.u32 $0xD0000000, s2;
	s6 =	simm.s32 $0x108;
	_ =	swait.ge @!p0 [sflag:s8], $0x0  }
0x24: {  	s3 =	sadd.s32 $0x88, s3;
	s6 =	simm.s32 @!p1 $0x1082;
	[sflag:s4] =	ssyncset.s32 $0xFFFFF086  }
0x25: {  	[simem:s6], [sflag:s4] =	dma.local [hbm:s3], $0xF7A  }
0x26: {  	[smem:$0x3F99] =	sst s1;
	(tag) =	ssettag s2;
	_ =	strace s9  }
0x27: {  	s1 =	sld [smem:$0x3FA9]  }
0x28: {  	s2 =	sld [smem:$0x3FAA]  }
0x29: {  	s4 =	sld [smem:$0x3FAC]  }
0x2a: {  	p0 =	seq.s32 s5, $0x0;
	s5 =	sld [smem:$0x3FAD]  }
0x2b: {  	s6 =	sld [smem:$0x3FAE]  }
0x2c: {  	s7 =	sld [smem:$0x3FAF]  }
0x2d: {  	s3 =	simm.s32 $0x108;
	s8 =	sld [smem:$0x3FB0]  }
0x2e: {  	s3 =	simm.s32 @!p0 $0x1082;
	s9 =	sld [smem:$0x3FB1]  }
0x2f: {  	lr =	sadd.s32 s0, s3;
	s0 =	sld [smem:$0x3FA8]  }
0x30: {  	s3 =	sld [smem:$0x3FAB]  }
0x31: {  	[smem:$0x3FB4] =	sst s10  }
0x32: {  	s10 =	sld [smem:$0x3FB2];
	_ =	sdelay $0x3  }
0x33: {  	p0 =	seq.s32 s10, $0x1;
	s10 =	sld [smem:$0x3FB4];
	_ =	sdelay $0x3  }
0x34: {  	[smem:$0x3FB4] =	sst s10  }
0x35: {  	s10 =	sld [smem:$0x3FB3];
	_ =	sdelay $0x3  }
0x36: {  	p1 =	seq.s32 s10, $0x1;
	s10 =	sld [smem:$0x3FB4];
	_ =	sdelay $0x3  }
0x37: {  	[smem:$0x3FB4] =	sst s10  }
0x38: {  	s10 =	sld [smem:$0x3FB5]  }
0x39: {  	_ = 	snop;
	(pc) =	sbr.ind lr, $3  }
0x3a: {  	_ = 	snop  }
0x3b: {  	_ = 	snop  }
0x3c: {  	p2 =	seq.s32 s10, $0x1;
	s10 =	sld [smem:$0x3FB4]  }
0x3d: {  	_ =	shalt  }
0x3e: {  	_ =	shalt  }
0x3f: {  	_ =	shalt  }
0x40: {  	_ =	shalt  }
0x41: {  	_ =	shalt  }
0x42: {  	_ =	shalt  }
0x43: {  	_ =	shalt  }
0x44: {  	_ =	shalt  }
0x45: {  	_ =	shalt  }
0x46: {  	_ =	shalt  }
0x47: {  	_ =	shalt  }
0x48: {  	_ =	shalt  }
0x49: {  	_ =	shalt  }
0x4a: {  	_ =	shalt  }
0x4b: {  	_ =	shalt  }
0x4c: {  	_ =	shalt  }
0x4d: {  	_ =	shalt  }
0x4e: {  	_ =	shalt  }
0x4f: {  	_ =	shalt  }
0x50: {  	_ =	shalt  }
0x51: {  	_ =	shalt  }
0x52: {  	_ =	shalt  }
0x53: {  	_ =	shalt  }
0x54: {  	_ =	shalt  }
0x55: {  	_ =	shalt  }
0x56: {  	_ =	shalt  }
0x57: {  	_ =	shalt  }
0x58: {  	_ =	shalt  }
0x59: {  	_ =	shalt  }
0x5a: {  	_ =	shalt  }
0x5b: {  	_ =	shalt  }
0x5c: {  	_ =	shalt  }
0x5d: {  	_ =	shalt  }
0x5e: {  	_ =	shalt  }
0x5f: {  	_ =	shalt  }
0x60: {  	_ =	shalt  }
0x61: {  	_ =	shalt  }
0x62: {  	_ =	shalt  }
0x63: {  	_ =	shalt  }
0x64: {  	_ =	shalt  }
0x65: {  	_ =	shalt  }
0x66: {  	_ =	shalt  }
0x67: {  	_ =	shalt  }
0x68: {  	_ =	shalt  }
0x69: {  	_ =	shalt  }
0x6a: {  	_ =	shalt  }
0x6b: {  	_ =	shalt  }
0x6c: {  	_ =	shalt  }
0x6d: {  	_ =	shalt  }
0x6e: {  	_ =	shalt  }
0x6f: {  	_ =	shalt  }
0x70: {  	_ =	shalt  }
0x71: {  	_ =	shalt  }
0x72: {  	_ =	shalt  }
0x73: {  	_ =	shalt  }
0x74: {  	_ =	shalt  }
0x75: {  	_ =	shalt  }
0x76: {  	_ =	shalt  }
0x77: {  	_ =	shalt  }
0x78: {  	_ =	shalt  }
0x79: {  	_ =	shalt  }
0x7a: {  	_ =	shalt  }
0x7b: {  	_ =	shalt  }
0x7c: {  	_ =	shalt  }
0x7d: {  	_ =	shalt  }
0x7e: {  	_ =	shalt  }
0x7f: {  	_ =	shalt  }
0x80: {  	_ =	shalt  }
0x81: {  	_ =	shalt  }
0x82: {  	_ =	shalt  }
0x83: {  	_ =	shalt  }
0x84: {  	_ =	shalt  }
0x85: {  	_ =	shalt  }
0x86: {  	_ =	shalt  }
0x87: {  	_ =	shalt  }
.Lfunc_end0:
.L_simem_size_0:
called_computation.1_lowered:
.L_overlay_start_0:
0x88: {  	s2 =	sld [smem:$0x3FD9]  }
0x89: {  	s3 =	sld [smem:$0x3FFE];
	_ =	sdelay $0x1  }
0x8a: {  	s1 =	srdreg.scid  }
0x8b: {  	s0 =	sand.u32 $0x1, s1  }
0x8c: {  	s17 =	sshll.u32 s0, $0xA;
	s2 =	sadd.s32 s3, s2  }
0x8d: {  	s2 =	sadd.s32 s2, s17  }
0x8e: {  	[smem:$0x3FC0] =	sst s2  }
0x8f: {  	_ = 	snop  }
0x90: {  	s2 =	sld [smem:$0x3FD0];
	(tm) =	ssettm $0x1  }
0x91: {  	s18 =	sld [smem:$0x3FFB];
	_ =	sdelay $0x3  }
0x92: {  	_ =	strace s18  }
0x93: {  	s3 =	sld [smem:$0x3FFC];
	_ =	sdelay $0x3  }
0x94: {  	_ =	strace s3  }
0x95: {  	s3 =	sld [smem:$0x3FFD];
	_ =	sdelay $0x3  }
0x96: {  	_ =	strace s3  }
0x97: {  	_ =	strace $0x8FFFFFFF  }
0x98: {  	s19 =	sld [smem:$0x3FDB];
	_ =	sdelay $0x1  }
0x99: {  	s4 =	simm.s32 $_scs_section_size  }
0x9a: {  	s5 =	simm.s32 $_size__tile_overlayer_lowered;
	s6 =	simm.s32 $_tile_overlayer_lowered  }
0x9b: {  	s22 =	simm.s32 $0x1BFF;
	s21 =	sshll.u32 s6, $0x1;
	s3 =	sadd.s32 s4, s19  }
0x9c: {  	s7 =	simm.s32 $0x0;
	s20 =	sshll.u32 s5, $0x1;
	s5 =	sadd.s32 s21, s3  }
0x9d: {  	[timem:s7], [sflag:s22] =	dma.local [hbm:s5], s20  }
0x9e: {  	_ =	swait.ge [sflag:s22], s20  }
0x9f: {  	s4 =	ssub.s32 $0x0, s20;
	[sflag:s22] =	ssyncset.done $0x0  }
0xa0: {  	[sflag:s22] =	ssyncadd.s32 s4;
	_ =	sdelay $0x1  }
0xa1: {  	s23 =	simm.s32 $0x1B8B  }
0xa2: {  	_ =	swait.ge [sflag:s23], $0x1  }
0xa3: {  	[sflag:s23] =	ssyncset.done $0x0  }
0xa4: {  	s25 =	simm.s32 $0x1B8E;
	s24 =	sld [smem:$0x3FFE];
	[sflag:s23] =	ssyncadd.s32 $0xFFFFFFFF  }
0xa5: {  	s26 =	simm.s32 $execute0_lowered;
	[smem:$0x3FD2] =	sst s25  }
0xa6: {  	s5 =	sshll.u32 s26, $0x1;
	_ =	strace $0x80000049;
	[dreg:$0x1] =	wrdreg $0xFFFFFFFF  }
0xa7: {  	s28 =	simm.s32 $_size_execute0_lowered;
	s3 =	sadd.s32 s3, s5;
	[dreg:$0x0] =	wrdreg $0x0  }
0xa8: {  	s5 =	sshll.u32 s28, $0x1;
	[dreg:$0x2] =	wrdreg s3  }
0xa9: {  	[dreg:$0x3] =	wrdreg s5  }
0xaa: {  	[dreg:$0x4] =	wrdreg $0xC0  }
0xab: {  	_ =	task [dreg:s7], $0x5FFFF  }
0xac: {  	[dreg:$0x1] =	wrdreg $0xFFFFFFFF  }
0xad: {  	[dreg:$0x0] =	wrdreg $0x60  }
0xae: {  	[dreg:$0x2] =	wrdreg s24  }
0xaf: {  	[dreg:$0x3] =	wrdreg s2  }
0xb0: {  	[dreg:$0x4] =	wrdreg $0xD8400  }
0xb1: {  	[dreg:$0x5] =	wrdreg $0x9  }
0xb2: {  	_ =	task.clear_ibuf [dreg:s7], $0x6FFFF;
	_ =	strace $0x90000049  }
0xb3: {  	s29 =	simm.s32 $0x9;
	_ =	strace $0x8000004B  }
0xb4: {  	_ =	swait.ge [sflag:s29], $0x1  }
0xb5: {  	[sflag:s29] =	ssyncadd.s32 $0xFFFFFFFF  }
0xb6: {  	_ =	strace $0x9000004B  }
0xb7: {  	_ =	sfence  }
0xb8: {  	s30 =	sld [smem:$0x0];
	_ =	sdelay $0x2  }
0xb9: {  	s31 =	sshll.u32 s1, $0xD;
	s1 =	sshrl.u32 s1, $0x2  }
0xba: {  	s3 =	sand.u32 $0x4000, s31;
	s1 =	sadd.s32 s1, s30  }
0xbb: {  	s0 =	sor.u32 s3, s0;
	s1 =	sshll.u32 s1, $0x11  }
0xbc: {  	s0 =	sor.u32 s1, s0  }
0xbd: {  	s0 =	sadd.s32 $0x8F2B, s0  }
0xbe: {  	[sflag:s0] =	ssyncadd.remote.s32 $0x1  }
0xbf: {  	_ =	sfence.sel $0xFFFF  }
0xc0: {  	[dreg:$0x0] =	wrdreg $0xFFFFFFFF;
	(pc) =	sbr.abs _section_cstart, $3  }
0xc1: {  	[dreg:$0x1] =	wrdreg $0xFFFFFFFF  }
0xc2: {  	_ =	task.clear_ibuf [dreg:s7], $0x2FFFF;
	_ =	strace $0x9FFFFFFF  }
0xc3: {  	(tm) =	ssettm $0x7FFFFFFF  }
tec
execute0_lowered:
.L_overlay_start_1:
0x0: {  	(tag) =	ssettag $0x1  }
0x1: {  	s6 =	rddreg [dreg:$0x0]  }
0x2: {  	s11 =	rddreg [dreg:$0x1]  }
0x3: {  	s2 =	rddreg [dreg:$0x2];
	s3 =	srdreg.scid  }
0x4: {  	s0 =	rddreg [dreg:$0x3];
	s1 =	stileid.u32;
	s15 =	simm.s32 $0xC440  }
0x5: {  	s16 =	simm.s32 $0x50;
	s17 =	simm.s32 $0x9C40;
	s18 =	simm.s32 $0x1  }
0x6: {  	s19 =	simm.s32 $0xB040;
	s20 =	simm.s32 $0x2;
	s21 =	simm.s32 $0x4DD0  }
0x7: {  	s22 =	simm.s32 $0x9BA0;
	s23 =	simm.s32 $0x9BF0;
	s24 =	simm.s32 $0x0  }
0x8: {  	s7 =	sand.u32 $0x1, s3;
	s3 =	simm.s32 $0x0;
	s9 =	smul.u32 $0x1400, s1  }
0x9: {  	s4 =	sshll.u32 s1, $0x1;
	s14 =	smul.u32 $0x5000, s1;
	s30 =	ssub.s32 $0x8C, s1  }
0xa: {  	s8 =	smul.u32 $0x9C400, s7;
	[smem:$0x7FF] =	sst s3;
	s5 =	sor.u32 s7, s4  }
0xb: {  	s4 =	sadd.s32 $0x52800, s6;
	s7 =	ssub.s32 $0x2, s7;
	_ =	strace $0x8000004A  }
0xc: {  	s10 =	smul.u32 $0x9C4, s5;
	s5 =	sadd.s32 $0x66200, s6;
	s28 =	sshrl.u32 s7, $0x1  }
0xd: {  	s31 =	sshrl.u32 s14, $0x2;
	s14 =	simm.s32 $0x4E20;
	s8 =	sadd.s32 s9, s8  }
0xe: {  	s29 =	ssub.s32 s7, s28;
	s26 =	sadd.s32 s10, s6;
	s12 =	sshrl.u32 s8, $0x3  }
0xf: {  	s8 =	sshrl.u32 s30, $0x4;
	s9 =	smax.u32 s29, $0x1;
	s10 =	sadd.s32 s31, s2  }
0x10: {  	s13 =	sadd.s32 s12, s6;
	s6 =	sadd.s32 $0x17C00, s26;
	s7 =	sadd.s32 $0x4200, s26  }
0x11: {  	v0 =	vimm.f32 $0.0e+00;
	s11 =	sadd.s32 s12, s11;
	s12 =	sadd.s32 $0x79C00, s13;
	s13 =	simm.s32 $0x3  }
.LBB2_1:
0x12: {  	[tilespmem:s3], [sflag:$0x3] =	stream.linear.gather [hbm4b:s6+s3], $0x4E20, $0x38;
	[tilespmem:$0x17480] =	vst v63  }
0x13: {  	_ =	swait.ge [sflag:s13], $0x4E20  }
0x14: {  	[sflag:s13] =	ssyncset.done $0x0  }
0x15: {  	[sflag:s13] =	ssyncadd.s32 $0xFFFFB1E0  }
0x16: {  	[tilespmem:s14], [sflag:$0x3] =	stream.linear.gather [hbm4b:s7+s3], $0x4E20, $0x38;
	[tilespmem:$0x17480] =	vst v63  }
0x17: {  	_ =	swait.ge [sflag:s13], $0x4E20  }
0x18: {  	[sflag:s13] =	ssyncset.done $0x0  }
0x19: {  	s26 =	simm.s32 $0x100;
	s25 =	simm.s32 $0x0;
	[sflag:s13] =	ssyncadd.s32 $0xFFFFB1E0  }
.LBB2_2:
0x1a: {  	p0 =	sne.s32 s26, $0x4F00;
	[tilespmem:s25+$0xC470] =	vst v0;
	s28 =	smov.u32 s26;
	s26 =	sadd.s32 $0x100, s26  }
.Ltmp0:
0x1b: {  	[tilespmem:s25+$0xC460] =	vst v0;
	(pc) =	sbr.rel @p0 .LBB2_2-.Ltmp0, $3  }
0x1c: {  	[tilespmem:s25+$0xC440] =	vst v0  }
0x1d: {  	[tilespmem:s25+$0xC450] =	vst v0;
	_ =	sdelay $0x1  }
0x1e: {  	s25 =	sshra.s32 s28, $0x2  }
0x1f: {  	[tilespmem:s25+$0xC470] =	vst v0  }
0x20: {  	[tilespmem:s25+$0xC460] =	vst v0;
	p0 =	sne.s32 s8, $0x1  }
.Ltmp1:
0x21: {  	[tilespmem:s25+$0xC440] =	vst v0;
	(pc) =	sbr.rel @!p0 .LBB2_5-.Ltmp1, $4  }
0x22: {  	[tilespmem:s25+$0xC450] =	vst v0  }
0x23: {  	[spmem:s10] =	stream.linear.scatter [tilespmem:s15], [sflag:$0x3], $0x1400, $0x38;
	[tilespmem:$0x17480] =	vst v63  }
0x24: {  	_ =	swait.ge [sflag:s13], $0x1400  }
0x25: {  	s25 =	sadd.s32 $0xFFFFFFFF, s8;
	s26 =	smov.u32 s10;
	[sflag:s13] =	ssyncset.done $0x0  }
.LBB2_4:
0x26: {  	p1 =	sne.s32 s25, $0x1;
	[sflag:s13] =	ssyncadd.s32 $0xFFFFEC00;
	s26 =	sadd.s32 $0x14000, s26  }
.Ltmp2:
0x27: {  	s25 =	sadd.s32 $0xFFFFFFFF, s25;
	(pc) =	sbr.rel @p1 .LBB2_4-.Ltmp2, $4  }
0x28: {  	_ = 	snop  }
0x29: {  	[spmem:s26] =	stream.linear.scatter [tilespmem:s15], [sflag:$0x3], $0x1400, $0x38;
	[tilespmem:$0x17480] =	vst v63  }
0x2a: {  	_ =	swait.ge [sflag:s13], $0x1400  }
0x2b: {  	[sflag:s13] =	ssyncset.done $0x0  }
.LBB2_5:
0x2c: {  	[sflag:s13] =	ssyncadd.s32 $0xFFFFEC00  }
0x2d: {  	s25 =	simm.s32 $0x0;
	[bflag:$0x0] =	sbarrier.arrive $0xFFFF  }
0x2e: {  	[tilespmem:s17], [sflag:$0x1] =	stream.indirect.gather [hbm4b:s4+s16], $0x40, s25, s16, $0xb8;
	[tilespmem:$0x17480] =	vst v63  }
0x2f: {  	_ =	swait.ge [sflag:s18], $0x1400  }
0x30: {  	[sflag:s18] =	ssyncset.done $0x0  }
0x31: {  	s28 =	simm.s32 $0x50;
	[sflag:s18] =	ssyncadd.s32 $0xFFFFEC00  }
0x32: {  	[tilespmem:s19], [sflag:$0x2] =	stream.indirect.gather [hbm4b:s4+s16], $0x40, s28, s16, $0xb8;
	[tilespmem:$0x17480] =	vst v63  }
0x33: {  	s29 =	simm.s32 $0x4E20  }
0x34: {  	[spmem:s2] =	stream.indirect.scatter.add.f32 [tilespmem:s17], [sflag:$0x3], $0x40, s29, s16, $0xb8;
	[tilespmem:$0x17480] =	vst v63  }
0x35: {  	_ =	swait.ge [sflag:s13], $0x1400  }
0x36: {  	[sflag:s13] =	ssyncset.done $0x0  }
0x37: {  	[sflag:s13] =	ssyncadd.s32 $0xFFFFEC00  }
0x38: {  	_ =	swait.ge [sflag:s20], $0x1400  }
0x39: {  	[sflag:s20] =	ssyncset.done $0x0  }
0x3a: {  	s30 =	simm.s32 $0xA0;
	[sflag:s20] =	ssyncadd.s32 $0xFFFFEC00  }
0x3b: {  	[tilespmem:s17], [sflag:$0x1] =	stream.indirect.gather [hbm4b:s4+s16], $0x40, s30, s16, $0xb8;
	[tilespmem:$0x17480] =	vst v63  }
0x3c: {  	s31 =	simm.s32 $0x4E70  }
0x3d: {  	[spmem:s2] =	stream.indirect.scatter.add.f32 [tilespmem:s19], [sflag:$0x3], $0x40, s31, s16, $0xb8;
	[tilespmem:$0x17480] =	vst v63  }
0x3e: {  	_ =	swait.ge [sflag:s13], $0x1400  }
0x3f: {  	s25 =	simm.s32 $0x280;
	[sflag:s13] =	ssyncset.done $0x0  }
.LBB2_6:
0x40: {  	p1 =	sne.s32 s25, $0x13380  }
0x41: {  	[sflag:s13] =	ssyncadd.s32 $0xFFFFEC00;
	s26 =	smov.u32 s25;
	s25 =	sadd.s32 $0x280, s25  }
0x42: {  	_ = 	snop  }
0x43: {  	_ =	swait.ge [sflag:s18], $0x1400  }
0x44: {  	s26 =	sshra.s32 s26, $0x2;
	[sflag:s18] =	ssyncset.done $0x0  }
0x45: {  	s28 =	sadd.s32 $0x50, s26;
	[sflag:s18] =	ssyncadd.s32 $0xFFFFEC00  }
0x46: {  	[tilespmem:s19], [sflag:$0x2] =	stream.indirect.gather [hbm4b:s4+s16], $0x40, s28, s16, $0xb8;
	[tilespmem:$0x17480] =	vst v63  }
0x47: {  	s28 =	sadd.s32 $0x4E20, s26  }
0x48: {  	[spmem:s2] =	stream.indirect.scatter.add.f32 [tilespmem:s17], [sflag:$0x3], $0x40, s28, s16, $0xb8;
	[tilespmem:$0x17480] =	vst v63  }
0x49: {  	_ =	swait.ge [sflag:s13], $0x1400  }
0x4a: {  	[sflag:s13] =	ssyncset.done $0x0  }
0x4b: {  	[sflag:s13] =	ssyncadd.s32 $0xFFFFEC00  }
0x4c: {  	_ =	swait.ge [sflag:s20], $0x1400  }
0x4d: {  	[sflag:s20] =	ssyncset.done $0x0  }
0x4e: {  	s28 =	sadd.s32 $0xA0, s26;
	[sflag:s20] =	ssyncadd.s32 $0xFFFFEC00  }
0x4f: {  	[tilespmem:s17], [sflag:$0x1] =	stream.indirect.gather [hbm4b:s4+s16], $0x40, s28, s16, $0xb8;
	[tilespmem:$0x17480] =	vst v63  }
.Ltmp3:
0x50: {  	_ = 	snop;
	(pc) =	sbr.rel @p1 .LBB2_6-.Ltmp3, $4  }
0x51: {  	s26 =	sadd.s32 $0x4E70, s26  }
0x52: {  	[spmem:s2] =	stream.indirect.scatter.add.f32 [tilespmem:s19], [sflag:$0x3], $0x40, s26, s16, $0xb8;
	[tilespmem:$0x17480] =	vst v63  }
0x53: {  	_ =	swait.ge [sflag:s13], $0x1400  }
0x54: {  	[sflag:s13] =	ssyncset.done $0x0  }
0x55: {  	[sflag:s13] =	ssyncadd.s32 $0xFFFFEC00  }
0x56: {  	_ =	swait.ge [sflag:s18], $0x1400  }
0x57: {  	[sflag:s18] =	ssyncset.done $0x0  }
0x58: {  	[sflag:s18] =	ssyncadd.s32 $0xFFFFEC00  }
0x59: {  	[tilespmem:s19], [sflag:$0x2] =	stream.indirect.gather [hbm4b:s4+s16], $0x40, s21, s16, $0xb8;
	[tilespmem:$0x17480] =	vst v63  }
0x5a: {  	_ = 	snop  }
0x5b: {  	[spmem:s2] =	stream.indirect.scatter.add.f32 [tilespmem:s17], [sflag:$0x3], $0x40, s22, s16, $0xb8;
	[tilespmem:$0x17480] =	vst v63  }
0x5c: {  	_ =	swait.ge [sflag:s13], $0x1400  }
0x5d: {  	[sflag:s13] =	ssyncset.done $0x0  }
0x5e: {  	[sflag:s13] =	ssyncadd.s32 $0xFFFFEC00  }
0x5f: {  	_ =	swait.ge [sflag:s20], $0x1400  }
0x60: {  	[sflag:s20] =	ssyncset.done $0x0  }
0x61: {  	[sflag:s20] =	ssyncadd.s32 $0xFFFFEC00  }
0x62: {  	[spmem:s2] =	stream.indirect.scatter.add.f32 [tilespmem:s19], [sflag:$0x3], $0x40, s23, s16, $0xb8;
	[tilespmem:$0x17480] =	vst v63  }
0x63: {  	_ =	swait.ge [sflag:s13], $0x1400  }
0x64: {  	[sflag:s13] =	ssyncset.done $0x0  }
0x65: {  	[sflag:s13] =	ssyncadd.s32 $0xFFFFEC00  }
0x66: {  	[bflag:$0x0] =	sbarrier.arrive $0xFFFF  }
0x67: {  	[tilespmem:s17], [sflag:$0x3] =	stream.linear.gather [spmem:s10], $0x1400, $0x38;
	[tilespmem:$0x17480] =	vst v63  }
0x68: {  	_ =	swait.ge [sflag:s13], $0x1400  }
0x69: {  	[sflag:s13] =	ssyncset.done $0x0  }
0x6a: {  	[sflag:s13] =	ssyncadd.s32 $0xFFFFEC00  }
0x6b: {  	[hbm4b:s11+s3] =	stream.linear.scatter [tilespmem:s17], [sflag:$0x3], $0x1400, $0x38;
	[tilespmem:$0x17480] =	vst v63  }
0x6c: {  	_ =	swait.ge [sflag:s13], $0x1400  }
.Ltmp4:
0x6d: {  	[sflag:s13] =	ssyncset.done $0x0;
	(pc) =	sbr.rel @!p0 .LBB2_9-.Ltmp4, $4  }
0x6e: {  	[sflag:s13] =	ssyncadd.s32 $0xFFFFEC00  }
0x6f: {  	[spmem:s10] =	stream.linear.scatter [tilespmem:s15], [sflag:$0x3], $0x1400, $0x38;
	[tilespmem:$0x17480] =	vst v63  }
0x70: {  	s25 =	sadd.s32 $0xFFFFFFFF, s8;
	_ =	swait.ge [sflag:s13], $0x1400  }
0x71: {  	s26 =	smov.u32 s11;
	s28 =	smov.u32 s10;
	[sflag:s13] =	ssyncset.done $0x0  }
.LBB2_8:
0x72: {  	[sflag:s13] =	ssyncadd.s32 $0xFFFFEC00;
	s26 =	sadd.s32 $0x2800, s26;
	s28 =	sadd.s32 $0x14000, s28  }
0x73: {  	[tilespmem:s17], [sflag:$0x3] =	stream.linear.gather [spmem:s28], $0x1400, $0x38;
	[tilespmem:$0x17480] =	vst v63  }
0x74: {  	p1 =	sne.s32 s25, $0x1;
	s25 =	sadd.s32 $0xFFFFFFFF, s25;
	_ =	swait.ge [sflag:s13], $0x1400  }
0x75: {  	[sflag:s13] =	ssyncset.done $0x0  }
0x76: {  	[sflag:s13] =	ssyncadd.s32 $0xFFFFEC00  }
0x77: {  	[hbm4b:s26+s3] =	stream.linear.scatter [tilespmem:s17], [sflag:$0x3], $0x1400, $0x38;
	[tilespmem:$0x17480] =	vst v63  }
0x78: {  	_ =	swait.ge [sflag:s13], $0x1400  }
.Ltmp5:
0x79: {  	[sflag:s13] =	ssyncset.done $0x0;
	(pc) =	sbr.rel @p1 .LBB2_8-.Ltmp5, $4  }
0x7a: {  	[sflag:s13] =	ssyncadd.s32 $0xFFFFEC00  }
0x7b: {  	[spmem:s28] =	stream.linear.scatter [tilespmem:s15], [sflag:$0x3], $0x1400, $0x38;
	[tilespmem:$0x17480] =	vst v63  }
0x7c: {  	_ =	swait.ge [sflag:s13], $0x1400  }
0x7d: {  	[sflag:s13] =	ssyncset.done $0x0  }
.LBB2_9:
0x7e: {  	[sflag:s13] =	ssyncadd.s32 $0xFFFFEC00  }
0x7f: {  	s25 =	simm.s32 $0x0;
	[bflag:$0x0] =	sbarrier.arrive $0xFFFF  }
0x80: {  	[tilespmem:s17], [sflag:$0x1] =	stream.indirect.gather [hbm4b:s5+s16], $0x40, s25, s16, $0xb8;
	[tilespmem:$0x17480] =	vst v63  }
0x81: {  	_ =	swait.ge [sflag:s18], $0x1400  }
0x82: {  	[sflag:s18] =	ssyncset.done $0x0  }
0x83: {  	s28 =	simm.s32 $0x50;
	[sflag:s18] =	ssyncadd.s32 $0xFFFFEC00  }
0x84: {  	[tilespmem:s19], [sflag:$0x2] =	stream.indirect.gather [hbm4b:s5+s16], $0x40, s28, s16, $0xb8;
	[tilespmem:$0x17480] =	vst v63  }
0x85: {  	s29 =	simm.s32 $0x4E20  }
0x86: {  	[spmem:s2] =	stream.indirect.scatter.add.f32 [tilespmem:s17], [sflag:$0x3], $0x40, s29, s16, $0xb8;
	[tilespmem:$0x17480] =	vst v63  }
0x87: {  	_ =	swait.ge [sflag:s13], $0x1400  }
0x88: {  	[sflag:s13] =	ssyncset.done $0x0  }
0x89: {  	[sflag:s13] =	ssyncadd.s32 $0xFFFFEC00  }
0x8a: {  	_ =	swait.ge [sflag:s20], $0x1400  }
0x8b: {  	[sflag:s20] =	ssyncset.done $0x0  }
0x8c: {  	s30 =	simm.s32 $0xA0;
	[sflag:s20] =	ssyncadd.s32 $0xFFFFEC00  }
0x8d: {  	[tilespmem:s17], [sflag:$0x1] =	stream.indirect.gather [hbm4b:s5+s16], $0x40, s30, s16, $0xb8;
	[tilespmem:$0x17480] =	vst v63  }
0x8e: {  	s31 =	simm.s32 $0x4E70  }
0x8f: {  	[spmem:s2] =	stream.indirect.scatter.add.f32 [tilespmem:s19], [sflag:$0x3], $0x40, s31, s16, $0xb8;
	[tilespmem:$0x17480] =	vst v63  }
0x90: {  	_ =	swait.ge [sflag:s13], $0x1400  }
0x91: {  	s25 =	simm.s32 $0x280;
	[sflag:s13] =	ssyncset.done $0x0  }
.LBB2_10:
0x92: {  	p1 =	sne.s32 s25, $0x13380  }
0x93: {  	[sflag:s13] =	ssyncadd.s32 $0xFFFFEC00;
	s26 =	smov.u32 s25;
	s25 =	sadd.s32 $0x280, s25  }
0x94: {  	_ = 	snop  }
0x95: {  	_ =	swait.ge [sflag:s18], $0x1400  }
0x96: {  	s26 =	sshra.s32 s26, $0x2;
	[sflag:s18] =	ssyncset.done $0x0  }
0x97: {  	s28 =	sadd.s32 $0x50, s26;
	[sflag:s18] =	ssyncadd.s32 $0xFFFFEC00  }
0x98: {  	[tilespmem:s19], [sflag:$0x2] =	stream.indirect.gather [hbm4b:s5+s16], $0x40, s28, s16, $0xb8;
	[tilespmem:$0x17480] =	vst v63  }
0x99: {  	s28 =	sadd.s32 $0x4E20, s26  }
0x9a: {  	[spmem:s2] =	stream.indirect.scatter.add.f32 [tilespmem:s17], [sflag:$0x3], $0x40, s28, s16, $0xb8;
	[tilespmem:$0x17480] =	vst v63  }
0x9b: {  	_ =	swait.ge [sflag:s13], $0x1400  }
0x9c: {  	[sflag:s13] =	ssyncset.done $0x0  }
0x9d: {  	[sflag:s13] =	ssyncadd.s32 $0xFFFFEC00  }
0x9e: {  	_ =	swait.ge [sflag:s20], $0x1400  }
0x9f: {  	[sflag:s20] =	ssyncset.done $0x0  }
0xa0: {  	s28 =	sadd.s32 $0xA0, s26;
	[sflag:s20] =	ssyncadd.s32 $0xFFFFEC00  }
0xa1: {  	[tilespmem:s17], [sflag:$0x1] =	stream.indirect.gather [hbm4b:s5+s16], $0x40, s28, s16, $0xb8;
	[tilespmem:$0x17480] =	vst v63  }
.Ltmp6:
0xa2: {  	_ = 	snop;
	(pc) =	sbr.rel @p1 .LBB2_10-.Ltmp6, $4  }
0xa3: {  	s26 =	sadd.s32 $0x4E70, s26  }
0xa4: {  	[spmem:s2] =	stream.indirect.scatter.add.f32 [tilespmem:s19], [sflag:$0x3], $0x40, s26, s16, $0xb8;
	[tilespmem:$0x17480] =	vst v63  }
0xa5: {  	_ =	swait.ge [sflag:s13], $0x1400  }
0xa6: {  	[sflag:s13] =	ssyncset.done $0x0  }
0xa7: {  	[sflag:s13] =	ssyncadd.s32 $0xFFFFEC00  }
0xa8: {  	_ =	swait.ge [sflag:s18], $0x1400  }
0xa9: {  	[sflag:s18] =	ssyncset.done $0x0  }
0xaa: {  	[sflag:s18] =	ssyncadd.s32 $0xFFFFEC00  }
0xab: {  	[tilespmem:s19], [sflag:$0x2] =	stream.indirect.gather [hbm4b:s5+s16], $0x40, s21, s16, $0xb8;
	[tilespmem:$0x17480] =	vst v63  }
0xac: {  	_ = 	snop  }
0xad: {  	[spmem:s2] =	stream.indirect.scatter.add.f32 [tilespmem:s17], [sflag:$0x3], $0x40, s22, s16, $0xb8;
	[tilespmem:$0x17480] =	vst v63  }
0xae: {  	_ =	swait.ge [sflag:s13], $0x1400  }
0xaf: {  	[sflag:s13] =	ssyncset.done $0x0  }
0xb0: {  	[sflag:s13] =	ssyncadd.s32 $0xFFFFEC00  }
0xb1: {  	_ =	swait.ge [sflag:s20], $0x1400  }
0xb2: {  	[sflag:s20] =	ssyncset.done $0x0  }
0xb3: {  	[sflag:s20] =	ssyncadd.s32 $0xFFFFEC00  }
0xb4: {  	[spmem:s2] =	stream.indirect.scatter.add.f32 [tilespmem:s19], [sflag:$0x3], $0x40, s23, s16, $0xb8;
	[tilespmem:$0x17480] =	vst v63  }
0xb5: {  	_ =	swait.ge [sflag:s13], $0x1400  }
0xb6: {  	[sflag:s13] =	ssyncset.done $0x0  }
0xb7: {  	[sflag:s13] =	ssyncadd.s32 $0xFFFFEC00  }
0xb8: {  	[bflag:$0x0] =	sbarrier.arrive $0xFFFF  }
0xb9: {  	[tilespmem:s17], [sflag:$0x3] =	stream.linear.gather [spmem:s10], $0x1400, $0x38;
	[tilespmem:$0x17480] =	vst v63  }
0xba: {  	_ =	swait.ge [sflag:s13], $0x1400  }
.Ltmp7:
0xbb: {  	[sflag:s13] =	ssyncset.done $0x0;
	(pc) =	sbr.rel @!p0 .LBB2_13-.Ltmp7, $4  }
0xbc: {  	[sflag:s13] =	ssyncadd.s32 $0xFFFFEC00  }
0xbd: {  	[hbm4b:s12+s3] =	stream.linear.scatter [tilespmem:s17], [sflag:$0x3], $0x1400, $0x38;
	[tilespmem:$0x17480] =	vst v63  }
0xbe: {  	s25 =	sadd.s32 $0xFFFFFFFF, s8;
	_ =	swait.ge [sflag:s13], $0x1400  }
0xbf: {  	s26 =	smov.u32 s12;
	s28 =	smov.u32 s10;
	[sflag:s13] =	ssyncset.done $0x0  }
.LBB2_12:
0xc0: {  	[sflag:s13] =	ssyncadd.s32 $0xFFFFEC00;
	s26 =	sadd.s32 $0x2800, s26;
	s28 =	sadd.s32 $0x14000, s28  }
0xc1: {  	[tilespmem:s17], [sflag:$0x3] =	stream.linear.gather [spmem:s28], $0x1400, $0x38;
	[tilespmem:$0x17480] =	vst v63  }
0xc2: {  	p0 =	sne.s32 s25, $0x1;
	s25 =	sadd.s32 $0xFFFFFFFF, s25;
	_ =	swait.ge [sflag:s13], $0x1400  }
.Ltmp8:
0xc3: {  	[sflag:s13] =	ssyncset.done $0x0;
	(pc) =	sbr.rel @p0 .LBB2_12-.Ltmp8, $4  }
0xc4: {  	[sflag:s13] =	ssyncadd.s32 $0xFFFFEC00  }
0xc5: {  	[hbm4b:s26+s3] =	stream.linear.scatter [tilespmem:s17], [sflag:$0x3], $0x1400, $0x38;
	[tilespmem:$0x17480] =	vst v63  }
0xc6: {  	_ =	swait.ge [sflag:s13], $0x1400  }
0xc7: {  	[sflag:s13] =	ssyncset.done $0x0  }
.LBB2_13:
0xc8: {  	s24 =	sadd.s32 $0x1, s24  }
0xc9: {  	p0 =	sne.s32 s24, s9  }
.Ltmp9:
0xca: {  	_ = 	snop;
	(pc) =	sbr.rel @p0 .LBB2_1-.Ltmp9, $3  }
0xcb: {  	_ = 	snop  }
0xcc: {  	[sflag:s13] =	ssyncadd.s32 $0xFFFFEC00  }
0xcd: {  	[bflag:$0x0] =	sbarrier.arrive $0xFFFF;
	_ =	sdelay $0x1  }
0xce: {  	_ =	sfence.sel $0x180000  }
0xcf: {  	[bflag:$0x0] =	sbarrier.arrive $0xFFFF  }
0xd0: {  	p0 =	sne.s32 s1, $0x0;
	_ =	strace $0x9000004A  }
0xd1: {  	s0 =	sadd.s32 @!p0 $0x100000, s0;
	[bflag:$0x2] =	sbarrier.arrive $0xFFFF  }
0xd2: {  	[sflag:s0] =	ssyncadd.tile.s32 @!p0 $0x1;
	_ =	shalt  }
.Lfunc_end2:
_tile_overlayer_lowered:
.L_overlay_start_2:
0xd3: {  	(tag) =	ssettag $0x2  }
0xd4: {  	s0 =	rddreg [dreg:$0x0];
	s2 =	stileid.u32  }
0xd5: {  	s1 =	rddreg [dreg:$0x1];
	p0 =	sne.s32 s2, $0x0  }
0xd6: {  	s3 =	rddreg [dreg:$0x2];
	[bflag:$0x3] =	sbarrier.arrive $0xFFFF;
	s2 =	simm.s32 @!p0 $0x1C03  }
0xd7: {  	[timem:s3], [sflag:s2] =	dma.local @!p0 [hbm:s0], s1  }
0xd8: {  	s0 =	simm.s32 @!p0 $0x3  }
0xd9: {  	_ =	swait.ge @!p0 [sflag:s0], s1  }
0xda: {  	s1 =	ssub.s32 @!p0 $0x0, s1;
	[sflag:s0] =	ssyncset.done @!p0 $0x0  }
0xdb: {  	[sflag:s0] =	ssyncadd.s32 @!p0 s1  }
0xdc: {  	[bflag:$0x3] =	sbarrier.arrive $0xFFFF  }
0xdd: {  	_ =	shalt  }

// kernel: kernel.15.cloned.1.call-start
scs
__scs_entry_jumppad:
0x0: {  	(pc) =	sbr.rel $0x88, $3  }
0x1: {  	(tag) =	ssettag $0x0;
	lr =	simm.s32 $0x1  }
0x2: {  	[smem:$0x3F99] =	sst lr;
	_ =	strace $0xD0000000  }
0x3: {  	_ = 	snop  }
0x4: {  	_ = 	snop  }
0x5: {  	_ = 	snop  }
0x6: {  	_ = 	snop  }
0x7: {  	_ = 	snop  }
__scs_overlays_trampoline_lowered:
0x8: {  	[smem:$0x3FA8] =	sst s0  }
0x9: {  	[smem:$0x3FA9] =	sst s1  }
0xa: {  	[smem:$0x3FAA] =	sst s2  }
0xb: {  	[smem:$0x3FAB] =	sst s3  }
0xc: {  	[smem:$0x3FAC] =	sst s4  }
0xd: {  	[smem:$0x3FAD] =	sst s5  }
0xe: {  	[smem:$0x3FAE] =	sst s6  }
0xf: {  	[smem:$0x3FAF] =	sst s7  }
0x10: {  	[smem:$0x3FB0] =	sst s8  }
0x11: {  	[smem:$0x3FB1] =	sst s9;
	s0 =	simm.s32 @!p0 $0x0  }
0x12: {  	s1 =	sld [smem:$0x3F97];
	s0 =	simm.s32 @p0 $0x1  }
0x13: {  	[smem:$0x3FB2] =	sst s0;
	s0 =	simm.s32 @!p1 $0x0  }
0x14: {  	s2 =	sld [smem:$0x3F96];
	s0 =	simm.s32 @p1 $0x1  }
0x15: {  	[smem:$0x3FB3] =	sst s0;
	s0 =	simm.s32 @!p2 $0x0  }
0x16: {  	s3 =	sld [smem:$0x3FDB];
	s0 =	simm.s32 @p2 $0x1  }
0x17: {  	s4 =	simm.s32 $0x1BF5;
	[smem:$0x3FB5] =	sst s0  }
0x18: {  	s0 =	sld [smem:$0x3F98];
	_ =	swait.ge [sflag:s4], $0x0  }
0x19: {  	s7 =	sld [smem:$0x3F99]  }
0x1a: {  	s8 =	sadd.s32 $0xFFFFE003, lr  }
0x1b: {  	s9 =	sadd.s32 $0xFFFFFEF7, lr;
	s5 =	simm.s32 $0xFFFFFFFF;
	p2 =	slt.u32 s8, $0xFFFFF086  }
0x1c: {  	p1 =	slt.u32 s9, $0xF7A;
	s5 =	simm.s32 @!p2 $0x0  }
0x1d: {  	s5 =	simm.s32 @p1 $0x1;
	p0 =	seq.s32 s7, s2  }
0x1e: {  	s7 =	smul.u32 @!p0 $0xF7A, s2;
	p2 =	seq.s32 @!p0 s5, $0x0  }
0x1f: {  	s9 =	smul.u32 $0xF7A, s1;
	s8 =	simm.s32 @!p0 $0x1BF5;
	p2 =	por !p2, p0  }
0x20: {  	[sflag:s8] =	ssyncset.s32 @!p0 $0xFFFFF086;
	s6 =	sadd.s32 @!p0 s3, s7;
	s7 =	simm.s32 @!p0 $0x108  }
0x21: {  	s3 =	sadd.s32 s3, s9;
	s6 =	sadd.s32 @!p0 $0x88, s6;
	s7 =	simm.s32 @p2 $0x1082  }
0x22: {  	[simem:s7], [sflag:s8] =	dma.local @!p0 [hbm:s6], $0xF7A  }
0x23: {  	s9 =	sor.u32 $0xD0000000, s2;
	s6 =	simm.s32 $0x108;
	_ =	swait.ge @!p0 [sflag:s8], $0x0  }
0x24: {  	s3 =	sadd.s32 $0x88, s3;
	s6 =	simm.s32 @!p1 $0x1082;
	[sflag:s4] =	ssyncset.s32 $0xFFFFF086  }
0x25: {  	[simem:s6], [sflag:s4] =	dma.local [hbm:s3], $0xF7A  }
0x26: {  	[smem:$0x3F99] =	sst s1;
	(tag) =	ssettag s2;
	_ =	strace s9  }
0x27: {  	s1 =	sld [smem:$0x3FA9]  }
0x28: {  	s2 =	sld [smem:$0x3FAA]  }
0x29: {  	s4 =	sld [smem:$0x3FAC]  }
0x2a: {  	p0 =	seq.s32 s5, $0x0;
	s5 =	sld [smem:$0x3FAD]  }
0x2b: {  	s6 =	sld [smem:$0x3FAE]  }
0x2c: {  	s7 =	sld [smem:$0x3FAF]  }
0x2d: {  	s3 =	simm.s32 $0x108;
	s8 =	sld [smem:$0x3FB0]  }
0x2e: {  	s3 =	simm.s32 @!p0 $0x1082;
	s9 =	sld [smem:$0x3FB1]  }
0x2f: {  	lr =	sadd.s32 s0, s3;
	s0 =	sld [smem:$0x3FA8]  }
0x30: {  	s3 =	sld [smem:$0x3FAB]  }
0x31: {  	[smem:$0x3FB4] =	sst s10  }
0x32: {  	s10 =	sld [smem:$0x3FB2];
	_ =	sdelay $0x3  }
0x33: {  	p0 =	seq.s32 s10, $0x1;
	s10 =	sld [smem:$0x3FB4];
	_ =	sdelay $0x3  }
0x34: {  	[smem:$0x3FB4] =	sst s10  }
0x35: {  	s10 =	sld [smem:$0x3FB3];
	_ =	sdelay $0x3  }
0x36: {  	p1 =	seq.s32 s10, $0x1;
	s10 =	sld [smem:$0x3FB4];
	_ =	sdelay $0x3  }
0x37: {  	[smem:$0x3FB4] =	sst s10  }
0x38: {  	s10 =	sld [smem:$0x3FB5]  }
0x39: {  	_ = 	snop;
	(pc) =	sbr.ind lr, $3  }
0x3a: {  	_ = 	snop  }
0x3b: {  	_ = 	snop  }
0x3c: {  	p2 =	seq.s32 s10, $0x1;
	s10 =	sld [smem:$0x3FB4]  }
0x3d: {  	_ =	shalt  }
0x3e: {  	_ =	shalt  }
0x3f: {  	_ =	shalt  }
0x40: {  	_ =	shalt  }
0x41: {  	_ =	shalt  }
0x42: {  	_ =	shalt  }
0x43: {  	_ =	shalt  }
0x44: {  	_ =	shalt  }
0x45: {  	_ =	shalt  }
0x46: {  	_ =	shalt  }
0x47: {  	_ =	shalt  }
0x48: {  	_ =	shalt  }
0x49: {  	_ =	shalt  }
0x4a: {  	_ =	shalt  }
0x4b: {  	_ =	shalt  }
0x4c: {  	_ =	shalt  }
0x4d: {  	_ =	shalt  }
0x4e: {  	_ =	shalt  }
0x4f: {  	_ =	shalt  }
0x50: {  	_ =	shalt  }
0x51: {  	_ =	shalt  }
0x52: {  	_ =	shalt  }
0x53: {  	_ =	shalt  }
0x54: {  	_ =	shalt  }
0x55: {  	_ =	shalt  }
0x56: {  	_ =	shalt  }
0x57: {  	_ =	shalt  }
0x58: {  	_ =	shalt  }
0x59: {  	_ =	shalt  }
0x5a: {  	_ =	shalt  }
0x5b: {  	_ =	shalt  }
0x5c: {  	_ =	shalt  }
0x5d: {  	_ =	shalt  }
0x5e: {  	_ =	shalt  }
0x5f: {  	_ =	shalt  }
0x60: {  	_ =	shalt  }
0x61: {  	_ =	shalt  }
0x62: {  	_ =	shalt  }
0x63: {  	_ =	shalt  }
0x64: {  	_ =	shalt  }
0x65: {  	_ =	shalt  }
0x66: {  	_ =	shalt  }
0x67: {  	_ =	shalt  }
0x68: {  	_ =	shalt  }
0x69: {  	_ =	shalt  }
0x6a: {  	_ =	shalt  }
0x6b: {  	_ =	shalt  }
0x6c: {  	_ =	shalt  }
0x6d: {  	_ =	shalt  }
0x6e: {  	_ =	shalt  }
0x6f: {  	_ =	shalt  }
0x70: {  	_ =	shalt  }
0x71: {  	_ =	shalt  }
0x72: {  	_ =	shalt  }
0x73: {  	_ =	shalt  }
0x74: {  	_ =	shalt  }
0x75: {  	_ =	shalt  }
0x76: {  	_ =	shalt  }
0x77: {  	_ =	shalt  }
0x78: {  	_ =	shalt  }
0x79: {  	_ =	shalt  }
0x7a: {  	_ =	shalt  }
0x7b: {  	_ =	shalt  }
0x7c: {  	_ =	shalt  }
0x7d: {  	_ =	shalt  }
0x7e: {  	_ =	shalt  }
0x7f: {  	_ =	shalt  }
0x80: {  	_ =	shalt  }
0x81: {  	_ =	shalt  }
0x82: {  	_ =	shalt  }
0x83: {  	_ =	shalt  }
0x84: {  	_ =	shalt  }
0x85: {  	_ =	shalt  }
0x86: {  	_ =	shalt  }
0x87: {  	_ =	shalt  }
.Lfunc_end0:
.L_simem_size_0:
called_computation.2_lowered:
.L_overlay_start_0:
0x88: {  	s2 =	sld [smem:$0x3FD9]  }
0x89: {  	s3 =	sld [smem:$0x3FFE];
	_ =	sdelay $0x1  }
0x8a: {  	s1 =	srdreg.scid  }
0x8b: {  	s0 =	sand.u32 $0x1, s1  }
0x8c: {  	s17 =	sshll.u32 s0, $0xA;
	s2 =	sadd.s32 s3, s2  }
0x8d: {  	s2 =	sadd.s32 s2, s17  }
0x8e: {  	[smem:$0x3FC0] =	sst s2  }
0x8f: {  	_ = 	snop  }
0x90: {  	s2 =	sld [smem:$0x3FD0];
	(tm) =	ssettm $0x1  }
0x91: {  	s18 =	sld [smem:$0x3FFB];
	_ =	sdelay $0x3  }
0x92: {  	_ =	strace s18  }
0x93: {  	s3 =	sld [smem:$0x3FFC];
	_ =	sdelay $0x3  }
0x94: {  	_ =	strace s3  }
0x95: {  	s3 =	sld [smem:$0x3FFD];
	_ =	sdelay $0x3  }
0x96: {  	_ =	strace s3  }
0x97: {  	_ =	strace $0x8FFFFFFF  }
0x98: {  	s19 =	sld [smem:$0x3FDB];
	_ =	sdelay $0x1  }
0x99: {  	s4 =	simm.s32 $_scs_section_size  }
0x9a: {  	s5 =	simm.s32 $_size__tile_overlayer_lowered;
	s6 =	simm.s32 $_tile_overlayer_lowered  }
0x9b: {  	s22 =	simm.s32 $0x1BFF;
	s21 =	sshll.u32 s6, $0x1;
	s3 =	sadd.s32 s4, s19  }
0x9c: {  	s7 =	simm.s32 $0x0;
	s20 =	sshll.u32 s5, $0x1;
	s5 =	sadd.s32 s21, s3  }
0x9d: {  	[timem:s7], [sflag:s22] =	dma.local [hbm:s5], s20  }
0x9e: {  	_ =	swait.ge [sflag:s22], s20  }
0x9f: {  	s4 =	ssub.s32 $0x0, s20;
	[sflag:s22] =	ssyncset.done $0x0  }
0xa0: {  	[sflag:s22] =	ssyncadd.s32 s4;
	_ =	sdelay $0x1  }
0xa1: {  	s23 =	simm.s32 $0x1B8B  }
0xa2: {  	_ =	swait.ge [sflag:s23], $0x1  }
0xa3: {  	[sflag:s23] =	ssyncset.done $0x0  }
0xa4: {  	s25 =	simm.s32 $0x1B8E;
	s24 =	sld [smem:$0x3FFE];
	[sflag:s23] =	ssyncadd.s32 $0xFFFFFFFF  }
0xa5: {  	s26 =	simm.s32 $execute0_lowered;
	[smem:$0x3FD2] =	sst s25  }
0xa6: {  	s5 =	sshll.u32 s26, $0x1;
	_ =	strace $0x8000004C;
	[dreg:$0x1] =	wrdreg $0xFFFFFFFF  }
0xa7: {  	s28 =	simm.s32 $_size_execute0_lowered;
	s3 =	sadd.s32 s3, s5;
	[dreg:$0x0] =	wrdreg $0x0  }
0xa8: {  	s5 =	sshll.u32 s28, $0x1;
	[dreg:$0x2] =	wrdreg s3  }
0xa9: {  	[dreg:$0x3] =	wrdreg s5  }
0xaa: {  	[dreg:$0x4] =	wrdreg $0xC0  }
0xab: {  	_ =	task [dreg:s7], $0x5FFFF  }
0xac: {  	[dreg:$0x1] =	wrdreg $0xFFFFFFFF  }
0xad: {  	[dreg:$0x0] =	wrdreg $0x60  }
0xae: {  	[dreg:$0x2] =	wrdreg s24  }
0xaf: {  	[dreg:$0x3] =	wrdreg s2  }
0xb0: {  	[dreg:$0x4] =	wrdreg $0xD8400  }
0xb1: {  	[dreg:$0x5] =	wrdreg $0x9  }
0xb2: {  	_ =	task.clear_ibuf [dreg:s7], $0x6FFFF;
	_ =	strace $0x9000004C  }
0xb3: {  	s29 =	simm.s32 $0x9;
	_ =	strace $0x8000004E  }
0xb4: {  	_ =	swait.ge [sflag:s29], $0x1  }
0xb5: {  	[sflag:s29] =	ssyncadd.s32 $0xFFFFFFFF  }
0xb6: {  	_ =	strace $0x9000004E  }
0xb7: {  	_ =	sfence  }
0xb8: {  	s30 =	sld [smem:$0x0];
	_ =	sdelay $0x2  }
0xb9: {  	s31 =	sshll.u32 s1, $0xD;
	s1 =	sshrl.u32 s1, $0x2  }
0xba: {  	s3 =	sand.u32 $0x4000, s31;
	s1 =	sadd.s32 s1, s30  }
0xbb: {  	s0 =	sor.u32 s3, s0;
	s1 =	sshll.u32 s1, $0x11  }
0xbc: {  	s0 =	sor.u32 s1, s0  }
0xbd: {  	s0 =	sadd.s32 $0x8F2B, s0  }
0xbe: {  	[sflag:s0] =	ssyncadd.remote.s32 $0x1  }
0xbf: {  	_ =	sfence.sel $0xFFFF  }
0xc0: {  	[dreg:$0x0] =	wrdreg $0xFFFFFFFF;
	(pc) =	sbr.abs _section_cstart, $3  }
0xc1: {  	[dreg:$0x1] =	wrdreg $0xFFFFFFFF  }
0xc2: {  	_ =	task.clear_ibuf [dreg:s7], $0x2FFFF;
	_ =	strace $0x9FFFFFFF  }
0xc3: {  	(tm) =	ssettm $0x7FFFFFFF  }
tec
execute0_lowered:
.L_overlay_start_1:
0x0: {  	(tag) =	ssettag $0x1  }
0x1: {  	s6 =	rddreg [dreg:$0x0]  }
0x2: {  	s11 =	rddreg [dreg:$0x1]  }
0x3: {  	s2 =	rddreg [dreg:$0x2];
	s3 =	srdreg.scid  }
0x4: {  	s0 =	rddreg [dreg:$0x3];
	s1 =	stileid.u32;
	s15 =	simm.s32 $0xC440  }
0x5: {  	s16 =	simm.s32 $0x50;
	s17 =	simm.s32 $0x9C40;
	s18 =	simm.s32 $0x1  }
0x6: {  	s19 =	simm.s32 $0xB040;
	s20 =	simm.s32 $0x2;
	s21 =	simm.s32 $0x4DD0  }
0x7: {  	s22 =	simm.s32 $0x9BA0;
	s23 =	simm.s32 $0x9BF0;
	s24 =	simm.s32 $0x0  }
0x8: {  	s7 =	sand.u32 $0x1, s3;
	s3 =	simm.s32 $0x0;
	s9 =	smul.u32 $0x1400, s1  }
0x9: {  	s4 =	sshll.u32 s1, $0x1;
	s14 =	smul.u32 $0x5000, s1;
	s30 =	ssub.s32 $0x8C, s1  }
0xa: {  	s8 =	smul.u32 $0x9C400, s7;
	[smem:$0x7FF] =	sst s3;
	s5 =	sor.u32 s7, s4  }
0xb: {  	s4 =	sadd.s32 $0x52800, s6;
	s7 =	ssub.s32 $0x2, s7;
	_ =	strace $0x8000004D  }
0xc: {  	s10 =	smul.u32 $0x9C4, s5;
	s5 =	sadd.s32 $0x66200, s6;
	s28 =	sshrl.u32 s7, $0x1  }
0xd: {  	s31 =	sshrl.u32 s14, $0x2;
	s14 =	simm.s32 $0x4E20;
	s8 =	sadd.s32 s9, s8  }
0xe: {  	s29 =	ssub.s32 s7, s28;
	s26 =	sadd.s32 s10, s6;
	s12 =	sshrl.u32 s8, $0x3  }
0xf: {  	s8 =	sshrl.u32 s30, $0x4;
	s9 =	smax.u32 s29, $0x1;
	s10 =	sadd.s32 s31, s2  }
0x10: {  	s13 =	sadd.s32 s12, s6;
	s6 =	sadd.s32 $0x17C00, s26;
	s7 =	sadd.s32 $0x4200, s26  }
0x11: {  	v0 =	vimm.f32 $0.0e+00;
	s11 =	sadd.s32 s12, s11;
	s12 =	sadd.s32 $0x79C00, s13;
	s13 =	simm.s32 $0x3  }
.LBB2_1:
0x12: {  	[tilespmem:s3], [sflag:$0x3] =	stream.linear.gather [hbm4b:s6+s3], $0x4E20, $0x38;
	[tilespmem:$0x17480] =	vst v63  }
0x13: {  	_ =	swait.ge [sflag:s13], $0x4E20  }
0x14: {  	[sflag:s13] =	ssyncset.done $0x0  }
0x15: {  	[sflag:s13] =	ssyncadd.s32 $0xFFFFB1E0  }
0x16: {  	[tilespmem:s14], [sflag:$0x3] =	stream.linear.gather [hbm4b:s7+s3], $0x4E20, $0x38;
	[tilespmem:$0x17480] =	vst v63  }
0x17: {  	_ =	swait.ge [sflag:s13], $0x4E20  }
0x18: {  	[sflag:s13] =	ssyncset.done $0x0  }
0x19: {  	s26 =	simm.s32 $0x100;
	s25 =	simm.s32 $0x0;
	[sflag:s13] =	ssyncadd.s32 $0xFFFFB1E0  }
.LBB2_2:
0x1a: {  	p0 =	sne.s32 s26, $0x4F00;
	[tilespmem:s25+$0xC470] =	vst v0;
	s28 =	smov.u32 s26;
	s26 =	sadd.s32 $0x100, s26  }
.Ltmp0:
0x1b: {  	[tilespmem:s25+$0xC460] =	vst v0;
	(pc) =	sbr.rel @p0 .LBB2_2-.Ltmp0, $3  }
0x1c: {  	[tilespmem:s25+$0xC440] =	vst v0  }
0x1d: {  	[tilespmem:s25+$0xC450] =	vst v0;
	_ =	sdelay $0x1  }
0x1e: {  	s25 =	sshra.s32 s28, $0x2  }
0x1f: {  	[tilespmem:s25+$0xC470] =	vst v0  }
0x20: {  	[tilespmem:s25+$0xC460] =	vst v0;
	p0 =	sne.s32 s8, $0x1  }
.Ltmp1:
0x21: {  	[tilespmem:s25+$0xC440] =	vst v0;
	(pc) =	sbr.rel @!p0 .LBB2_5-.Ltmp1, $4  }
0x22: {  	[tilespmem:s25+$0xC450] =	vst v0  }
0x23: {  	[spmem:s10] =	stream.linear.scatter [tilespmem:s15], [sflag:$0x3], $0x1400, $0x38;
	[tilespmem:$0x17480] =	vst v63  }
0x24: {  	_ =	swait.ge [sflag:s13], $0x1400  }
0x25: {  	s25 =	sadd.s32 $0xFFFFFFFF, s8;
	s26 =	smov.u32 s10;
	[sflag:s13] =	ssyncset.done $0x0  }
.LBB2_4:
0x26: {  	p1 =	sne.s32 s25, $0x1;
	[sflag:s13] =	ssyncadd.s32 $0xFFFFEC00;
	s26 =	sadd.s32 $0x14000, s26  }
.Ltmp2:
0x27: {  	s25 =	sadd.s32 $0xFFFFFFFF, s25;
	(pc) =	sbr.rel @p1 .LBB2_4-.Ltmp2, $4  }
0x28: {  	_ = 	snop  }
0x29: {  	[spmem:s26] =	stream.linear.scatter [tilespmem:s15], [sflag:$0x3], $0x1400, $0x38;
	[tilespmem:$0x17480] =	vst v63  }
0x2a: {  	_ =	swait.ge [sflag:s13], $0x1400  }
0x2b: {  	[sflag:s13] =	ssyncset.done $0x0  }
.LBB2_5:
0x2c: {  	[sflag:s13] =	ssyncadd.s32 $0xFFFFEC00  }
0x2d: {  	s25 =	simm.s32 $0x0;
	[bflag:$0x0] =	sbarrier.arrive $0xFFFF  }
0x2e: {  	[tilespmem:s17], [sflag:$0x1] =	stream.indirect.gather [hbm4b:s4+s16], $0x40, s25, s16, $0xb8;
	[tilespmem:$0x17480] =	vst v63  }
0x2f: {  	_ =	swait.ge [sflag:s18], $0x1400  }
0x30: {  	[sflag:s18] =	ssyncset.done $0x0  }
0x31: {  	s28 =	simm.s32 $0x50;
	[sflag:s18] =	ssyncadd.s32 $0xFFFFEC00  }
0x32: {  	[tilespmem:s19], [sflag:$0x2] =	stream.indirect.gather [hbm4b:s4+s16], $0x40, s28, s16, $0xb8;
	[tilespmem:$0x17480] =	vst v63  }
0x33: {  	s29 =	simm.s32 $0x4E20  }
0x34: {  	[spmem:s2] =	stream.indirect.scatter.add.f32 [tilespmem:s17], [sflag:$0x3], $0x40, s29, s16, $0xb8;
	[tilespmem:$0x17480] =	vst v63  }
0x35: {  	_ =	swait.ge [sflag:s13], $0x1400  }
0x36: {  	[sflag:s13] =	ssyncset.done $0x0  }
0x37: {  	[sflag:s13] =	ssyncadd.s32 $0xFFFFEC00  }
0x38: {  	_ =	swait.ge [sflag:s20], $0x1400  }
0x39: {  	[sflag:s20] =	ssyncset.done $0x0  }
0x3a: {  	s30 =	simm.s32 $0xA0;
	[sflag:s20] =	ssyncadd.s32 $0xFFFFEC00  }
0x3b: {  	[tilespmem:s17], [sflag:$0x1] =	stream.indirect.gather [hbm4b:s4+s16], $0x40, s30, s16, $0xb8;
	[tilespmem:$0x17480] =	vst v63  }
0x3c: {  	s31 =	simm.s32 $0x4E70  }
0x3d: {  	[spmem:s2] =	stream.indirect.scatter.add.f32 [tilespmem:s19], [sflag:$0x3], $0x40, s31, s16, $0xb8;
	[tilespmem:$0x17480] =	vst v63  }
0x3e: {  	_ =	swait.ge [sflag:s13], $0x1400  }
0x3f: {  	s25 =	simm.s32 $0x280;
	[sflag:s13] =	ssyncset.done $0x0  }
.LBB2_6:
0x40: {  	p1 =	sne.s32 s25, $0x13380  }
0x41: {  	[sflag:s13] =	ssyncadd.s32 $0xFFFFEC00;
	s26 =	smov.u32 s25;
	s25 =	sadd.s32 $0x280, s25  }
0x42: {  	_ = 	snop  }
0x43: {  	_ =	swait.ge [sflag:s18], $0x1400  }
0x44: {  	s26 =	sshra.s32 s26, $0x2;
	[sflag:s18] =	ssyncset.done $0x0  }
0x45: {  	s28 =	sadd.s32 $0x50, s26;
	[sflag:s18] =	ssyncadd.s32 $0xFFFFEC00  }
0x46: {  	[tilespmem:s19], [sflag:$0x2] =	stream.indirect.gather [hbm4b:s4+s16], $0x40, s28, s16, $0xb8;
	[tilespmem:$0x17480] =	vst v63  }
0x47: {  	s28 =	sadd.s32 $0x4E20, s26  }
0x48: {  	[spmem:s2] =	stream.indirect.scatter.add.f32 [tilespmem:s17], [sflag:$0x3], $0x40, s28, s16, $0xb8;
	[tilespmem:$0x17480] =	vst v63  }
0x49: {  	_ =	swait.ge [sflag:s13], $0x1400  }
0x4a: {  	[sflag:s13] =	ssyncset.done $0x0  }
0x4b: {  	[sflag:s13] =	ssyncadd.s32 $0xFFFFEC00  }
0x4c: {  	_ =	swait.ge [sflag:s20], $0x1400  }
0x4d: {  	[sflag:s20] =	ssyncset.done $0x0  }
0x4e: {  	s28 =	sadd.s32 $0xA0, s26;
	[sflag:s20] =	ssyncadd.s32 $0xFFFFEC00  }
0x4f: {  	[tilespmem:s17], [sflag:$0x1] =	stream.indirect.gather [hbm4b:s4+s16], $0x40, s28, s16, $0xb8;
	[tilespmem:$0x17480] =	vst v63  }
.Ltmp3:
0x50: {  	_ = 	snop;
	(pc) =	sbr.rel @p1 .LBB2_6-.Ltmp3, $4  }
0x51: {  	s26 =	sadd.s32 $0x4E70, s26  }
0x52: {  	[spmem:s2] =	stream.indirect.scatter.add.f32 [tilespmem:s19], [sflag:$0x3], $0x40, s26, s16, $0xb8;
	[tilespmem:$0x17480] =	vst v63  }
0x53: {  	_ =	swait.ge [sflag:s13], $0x1400  }
0x54: {  	[sflag:s13] =	ssyncset.done $0x0  }
0x55: {  	[sflag:s13] =	ssyncadd.s32 $0xFFFFEC00  }
0x56: {  	_ =	swait.ge [sflag:s18], $0x1400  }
0x57: {  	[sflag:s18] =	ssyncset.done $0x0  }
0x58: {  	[sflag:s18] =	ssyncadd.s32 $0xFFFFEC00  }
0x59: {  	[tilespmem:s19], [sflag:$0x2] =	stream.indirect.gather [hbm4b:s4+s16], $0x40, s21, s16, $0xb8;
	[tilespmem:$0x17480] =	vst v63  }
0x5a: {  	_ = 	snop  }
0x5b: {  	[spmem:s2] =	stream.indirect.scatter.add.f32 [tilespmem:s17], [sflag:$0x3], $0x40, s22, s16, $0xb8;
	[tilespmem:$0x17480] =	vst v63  }
0x5c: {  	_ =	swait.ge [sflag:s13], $0x1400  }
0x5d: {  	[sflag:s13] =	ssyncset.done $0x0  }
0x5e: {  	[sflag:s13] =	ssyncadd.s32 $0xFFFFEC00  }
0x5f: {  	_ =	swait.ge [sflag:s20], $0x1400  }
0x60: {  	[sflag:s20] =	ssyncset.done $0x0  }
0x61: {  	[sflag:s20] =	ssyncadd.s32 $0xFFFFEC00  }
0x62: {  	[spmem:s2] =	stream.indirect.scatter.add.f32 [tilespmem:s19], [sflag:$0x3], $0x40, s23, s16, $0xb8;
	[tilespmem:$0x17480] =	vst v63  }
0x63: {  	_ =	swait.ge [sflag:s13], $0x1400  }
0x64: {  	[sflag:s13] =	ssyncset.done $0x0  }
0x65: {  	[sflag:s13] =	ssyncadd.s32 $0xFFFFEC00  }
0x66: {  	[bflag:$0x0] =	sbarrier.arrive $0xFFFF  }
0x67: {  	[tilespmem:s17], [sflag:$0x3] =	stream.linear.gather [spmem:s10], $0x1400, $0x38;
	[tilespmem:$0x17480] =	vst v63  }
0x68: {  	_ =	swait.ge [sflag:s13], $0x1400  }
0x69: {  	[sflag:s13] =	ssyncset.done $0x0  }
0x6a: {  	[sflag:s13] =	ssyncadd.s32 $0xFFFFEC00  }
0x6b: {  	[hbm4b:s11+s3] =	stream.linear.scatter [tilespmem:s17], [sflag:$0x3], $0x1400, $0x38;
	[tilespmem:$0x17480] =	vst v63  }
0x6c: {  	_ =	swait.ge [sflag:s13], $0x1400  }
.Ltmp4:
0x6d: {  	[sflag:s13] =	ssyncset.done $0x0;
	(pc) =	sbr.rel @!p0 .LBB2_9-.Ltmp4, $4  }
0x6e: {  	[sflag:s13] =	ssyncadd.s32 $0xFFFFEC00  }
0x6f: {  	[spmem:s10] =	stream.linear.scatter [tilespmem:s15], [sflag:$0x3], $0x1400, $0x38;
	[tilespmem:$0x17480] =	vst v63  }
0x70: {  	s25 =	sadd.s32 $0xFFFFFFFF, s8;
	_ =	swait.ge [sflag:s13], $0x1400  }
0x71: {  	s26 =	smov.u32 s11;
	s28 =	smov.u32 s10;
	[sflag:s13] =	ssyncset.done $0x0  }
.LBB2_8:
0x72: {  	[sflag:s13] =	ssyncadd.s32 $0xFFFFEC00;
	s26 =	sadd.s32 $0x2800, s26;
	s28 =	sadd.s32 $0x14000, s28  }
0x73: {  	[tilespmem:s17], [sflag:$0x3] =	stream.linear.gather [spmem:s28], $0x1400, $0x38;
	[tilespmem:$0x17480] =	vst v63  }
0x74: {  	p1 =	sne.s32 s25, $0x1;
	s25 =	sadd.s32 $0xFFFFFFFF, s25;
	_ =	swait.ge [sflag:s13], $0x1400  }
0x75: {  	[sflag:s13] =	ssyncset.done $0x0  }
0x76: {  	[sflag:s13] =	ssyncadd.s32 $0xFFFFEC00  }
0x77: {  	[hbm4b:s26+s3] =	stream.linear.scatter [tilespmem:s17], [sflag:$0x3], $0x1400, $0x38;
	[tilespmem:$0x17480] =	vst v63  }
0x78: {  	_ =	swait.ge [sflag:s13], $0x1400  }
.Ltmp5:
0x79: {  	[sflag:s13] =	ssyncset.done $0x0;
	(pc) =	sbr.rel @p1 .LBB2_8-.Ltmp5, $4  }
0x7a: {  	[sflag:s13] =	ssyncadd.s32 $0xFFFFEC00  }
0x7b: {  	[spmem:s28] =	stream.linear.scatter [tilespmem:s15], [sflag:$0x3], $0x1400, $0x38;
	[tilespmem:$0x17480] =	vst v63  }
0x7c: {  	_ =	swait.ge [sflag:s13], $0x1400  }
0x7d: {  	[sflag:s13] =	ssyncset.done $0x0  }
.LBB2_9:
0x7e: {  	[sflag:s13] =	ssyncadd.s32 $0xFFFFEC00  }
0x7f: {  	s25 =	simm.s32 $0x0;
	[bflag:$0x0] =	sbarrier.arrive $0xFFFF  }
0x80: {  	[tilespmem:s17], [sflag:$0x1] =	stream.indirect.gather [hbm4b:s5+s16], $0x40, s25, s16, $0xb8;
	[tilespmem:$0x17480] =	vst v63  }
0x81: {  	_ =	swait.ge [sflag:s18], $0x1400  }
0x82: {  	[sflag:s18] =	ssyncset.done $0x0  }
0x83: {  	s28 =	simm.s32 $0x50;
	[sflag:s18] =	ssyncadd.s32 $0xFFFFEC00  }
0x84: {  	[tilespmem:s19], [sflag:$0x2] =	stream.indirect.gather [hbm4b:s5+s16], $0x40, s28, s16, $0xb8;
	[tilespmem:$0x17480] =	vst v63  }
0x85: {  	s29 =	simm.s32 $0x4E20  }
0x86: {  	[spmem:s2] =	stream.indirect.scatter.add.f32 [tilespmem:s17], [sflag:$0x3], $0x40, s29, s16, $0xb8;
	[tilespmem:$0x17480] =	vst v63  }
0x87: {  	_ =	swait.ge [sflag:s13], $0x1400  }
0x88: {  	[sflag:s13] =	ssyncset.done $0x0  }
0x89: {  	[sflag:s13] =	ssyncadd.s32 $0xFFFFEC00  }
0x8a: {  	_ =	swait.ge [sflag:s20], $0x1400  }
0x8b: {  	[sflag:s20] =	ssyncset.done $0x0  }
0x8c: {  	s30 =	simm.s32 $0xA0;
	[sflag:s20] =	ssyncadd.s32 $0xFFFFEC00  }
0x8d: {  	[tilespmem:s17], [sflag:$0x1] =	stream.indirect.gather [hbm4b:s5+s16], $0x40, s30, s16, $0xb8;
	[tilespmem:$0x17480] =	vst v63  }
0x8e: {  	s31 =	simm.s32 $0x4E70  }
0x8f: {  	[spmem:s2] =	stream.indirect.scatter.add.f32 [tilespmem:s19], [sflag:$0x3], $0x40, s31, s16, $0xb8;
	[tilespmem:$0x17480] =	vst v63  }
0x90: {  	_ =	swait.ge [sflag:s13], $0x1400  }
0x91: {  	s25 =	simm.s32 $0x280;
	[sflag:s13] =	ssyncset.done $0x0  }
.LBB2_10:
0x92: {  	p1 =	sne.s32 s25, $0x13380  }
0x93: {  	[sflag:s13] =	ssyncadd.s32 $0xFFFFEC00;
	s26 =	smov.u32 s25;
	s25 =	sadd.s32 $0x280, s25  }
0x94: {  	_ = 	snop  }
0x95: {  	_ =	swait.ge [sflag:s18], $0x1400  }
0x96: {  	s26 =	sshra.s32 s26, $0x2;
	[sflag:s18] =	ssyncset.done $0x0  }
0x97: {  	s28 =	sadd.s32 $0x50, s26;
	[sflag:s18] =	ssyncadd.s32 $0xFFFFEC00  }
0x98: {  	[tilespmem:s19], [sflag:$0x2] =	stream.indirect.gather [hbm4b:s5+s16], $0x40, s28, s16, $0xb8;
	[tilespmem:$0x17480] =	vst v63  }
0x99: {  	s28 =	sadd.s32 $0x4E20, s26  }
0x9a: {  	[spmem:s2] =	stream.indirect.scatter.add.f32 [tilespmem:s17], [sflag:$0x3], $0x40, s28, s16, $0xb8;
	[tilespmem:$0x17480] =	vst v63  }
0x9b: {  	_ =	swait.ge [sflag:s13], $0x1400  }
0x9c: {  	[sflag:s13] =	ssyncset.done $0x0  }
0x9d: {  	[sflag:s13] =	ssyncadd.s32 $0xFFFFEC00  }
0x9e: {  	_ =	swait.ge [sflag:s20], $0x1400  }
0x9f: {  	[sflag:s20] =	ssyncset.done $0x0  }
0xa0: {  	s28 =	sadd.s32 $0xA0, s26;
	[sflag:s20] =	ssyncadd.s32 $0xFFFFEC00  }
0xa1: {  	[tilespmem:s17], [sflag:$0x1] =	stream.indirect.gather [hbm4b:s5+s16], $0x40, s28, s16, $0xb8;
	[tilespmem:$0x17480] =	vst v63  }
.Ltmp6:
0xa2: {  	_ = 	snop;
	(pc) =	sbr.rel @p1 .LBB2_10-.Ltmp6, $4  }
0xa3: {  	s26 =	sadd.s32 $0x4E70, s26  }
0xa4: {  	[spmem:s2] =	stream.indirect.scatter.add.f32 [tilespmem:s19], [sflag:$0x3], $0x40, s26, s16, $0xb8;
	[tilespmem:$0x17480] =	vst v63  }
0xa5: {  	_ =	swait.ge [sflag:s13], $0x1400  }
0xa6: {  	[sflag:s13] =	ssyncset.done $0x0  }
0xa7: {  	[sflag:s13] =	ssyncadd.s32 $0xFFFFEC00  }
0xa8: {  	_ =	swait.ge [sflag:s18], $0x1400  }
0xa9: {  	[sflag:s18] =	ssyncset.done $0x0  }
0xaa: {  	[sflag:s18] =	ssyncadd.s32 $0xFFFFEC00  }
0xab: {  	[tilespmem:s19], [sflag:$0x2] =	stream.indirect.gather [hbm4b:s5+s16], $0x40, s21, s16, $0xb8;
	[tilespmem:$0x17480] =	vst v63  }
0xac: {  	_ = 	snop  }
0xad: {  	[spmem:s2] =	stream.indirect.scatter.add.f32 [tilespmem:s17], [sflag:$0x3], $0x40, s22, s16, $0xb8;
	[tilespmem:$0x17480] =	vst v63  }
0xae: {  	_ =	swait.ge [sflag:s13], $0x1400  }
0xaf: {  	[sflag:s13] =	ssyncset.done $0x0  }
0xb0: {  	[sflag:s13] =	ssyncadd.s32 $0xFFFFEC00  }
0xb1: {  	_ =	swait.ge [sflag:s20], $0x1400  }
0xb2: {  	[sflag:s20] =	ssyncset.done $0x0  }
0xb3: {  	[sflag:s20] =	ssyncadd.s32 $0xFFFFEC00  }
0xb4: {  	[spmem:s2] =	stream.indirect.scatter.add.f32 [tilespmem:s19], [sflag:$0x3], $0x40, s23, s16, $0xb8;
	[tilespmem:$0x17480] =	vst v63  }
0xb5: {  	_ =	swait.ge [sflag:s13], $0x1400  }
0xb6: {  	[sflag:s13] =	ssyncset.done $0x0  }
0xb7: {  	[sflag:s13] =	ssyncadd.s32 $0xFFFFEC00  }
0xb8: {  	[bflag:$0x0] =	sbarrier.arrive $0xFFFF  }
0xb9: {  	[tilespmem:s17], [sflag:$0x3] =	stream.linear.gather [spmem:s10], $0x1400, $0x38;
	[tilespmem:$0x17480] =	vst v63  }
0xba: {  	_ =	swait.ge [sflag:s13], $0x1400  }
.Ltmp7:
0xbb: {  	[sflag:s13] =	ssyncset.done $0x0;
	(pc) =	sbr.rel @!p0 .LBB2_13-.Ltmp7, $4  }
0xbc: {  	[sflag:s13] =	ssyncadd.s32 $0xFFFFEC00  }
0xbd: {  	[hbm4b:s12+s3] =	stream.linear.scatter [tilespmem:s17], [sflag:$0x3], $0x1400, $0x38;
	[tilespmem:$0x17480] =	vst v63  }
0xbe: {  	s25 =	sadd.s32 $0xFFFFFFFF, s8;
	_ =	swait.ge [sflag:s13], $0x1400  }
0xbf: {  	s26 =	smov.u32 s12;
	s28 =	smov.u32 s10;
	[sflag:s13] =	ssyncset.done $0x0  }
.LBB2_12:
0xc0: {  	[sflag:s13] =	ssyncadd.s32 $0xFFFFEC00;
	s26 =	sadd.s32 $0x2800, s26;
	s28 =	sadd.s32 $0x14000, s28  }
0xc1: {  	[tilespmem:s17], [sflag:$0x3] =	stream.linear.gather [spmem:s28], $0x1400, $0x38;
	[tilespmem:$0x17480] =	vst v63  }
0xc2: {  	p0 =	sne.s32 s25, $0x1;
	s25 =	sadd.s32 $0xFFFFFFFF, s25;
	_ =	swait.ge [sflag:s13], $0x1400  }
.Ltmp8:
0xc3: {  	[sflag:s13] =	ssyncset.done $0x0;
	(pc) =	sbr.rel @p0 .LBB2_12-.Ltmp8, $4  }
0xc4: {  	[sflag:s13] =	ssyncadd.s32 $0xFFFFEC00  }
0xc5: {  	[hbm4b:s26+s3] =	stream.linear.scatter [tilespmem:s17], [sflag:$0x3], $0x1400, $0x38;
	[tilespmem:$0x17480] =	vst v63  }
0xc6: {  	_ =	swait.ge [sflag:s13], $0x1400  }
0xc7: {  	[sflag:s13] =	ssyncset.done $0x0  }
.LBB2_13:
0xc8: {  	s24 =	sadd.s32 $0x1, s24  }
0xc9: {  	p0 =	sne.s32 s24, s9  }
.Ltmp9:
0xca: {  	_ = 	snop;
	(pc) =	sbr.rel @p0 .LBB2_1-.Ltmp9, $3  }
0xcb: {  	_ = 	snop  }
0xcc: {  	[sflag:s13] =	ssyncadd.s32 $0xFFFFEC00  }
0xcd: {  	[bflag:$0x0] =	sbarrier.arrive $0xFFFF;
	_ =	sdelay $0x1  }
0xce: {  	_ =	sfence.sel $0x180000  }
0xcf: {  	[bflag:$0x0] =	sbarrier.arrive $0xFFFF  }
0xd0: {  	p0 =	sne.s32 s1, $0x0;
	_ =	strace $0x9000004D  }
0xd1: {  	s0 =	sadd.s32 @!p0 $0x100000, s0;
	[bflag:$0x2] =	sbarrier.arrive $0xFFFF  }
0xd2: {  	[sflag:s0] =	ssyncadd.tile.s32 @!p0 $0x1;
	_ =	shalt  }
.Lfunc_end2:
_tile_overlayer_lowered:
.L_overlay_start_2:
0xd3: {  	(tag) =	ssettag $0x2  }
0xd4: {  	s0 =	rddreg [dreg:$0x0];
	s2 =	stileid.u32  }
0xd5: {  	s1 =	rddreg [dreg:$0x1];
	p0 =	sne.s32 s2, $0x0  }
0xd6: {  	s3 =	rddreg [dreg:$0x2];
	[bflag:$0x3] =	sbarrier.arrive $0xFFFF;
	s2 =	simm.s32 @!p0 $0x1C03  }
0xd7: {  	[timem:s3], [sflag:s2] =	dma.local @!p0 [hbm:s0], s1  }
0xd8: {  	s0 =	simm.s32 @!p0 $0x3  }
0xd9: {  	_ =	swait.ge @!p0 [sflag:s0], s1  }
0xda: {  	s1 =	ssub.s32 @!p0 $0x0, s1;
	[sflag:s0] =	ssyncset.done @!p0 $0x0  }
0xdb: {  	[sflag:s0] =	ssyncadd.s32 @!p0 s1  }
0xdc: {  	[bflag:$0x3] =	sbarrier.arrive $0xFFFF  }
0xdd: {  	_ =	shalt  }

// kernel: kernel.9.cloned.1.call-start
scs
__scs_entry_jumppad:
0x0: {  	(pc) =	sbr.rel $0x88, $3  }
0x1: {  	(tag) =	ssettag $0x0;
	lr =	simm.s32 $0x1  }
0x2: {  	[smem:$0x3F99] =	sst lr;
	_ =	strace $0xD0000000  }
0x3: {  	_ = 	snop  }
0x4: {  	_ = 	snop  }
0x5: {  	_ = 	snop  }
0x6: {  	_ = 	snop  }
0x7: {  	_ = 	snop  }
__scs_overlays_trampoline_lowered:
0x8: {  	[smem:$0x3FA8] =	sst s0  }
0x9: {  	[smem:$0x3FA9] =	sst s1  }
0xa: {  	[smem:$0x3FAA] =	sst s2  }
0xb: {  	[smem:$0x3FAB] =	sst s3  }
0xc: {  	[smem:$0x3FAC] =	sst s4  }
0xd: {  	[smem:$0x3FAD] =	sst s5  }
0xe: {  	[smem:$0x3FAE] =	sst s6  }
0xf: {  	[smem:$0x3FAF] =	sst s7  }
0x10: {  	[smem:$0x3FB0] =	sst s8  }
0x11: {  	[smem:$0x3FB1] =	sst s9;
	s0 =	simm.s32 @!p0 $0x0  }
0x12: {  	s1 =	sld [smem:$0x3F97];
	s0 =	simm.s32 @p0 $0x1  }
0x13: {  	[smem:$0x3FB2] =	sst s0;
	s0 =	simm.s32 @!p1 $0x0  }
0x14: {  	s2 =	sld [smem:$0x3F96];
	s0 =	simm.s32 @p1 $0x1  }
0x15: {  	[smem:$0x3FB3] =	sst s0;
	s0 =	simm.s32 @!p2 $0x0  }
0x16: {  	s3 =	sld [smem:$0x3FDB];
	s0 =	simm.s32 @p2 $0x1  }
0x17: {  	s4 =	simm.s32 $0x1BF5;
	[smem:$0x3FB5] =	sst s0  }
0x18: {  	s0 =	sld [smem:$0x3F98];
	_ =	swait.ge [sflag:s4], $0x0  }
0x19: {  	s7 =	sld [smem:$0x3F99]  }
0x1a: {  	s8 =	sadd.s32 $0xFFFFE003, lr  }
0x1b: {  	s9 =	sadd.s32 $0xFFFFFEF7, lr;
	s5 =	simm.s32 $0xFFFFFFFF;
	p2 =	slt.u32 s8, $0xFFFFF086  }
0x1c: {  	p1 =	slt.u32 s9, $0xF7A;
	s5 =	simm.s32 @!p2 $0x0  }
0x1d: {  	s5 =	simm.s32 @p1 $0x1;
	p0 =	seq.s32 s7, s2  }
0x1e: {  	s7 =	smul.u32 @!p0 $0xF7A, s2;
	p2 =	seq.s32 @!p0 s5, $0x0  }
0x1f: {  	s9 =	smul.u32 $0xF7A, s1;
	s8 =	simm.s32 @!p0 $0x1BF5;
	p2 =	por !p2, p0  }
0x20: {  	[sflag:s8] =	ssyncset.s32 @!p0 $0xFFFFF086;
	s6 =	sadd.s32 @!p0 s3, s7;
	s7 =	simm.s32 @!p0 $0x108  }
0x21: {  	s3 =	sadd.s32 s3, s9;
	s6 =	sadd.s32 @!p0 $0x88, s6;
	s7 =	simm.s32 @p2 $0x1082  }
0x22: {  	[simem:s7], [sflag:s8] =	dma.local @!p0 [hbm:s6], $0xF7A  }
0x23: {  	s9 =	sor.u32 $0xD0000000, s2;
	s6 =	simm.s32 $0x108;
	_ =	swait.ge @!p0 [sflag:s8], $0x0  }
0x24: {  	s3 =	sadd.s32 $0x88, s3;
	s6 =	simm.s32 @!p1 $0x1082;
	[sflag:s4] =	ssyncset.s32 $0xFFFFF086  }
0x25: {  	[simem:s6], [sflag:s4] =	dma.local [hbm:s3], $0xF7A  }
0x26: {  	[smem:$0x3F99] =	sst s1;
	(tag) =	ssettag s2;
	_ =	strace s9  }
0x27: {  	s1 =	sld [smem:$0x3FA9]  }
0x28: {  	s2 =	sld [smem:$0x3FAA]  }
0x29: {  	s4 =	sld [smem:$0x3FAC]  }
0x2a: {  	p0 =	seq.s32 s5, $0x0;
	s5 =	sld [smem:$0x3FAD]  }
0x2b: {  	s6 =	sld [smem:$0x3FAE]  }
0x2c: {  	s7 =	sld [smem:$0x3FAF]  }
0x2d: {  	s3 =	simm.s32 $0x108;
	s8 =	sld [smem:$0x3FB0]  }
0x2e: {  	s3 =	simm.s32 @!p0 $0x1082;
	s9 =	sld [smem:$0x3FB1]  }
0x2f: {  	lr =	sadd.s32 s0, s3;
	s0 =	sld [smem:$0x3FA8]  }
0x30: {  	s3 =	sld [smem:$0x3FAB]  }
0x31: {  	[smem:$0x3FB4] =	sst s10  }
0x32: {  	s10 =	sld [smem:$0x3FB2];
	_ =	sdelay $0x3  }
0x33: {  	p0 =	seq.s32 s10, $0x1;
	s10 =	sld [smem:$0x3FB4];
	_ =	sdelay $0x3  }
0x34: {  	[smem:$0x3FB4] =	sst s10  }
0x35: {  	s10 =	sld [smem:$0x3FB3];
	_ =	sdelay $0x3  }
0x36: {  	p1 =	seq.s32 s10, $0x1;
	s10 =	sld [smem:$0x3FB4];
	_ =	sdelay $0x3  }
0x37: {  	[smem:$0x3FB4] =	sst s10  }
0x38: {  	s10 =	sld [smem:$0x3FB5]  }
0x39: {  	_ = 	snop;
	(pc) =	sbr.ind lr, $3  }
0x3a: {  	_ = 	snop  }
0x3b: {  	_ = 	snop  }
0x3c: {  	p2 =	seq.s32 s10, $0x1;
	s10 =	sld [smem:$0x3FB4]  }
0x3d: {  	_ =	shalt  }
0x3e: {  	_ =	shalt  }
0x3f: {  	_ =	shalt  }
0x40: {  	_ =	shalt  }
0x41: {  	_ =	shalt  }
0x42: {  	_ =	shalt  }
0x43: {  	_ =	shalt  }
0x44: {  	_ =	shalt  }
0x45: {  	_ =	shalt  }
0x46: {  	_ =	shalt  }
0x47: {  	_ =	shalt  }
0x48: {  	_ =	shalt  }
0x49: {  	_ =	shalt  }
0x4a: {  	_ =	shalt  }
0x4b: {  	_ =	shalt  }
0x4c: {  	_ =	shalt  }
0x4d: {  	_ =	shalt  }
0x4e: {  	_ =	shalt  }
0x4f: {  	_ =	shalt  }
0x50: {  	_ =	shalt  }
0x51: {  	_ =	shalt  }
0x52: {  	_ =	shalt  }
0x53: {  	_ =	shalt  }
0x54: {  	_ =	shalt  }
0x55: {  	_ =	shalt  }
0x56: {  	_ =	shalt  }
0x57: {  	_ =	shalt  }
0x58: {  	_ =	shalt  }
0x59: {  	_ =	shalt  }
0x5a: {  	_ =	shalt  }
0x5b: {  	_ =	shalt  }
0x5c: {  	_ =	shalt  }
0x5d: {  	_ =	shalt  }
0x5e: {  	_ =	shalt  }
0x5f: {  	_ =	shalt  }
0x60: {  	_ =	shalt  }
0x61: {  	_ =	shalt  }
0x62: {  	_ =	shalt  }
0x63: {  	_ =	shalt  }
0x64: {  	_ =	shalt  }
0x65: {  	_ =	shalt  }
0x66: {  	_ =	shalt  }
0x67: {  	_ =	shalt  }
0x68: {  	_ =	shalt  }
0x69: {  	_ =	shalt  }
0x6a: {  	_ =	shalt  }
0x6b: {  	_ =	shalt  }
0x6c: {  	_ =	shalt  }
0x6d: {  	_ =	shalt  }
0x6e: {  	_ =	shalt  }
0x6f: {  	_ =	shalt  }
0x70: {  	_ =	shalt  }
0x71: {  	_ =	shalt  }
0x72: {  	_ =	shalt  }
0x73: {  	_ =	shalt  }
0x74: {  	_ =	shalt  }
0x75: {  	_ =	shalt  }
0x76: {  	_ =	shalt  }
0x77: {  	_ =	shalt  }
0x78: {  	_ =	shalt  }
0x79: {  	_ =	shalt  }
0x7a: {  	_ =	shalt  }
0x7b: {  	_ =	shalt  }
0x7c: {  	_ =	shalt  }
0x7d: {  	_ =	shalt  }
0x7e: {  	_ =	shalt  }
0x7f: {  	_ =	shalt  }
0x80: {  	_ =	shalt  }
0x81: {  	_ =	shalt  }
0x82: {  	_ =	shalt  }
0x83: {  	_ =	shalt  }
0x84: {  	_ =	shalt  }
0x85: {  	_ =	shalt  }
0x86: {  	_ =	shalt  }
0x87: {  	_ =	shalt  }
.Lfunc_end0:
.L_simem_size_0:
called_computation_lowered:
.L_overlay_start_0:
0x88: {  	s2 =	sld [smem:$0x3FD9]  }
0x89: {  	s3 =	sld [smem:$0x3FFE];
	_ =	sdelay $0x1  }
0x8a: {  	s1 =	srdreg.scid  }
0x8b: {  	s0 =	sand.u32 $0x1, s1  }
0x8c: {  	s17 =	sshll.u32 s0, $0xA;
	s2 =	sadd.s32 s3, s2  }
0x8d: {  	s2 =	sadd.s32 s2, s17  }
0x8e: {  	[smem:$0x3FC0] =	sst s2  }
0x8f: {  	_ = 	snop  }
0x90: {  	s2 =	sld [smem:$0x3FD0];
	(tm) =	ssettm $0x1  }
0x91: {  	s18 =	sld [smem:$0x3FFB];
	_ =	sdelay $0x3  }
0x92: {  	_ =	strace s18  }
0x93: {  	s3 =	sld [smem:$0x3FFC];
	_ =	sdelay $0x3  }
0x94: {  	_ =	strace s3  }
0x95: {  	s3 =	sld [smem:$0x3FFD];
	_ =	sdelay $0x3  }
0x96: {  	_ =	strace s3  }
0x97: {  	_ =	strace $0x8FFFFFFF  }
0x98: {  	s19 =	sld [smem:$0x3FDB];
	_ =	sdelay $0x1  }
0x99: {  	s4 =	simm.s32 $_scs_section_size  }
0x9a: {  	s5 =	simm.s32 $_size__tile_overlayer_lowered;
	s6 =	simm.s32 $_tile_overlayer_lowered  }
0x9b: {  	s22 =	simm.s32 $0x1BFF;
	s21 =	sshll.u32 s6, $0x1;
	s3 =	sadd.s32 s4, s19  }
0x9c: {  	s7 =	simm.s32 $0x0;
	s20 =	sshll.u32 s5, $0x1;
	s5 =	sadd.s32 s21, s3  }
0x9d: {  	[timem:s7], [sflag:s22] =	dma.local [hbm:s5], s20  }
0x9e: {  	_ =	swait.ge [sflag:s22], s20  }
0x9f: {  	s4 =	ssub.s32 $0x0, s20;
	[sflag:s22] =	ssyncset.done $0x0  }
0xa0: {  	[sflag:s22] =	ssyncadd.s32 s4;
	_ =	sdelay $0x1  }
0xa1: {  	s23 =	simm.s32 $0x1B8B  }
0xa2: {  	_ =	swait.ge [sflag:s23], $0x1  }
0xa3: {  	[sflag:s23] =	ssyncset.done $0x0  }
0xa4: {  	s25 =	simm.s32 $0x1B8E;
	s24 =	sld [smem:$0x3FFE];
	[sflag:s23] =	ssyncadd.s32 $0xFFFFFFFF  }
0xa5: {  	s26 =	simm.s32 $execute0_lowered;
	[smem:$0x3FD2] =	sst s25  }
0xa6: {  	s5 =	sshll.u32 s26, $0x1;
	_ =	strace $0x80000046;
	[dreg:$0x1] =	wrdreg $0xFFFFFFFF  }
0xa7: {  	s28 =	simm.s32 $_size_execute0_lowered;
	s3 =	sadd.s32 s3, s5;
	[dreg:$0x0] =	wrdreg $0x0  }
0xa8: {  	s5 =	sshll.u32 s28, $0x1;
	[dreg:$0x2] =	wrdreg s3  }
0xa9: {  	[dreg:$0x3] =	wrdreg s5  }
0xaa: {  	[dreg:$0x4] =	wrdreg $0xC0  }
0xab: {  	_ =	task [dreg:s7], $0x5FFFF  }
0xac: {  	[dreg:$0x1] =	wrdreg $0xFFFFFFFF  }
0xad: {  	[dreg:$0x0] =	wrdreg $0x60  }
0xae: {  	[dreg:$0x2] =	wrdreg s2  }
0xaf: {  	[dreg:$0x3] =	wrdreg s24  }
0xb0: {  	[dreg:$0x4] =	wrdreg $0x81000  }
0xb1: {  	[dreg:$0x5] =	wrdreg $0x9  }
0xb2: {  	_ =	task.clear_ibuf [dreg:s7], $0x6FFFF;
	_ =	strace $0x90000046  }
0xb3: {  	s29 =	simm.s32 $0x9;
	_ =	strace $0x80000048  }
0xb4: {  	_ =	swait.ge [sflag:s29], $0x1  }
0xb5: {  	[sflag:s29] =	ssyncadd.s32 $0xFFFFFFFF  }
0xb6: {  	_ =	strace $0x90000048  }
0xb7: {  	_ =	sfence  }
0xb8: {  	s30 =	sld [smem:$0x0];
	_ =	sdelay $0x2  }
0xb9: {  	s31 =	sshll.u32 s1, $0xD;
	s1 =	sshrl.u32 s1, $0x2  }
0xba: {  	s3 =	sand.u32 $0x4000, s31;
	s1 =	sadd.s32 s1, s30  }
0xbb: {  	s0 =	sor.u32 s3, s0;
	s1 =	sshll.u32 s1, $0x11  }
0xbc: {  	s0 =	sor.u32 s1, s0  }
0xbd: {  	s0 =	sadd.s32 $0x8F2B, s0  }
0xbe: {  	[sflag:s0] =	ssyncadd.remote.s32 $0x1  }
0xbf: {  	_ =	sfence.sel $0xFFFF  }
0xc0: {  	[dreg:$0x0] =	wrdreg $0xFFFFFFFF;
	(pc) =	sbr.abs _section_cstart, $3  }
0xc1: {  	[dreg:$0x1] =	wrdreg $0xFFFFFFFF  }
0xc2: {  	_ =	task.clear_ibuf [dreg:s7], $0x2FFFF;
	_ =	strace $0x9FFFFFFF  }
0xc3: {  	(tm) =	ssettm $0x7FFFFFFF  }
tec
execute0_lowered:
.L_overlay_start_1:
0x0: {  	(tag) =	ssettag $0x1  }
0x1: {  	s4 =	rddreg [dreg:$0x0]  }
0x2: {  	s7 =	rddreg [dreg:$0x1]  }
0x3: {  	s1 =	rddreg [dreg:$0x2]  }
0x4: {  	s0 =	rddreg [dreg:$0x3]  }
0x5: {  	s2 =	simm.s32 $0x0;
	s3 =	srdreg.scid;
	s10 =	simm.s32 $0x3600  }
0x6: {  	s12 =	simm.s32 $0x8000;
	s13 =	simm.s32 $0x2;
	s14 =	simm.s32 $0x2  }
0x7: {  	s15 =	simm.s32 $0x0;
	[smem:$0x7FF] =	sst s2;
	s6 =	sand.u32 $0x1, s3  }
0x8: {  	s3 =	stileid.u32;
	_ =	strace $0x80000047;
	s5 =	ssub.s32 $0x2, s6  }
0x9: {  	s9 =	sshll.u32 s6, $0xC;
	s28 =	sshll.u32 s3, $0xD;
	s30 =	smul.u32 $0x140, s3  }
0xa: {  	s29 =	ssub.s32 $0x8C, s3;
	p0 =	seq.s32 s6, $0x0;
	s11 =	smul.u32 $0xA, s3  }
0xb: {  	s8 =	sshrl.u32 s5, $0x1;
	s4 =	sadd.s32 s4, s9;
	s10 =	simm.s32 @!p0 $0x3C00  }
0xc: {  	s13 =	simm.s32 @!p0 $0x1;
	s8 =	ssub.s32 s5, s8;
	s4 =	sadd.s32 s28, s4  }
0xd: {  	s5 =	sshrl.u32 s29, $0x4;
	s9 =	sshrl.u32 s30, $0x2;
	s31 =	sadd.s32 s10, s7  }
0xe: {  	s10 =	simm.s32 $0x8080;
	s6 =	smax.u32 s8, $0x1;
	s7 =	sadd.s32 s9, s1  }
0xf: {  	v0 =	vimm.f32 $1.000000000e+00;
	v1 =	vimm.f32 $0.0e+00;
	s8 =	sadd.s32 s11, s31;
	s9 =	simm.s32 $0x1;
	s11 =	simm.s32 $0x50  }
.LBB2_1:
0x10: {  	[tilespmem:s2], [sflag:$0x1] =	stream.linear.gather [hbm4b:s4+s2], $0x7D00, $0x38;
	[tilespmem:$0x8378] =	vst v63  }
0x11: {  	_ =	swait.ge [sflag:s9], $0x7D00  }
0x12: {  	[sflag:s9] =	ssyncset.done $0x0  }
0x13: {  	[sflag:s9] =	ssyncadd.s32 $0xFFFF8300  }
0x14: {  	[tilespmem:$0x8000] =	vst v0  }
0x15: {  	[tilespmem:$0x8080] =	vst v1  }
0x16: {  	[tilespmem:$0x8010] =	vst v0  }
0x17: {  	[tilespmem:$0x8090] =	vst v1  }
0x18: {  	[tilespmem:$0x8020] =	vst v0  }
0x19: {  	[tilespmem:$0x80A0] =	vst v1  }
0x1a: {  	[tilespmem:$0x8030] =	vst v0  }
0x1b: {  	p0 =	sne.s32 s5, $0x1;
	[tilespmem:$0x80B0] =	vst v1  }
.Ltmp0:
0x1c: {  	[tilespmem:$0x8040] =	vst v0;
	(pc) =	sbr.rel @!p0 .LBB2_3-.Ltmp0, $4  }
0x1d: {  	[tilespmem:$0x80C0] =	vst v1  }
0x1e: {  	[spmem:s7] =	stream.linear.scatter [tilespmem:s10], [sflag:$0x1], $0x50, $0x38;
	[tilespmem:$0x8378] =	vst v63  }
0x1f: {  	_ =	swait.ge [sflag:s9], $0x50  }
0x20: {  	s16 =	sadd.s32 $0xFFFFFFFF, s5;
	s17 =	smov.u32 s7;
	[sflag:s9] =	ssyncset.done $0x0  }
.LBB2_2:
0x21: {  	p1 =	sne.s32 s16, $0x1;
	[sflag:s9] =	ssyncadd.s32 $0xFFFFFFB0;
	s17 =	sadd.s32 $0x500, s17  }
.Ltmp1:
0x22: {  	s16 =	sadd.s32 $0xFFFFFFFF, s16;
	(pc) =	sbr.rel @p1 .LBB2_2-.Ltmp1, $4  }
0x23: {  	_ = 	snop  }
0x24: {  	[spmem:s17] =	stream.linear.scatter [tilespmem:s10], [sflag:$0x1], $0x50, $0x38;
	[tilespmem:$0x8378] =	vst v63  }
0x25: {  	_ =	swait.ge [sflag:s9], $0x50  }
0x26: {  	[sflag:s9] =	ssyncset.done $0x0  }
.LBB2_3:
0x27: {  	[sflag:s9] =	ssyncadd.s32 $0xFFFFFFB0  }
0x28: {  	s16 =	simm.s32 $0x0;
	[bflag:$0x0] =	sbarrier.arrive $0xFFFF  }
0x29: {  	[spmem:s1] =	stream.indirect.scatter.add.f32 [tilespmem:s12], [sflag:$0x1], $0x1, s16, s11, $0xb8;
	[tilespmem:$0x8378] =	vst v63  }
0x2a: {  	_ =	swait.ge [sflag:s9], $0x50  }
0x2b: {  	s16 =	simm.s32 $0x200;
	[sflag:s9] =	ssyncset.done $0x0  }
.LBB2_4:
0x2c: {  	s17 =	sshra.s32 s16, $0x2;
	[sflag:s9] =	ssyncadd.s32 $0xFFFFFFB0;
	p1 =	sne.s32 s16, $0x1F200  }
0x2d: {  	[spmem:s1] =	stream.indirect.scatter.add.f32 [tilespmem:s12], [sflag:$0x1], $0x1, s17, s11, $0xb8;
	[tilespmem:$0x8378] =	vst v63  }
.Ltmp2:
0x2e: {  	_ = 	snop;
	(pc) =	sbr.rel @p1 .LBB2_4-.Ltmp2, $4  }
0x2f: {  	_ = 	snop  }
0x30: {  	s16 =	sadd.s32 $0x200, s16  }
0x31: {  	_ =	swait.ge [sflag:s9], $0x50  }
0x32: {  	[sflag:s9] =	ssyncset.done $0x0  }
0x33: {  	[sflag:s9] =	ssyncadd.s32 $0xFFFFFFB0  }
0x34: {  	[bflag:$0x0] =	sbarrier.arrive $0xFFFF  }
0x35: {  	[tilespmem:s10], [sflag:$0x2] =	stream.linear.gather [spmem:s7], $0x50, $0x38;
	[tilespmem:$0x8378] =	vst v63  }
0x36: {  	_ =	swait.ge [sflag:s14], $0x50  }
.Ltmp3:
0x37: {  	[sflag:s14] =	ssyncset.done $0x0;
	(pc) =	sbr.rel @!p0 .LBB2_7-.Ltmp3, $4  }
0x38: {  	[sflag:s14] =	ssyncadd.s32 $0xFFFFFFB0  }
0x39: {  	[hbm4b:s8+s2] =	stream.linear.scatter [tilespmem:s10], [sflag:s13], $0x50, $0x38;
	[tilespmem:$0x8378] =	vst v63  }
0x3a: {  	s16 =	sadd.s32 $0xFFFFFFFF, s5;
	_ =	swait.ge [sflag:s13], $0x50  }
0x3b: {  	s17 =	smov.u32 s8;
	s18 =	smov.u32 s7;
	[sflag:s13] =	ssyncset.done $0x0  }
.LBB2_6:
0x3c: {  	[sflag:s13] =	ssyncadd.s32 $0xFFFFFFB0;
	s17 =	sadd.s32 $0xA0, s17;
	s18 =	sadd.s32 $0x500, s18  }
0x3d: {  	[tilespmem:s10], [sflag:$0x2] =	stream.linear.gather [spmem:s18], $0x50, $0x38;
	[tilespmem:$0x8378] =	vst v63  }
0x3e: {  	p0 =	sne.s32 s16, $0x1;
	s16 =	sadd.s32 $0xFFFFFFFF, s16;
	_ =	swait.ge [sflag:s14], $0x50  }
.Ltmp4:
0x3f: {  	[sflag:s14] =	ssyncset.done $0x0;
	(pc) =	sbr.rel @p0 .LBB2_6-.Ltmp4, $4  }
0x40: {  	[sflag:s14] =	ssyncadd.s32 $0xFFFFFFB0  }
0x41: {  	[hbm4b:s17+s2] =	stream.linear.scatter [tilespmem:s10], [sflag:s13], $0x50, $0x38;
	[tilespmem:$0x8378] =	vst v63  }
0x42: {  	_ =	swait.ge [sflag:s13], $0x50  }
0x43: {  	[sflag:s13] =	ssyncset.done $0x0  }
.LBB2_7:
0x44: {  	s15 =	sadd.s32 $0x1, s15  }
0x45: {  	p0 =	sne.s32 s15, s6  }
.Ltmp5:
0x46: {  	_ = 	snop;
	(pc) =	sbr.rel @p0 .LBB2_1-.Ltmp5, $2  }
0x47: {  	_ =	sdelay $0x2  }
0x48: {  	[sflag:s13] =	ssyncadd.s32 $0xFFFFFFB0  }
0x49: {  	_ =	sfence.sel $0x180000  }
0x4a: {  	[bflag:$0x0] =	sbarrier.arrive $0xFFFF  }
0x4b: {  	p0 =	sne.s32 s3, $0x0;
	_ =	strace $0x90000047  }
0x4c: {  	s0 =	sadd.s32 @!p0 $0x100000, s0;
	[bflag:$0x2] =	sbarrier.arrive $0xFFFF  }
0x4d: {  	[sflag:s0] =	ssyncadd.tile.s32 @!p0 $0x1;
	_ =	shalt  }
.Lfunc_end2:
_tile_overlayer_lowered:
.L_overlay_start_2:
0x4e: {  	(tag) =	ssettag $0x2  }
0x4f: {  	s0 =	rddreg [dreg:$0x0];
	s2 =	stileid.u32  }
0x50: {  	s1 =	rddreg [dreg:$0x1];
	p0 =	sne.s32 s2, $0x0  }
0x51: {  	s3 =	rddreg [dreg:$0x2];
	[bflag:$0x3] =	sbarrier.arrive $0xFFFF;
	s2 =	simm.s32 @!p0 $0x1C01  }
0x52: {  	[timem:s3], [sflag:s2] =	dma.local @!p0 [hbm:s0], s1  }
0x53: {  	s0 =	simm.s32 @!p0 $0x1  }
0x54: {  	_ =	swait.ge @!p0 [sflag:s0], s1  }
0x55: {  	s1 =	ssub.s32 @!p0 $0x0, s1;
	[sflag:s0] =	ssyncset.done @!p0 $0x0  }
0x56: {  	[sflag:s0] =	ssyncadd.s32 @!p0 s1  }
0x57: {  	[bflag:$0x3] =	sbarrier.arrive $0xFFFF  }
0x58: {  	_ =	shalt  }

</sc_bundles>
